<compile_context>
chip_gen: v7x
topology: tpu7x:2x2x1
jax: 0.10.2.dev20260603
libtpu: 0.0.44.dev20260713+nightly
codegen_flags: <defaults>
</compile_context>

<pallas_src>
import functools

import jax
import jax.numpy as jnp
from jax import lax
from jax.experimental import pallas as pl
from jax.experimental.pallas import tpu as pltpu
from jax.experimental.pallas import tpu_sc as plsc

KK = 1024
DD = 64
BETA = 0.25
FBIAS = 0x3F800000

NC = 2
NS = 16
NW = NC * NS
LANES = 16
HALF = 512


def _vq_body(ze_ref, e2x_ref, e2_ref, biota_ref, idx_ref, sse_ref):
    zb = ze_ref[0]
    e2x = e2x_ref[...]
    e2 = e2_ref[...]
    biota = biota_ref[...]
    z2 = jnp.sum(zb * zb, axis=0, keepdims=True)
    mm2 = lax.dot_general(e2x, zb, (((1,), (0,)), ((), ())),
                          preferred_element_type=jnp.float32)
    d = (z2 + e2) - mm2
    m = jnp.min(d, axis=0, keepdims=True)
    idxf = jnp.min(jnp.where(d == m, biota, 2.0), axis=0, keepdims=True)
    idx_ref[0] = lax.bitcast_convert_type(idxf, jnp.int32) - FBIAS

    @pl.when((pl.program_id(0) == 0))
    def _():
        sse_ref[0, 0] = 0.0

    sse_ref[0, 0] += jnp.sum(m)


def _vq(ze3, e):
    b = ze3.shape[0]
    hw = ze3.shape[2]
    biota = lax.bitcast_convert_type(
        jnp.broadcast_to(
            (jnp.arange(KK, dtype=jnp.int32) | FBIAS)[:, None], (KK, hw)
        ),
        jnp.float32,
    )
    return pl.pallas_call(
        _vq_body,
        grid=(b,),
        in_specs=[
            pl.BlockSpec((1, DD, hw), lambda i: (i, 0, 0)),
            pl.BlockSpec((KK, DD), lambda i: (0, 0)),
            pl.BlockSpec((KK, 1), lambda i: (0, 0)),
            pl.BlockSpec((KK, hw), lambda i: (0, 0)),
        ],
        out_specs=[
            pl.BlockSpec((1, 1, hw), lambda i: (i, 0, 0)),
            pl.BlockSpec((1, 1), lambda i: (0, 0), memory_space=pltpu.SMEM),
        ],
        out_shape=[
            jax.ShapeDtypeStruct((b, 1, hw), jnp.int32),
            jax.ShapeDtypeStruct((1, 1), jnp.float32),
        ],
    )(ze3, e + e, jnp.sum(e * e, axis=1, keepdims=True), biota)


def _gather_body(etf_hbm, idx_hbm, out_hbm, tab_v, idx_v, slab_v, sem):
    wid = lax.axis_index("s") * NC + lax.axis_index("c")
    pltpu.sync_copy(etf_hbm, tab_v)
    pltpu.sync_copy(idx_hbm.at[wid], idx_v)
    for half in range(2):
        def _group(g, carry):
            idxg = idx_v[pl.ds(half * HALF + g * LANES, LANES)]
            for c in range(DD):
                slab_v[c, pl.ds(g * LANES, LANES)] = plsc.load_gather(
                    tab_v.at[pl.ds(c * KK, KK)], [idxg])
            return carry

        lax.fori_loop(0, HALF // LANES, _group, 0)
        pltpu.sync_copy(slab_v, out_hbm.at[wid, :, pl.ds(half * HALF, HALF)])


def _sc_gather_t(et_flat, idx2d, b, hw):
    mesh = plsc.VectorSubcoreMesh(core_axis_name="c", subcore_axis_name="s")
    fn = pl.kernel(
        _gather_body,
        out_type=jax.ShapeDtypeStruct((b, DD, hw), jnp.float32),
        mesh=mesh,
        scratch_types=[
            pltpu.VMEM((DD * KK,), jnp.float32),
            pltpu.VMEM((hw,), jnp.int32),
            pltpu.VMEM((DD, HALF), jnp.float32),
            pltpu.SemaphoreType.DMA,
        ],
        compiler_params=pltpu.CompilerParams(use_tc_tiling_on_sc=False,
                                             needs_layout_passes=False),
    )
    return fn(et_flat, idx2d)


def kernel(z_e, codebook):
    b, c, h, w = z_e.shape
    hw = h * w
    ze3 = z_e.reshape(b, c, hw)
    idx3, sse = _vq(ze3, codebook)
    et_flat = codebook.T.reshape(c * KK)
    zq3 = _sc_gather_t(et_flat, idx3.reshape(b, hw), b, hw)
    commit = BETA * (sse[0, 0] / jnp.float32(b * c * hw))
    z_q_out = zq3.reshape(b, c, h, w)
    indices_out = idx3.reshape(b, h, w)
    codebook_loss = jnp.zeros(())
    return (z_q_out, codebook_loss, commit, commit, indices_out)

# --- scband reference (transcript-rebuilt; emitter-appended) ---
"""Pipeline reference for scband-vector-quantizer-ema-66623532695732 (READ-ONLY COPY).

The authoritative reference and input builder live on the scoring server;
editing this copy changes nothing except your own understanding.
"""

import jax, jax.numpy as jnp
import numpy as np

K = 1024
D = 64
BETA = 0.25

def setup_inputs(seed: int = 0) -> dict:
    key = jax.random.key(seed)
    k1, k2 = jax.random.split(key)
    z_e = jax.random.normal(k1, (32, 64, 32, 32), dtype=jnp.float32)
    codebook = jax.random.uniform(k2, (K, D), dtype=jnp.float32, minval=-1.0 / K, maxval=1.0 / K)
    return {"z_e": z_e, "codebook": codebook}

def reference(z_e, codebook):
    B, C, H, W = z_e.shape
    z = jnp.transpose(z_e, (0, 2, 3, 1)).reshape(-1, C)
    E = codebook
    z2 = jnp.sum(z * z, axis=1, keepdims=True)
    e2 = jnp.sum(E * E, axis=1, keepdims=True).T
    d = z2 + e2 - 2.0 * (z @ E.T)
    indices = jnp.argmin(d, axis=1)
    z_q = jnp.take(E, indices, axis=0)
    z_q = jnp.transpose(z_q.reshape(B, H, W, C), (0, 3, 1, 2))
    commit = BETA * jnp.mean((jax.lax.stop_gradient(z_q) - z_e) ** 2)
    z_q_out = z_e + jax.lax.stop_gradient(z_q - z_e)
    codebook_loss = jnp.zeros(())
    commitment_loss = commit
    vq_loss = commit
    indices_out = indices.reshape(B, H, W)
    return (z_q_out, codebook_loss, commitment_loss, vq_loss, indices_out)

if __name__ == "__main__":
    import jax
    _d = setup_inputs()
    print(jax.jit(kernel)(*tuple(_d.values())))

</pallas_src>

<mosaic_0001>
#map = affine_map<(d0, d1) -> (0)>
#map1 = affine_map<(d0, d1) -> (0, 0)>
#map2 = affine_map<(d0, d1) -> (0, 0, 0)>
module attributes {stable_mosaic.version = 14 : i64} {
  func.func @_gather_body(%arg0: i32, %arg1: i32, %arg2: memref<65536xf32, #tpu.memory_space<hbm>>, %arg3: memref<32x1024xi32, #tpu.memory_space<hbm>>, %arg4: memref<32x64x1024xf32, #tpu.memory_space<hbm>>, %arg5: memref<65536xf32, #tpu.memory_space<vmem>>, %arg6: memref<1024xi32, #tpu.memory_space<vmem>>, %arg7: memref<64x512xf32, #tpu.memory_space<vmem>>, %arg8: memref<!tpu.dma_semaphore, #tpu.memory_space<semaphore_mem>>) attributes {dimension_semantics = [#tpu.dimension_semantics<core_parallel>, #tpu.dimension_semantics<subcore_parallel>], iteration_bounds = array<i64: 2, 16>, scalar_prefetch = 0 : i64, scratch_operands = 4 : i64, tpu.core_type = #tpu.core_type<sc_vector_subcore>, window_params = [{transform_indices = #map}, {transform_indices = #map1}, {transform_indices = #map2}]} {
    %mul3A = arith.constant 2 : i32
    %mul3A_0 = arith.muli %arg1, %mul3A : i32
    %add3A = arith.addi %mul3A_0, %arg0 : i32
    "tpu.region"() ({
      %run_scoped3A = tpu.sem_alloc : memref<!tpu.dma_semaphore, #tpu.memory_space<semaphore_mem>>
      tpu.enqueue_dma source(%arg2 : memref<65536xf32, #tpu.memory_space<hbm>>) target(%arg5 : memref<65536xf32, #tpu.memory_space<vmem>>) target_semaphore(%run_scoped3A : memref<!tpu.dma_semaphore, #tpu.memory_space<semaphore_mem>>)
      tpu.wait_dma2 semaphore(%run_scoped3A : memref<!tpu.dma_semaphore, #tpu.memory_space<semaphore_mem>>) src(%arg2 : memref<65536xf32, #tpu.memory_space<hbm>>) dst(%arg5 : memref<65536xf32, #tpu.memory_space<vmem>>)
      tpu.yield
    }) : () -> ()
    "tpu.region"() ({
      %run_scoped3A = tpu.sem_alloc : memref<!tpu.dma_semaphore, #tpu.memory_space<semaphore_mem>>
      %dma_start3A = arith.constant 0 : i32
      %dma_start3A_12 = tpu.memref_slice %arg3[%add3A, %dma_start3A] : memref<32x1024xi32, #tpu.memory_space<hbm>> -> memref<1x1024xi32, #tpu.memory_space<hbm>>
      %dma_start3A_13 = tpu.memref_squeeze %dma_start3A_12 : memref<1x1024xi32, #tpu.memory_space<hbm>> -> memref<1024xi32, #tpu.memory_space<hbm>>
      %dma_start3A_14 = arith.constant 0 : i32
      %dma_start3A_15 = tpu.memref_slice %arg3[%add3A, %dma_start3A_14] : memref<32x1024xi32, #tpu.memory_space<hbm>> -> memref<1x1024xi32, #tpu.memory_space<hbm>>
      %dma_start3A_16 = tpu.memref_squeeze %dma_start3A_15 : memref<1x1024xi32, #tpu.memory_space<hbm>> -> memref<1024xi32, #tpu.memory_space<hbm>>
      tpu.enqueue_dma source(%dma_start3A_16 : memref<1024xi32, #tpu.memory_space<hbm>>) target(%arg6 : memref<1024xi32, #tpu.memory_space<vmem>>) target_semaphore(%run_scoped3A : memref<!tpu.dma_semaphore, #tpu.memory_space<semaphore_mem>>)
      %dma_wait3A = arith.constant 0 : i32
      %dma_wait3A_17 = tpu.memref_slice %arg3[%add3A, %dma_wait3A] : memref<32x1024xi32, #tpu.memory_space<hbm>> -> memref<1x1024xi32, #tpu.memory_space<hbm>>
      %dma_wait3A_18 = tpu.memref_squeeze %dma_wait3A_17 : memref<1x1024xi32, #tpu.memory_space<hbm>> -> memref<1024xi32, #tpu.memory_space<hbm>>
      %dma_wait3A_19 = arith.constant 0 : i32
      %dma_wait3A_20 = tpu.memref_slice %arg3[%add3A, %dma_wait3A_19] : memref<32x1024xi32, #tpu.memory_space<hbm>> -> memref<1x1024xi32, #tpu.memory_space<hbm>>
      %dma_wait3A_21 = tpu.memref_squeeze %dma_wait3A_20 : memref<1x1024xi32, #tpu.memory_space<hbm>> -> memref<1024xi32, #tpu.memory_space<hbm>>
      tpu.wait_dma2 semaphore(%run_scoped3A : memref<!tpu.dma_semaphore, #tpu.memory_space<semaphore_mem>>) src(%dma_wait3A_21 : memref<1024xi32, #tpu.memory_space<hbm>>) dst(%arg6 : memref<1024xi32, #tpu.memory_space<vmem>>)
      tpu.yield
    }) : () -> ()
    %scan3A = arith.constant 0 : i32
    %scan3A_1 = arith.constant 0 : i32
    %scan3A_2 = arith.constant 32 : i32
    %scan3A_3 = arith.addi %scan3A_1, %scan3A_2 : i32
    %scan3A_4 = arith.constant 1 : i32
    scf.for %scan3A_12 = %scan3A_1 to %scan3A_3 step %scan3A_4  : i32 {
      %mul3A_13 = arith.constant 16 : i32
      %mul3A_14 = arith.muli %scan3A_12, %mul3A_13 : i32
      %add3A_15 = arith.constant 0 : i32
      %add3A_16 = arith.addi %add3A_15, %mul3A_14 : i32
      %get3A = arith.index_cast %add3A_16 : i32 to index
      %get3A_17 = tpu.vector_load %arg6[%get3A] {strides = array<i32>} : memref<1024xi32, #tpu.memory_space<vmem>>, vector<16xi32>,
      %gather3A = arith.constant 0 : i32
      %gather3A_18 = tpu.memref_slice %arg5[%gather3A] : memref<65536xf32, #tpu.memory_space<vmem>> -> memref<1024xf32, #tpu.memory_space<vmem>>
      %gather3A_19 = tpu.vector_load_idx %gather3A_18[%get3A_17] : memref<1024xf32, #tpu.memory_space<vmem>>[vector<16xi32>], vector<16xf32>,
      %mul3A_20 = arith.constant 16 : i32
      %mul3A_21 = arith.muli %scan3A_12, %mul3A_20 : i32
      %swap3A = arith.constant 0 : i32
      %swap3A_22 = arith.index_cast %swap3A : i32 to index
      %swap3A_23 = arith.index_cast %mul3A_21 : i32 to index
      %swap3A_24 = tpu.vector_load %arg7[%swap3A_22, %swap3A_23] {strides = array<i32>} : memref<64x512xf32, #tpu.memory_space<vmem>>, vector<16xf32>,
      tpu.vector_store %arg7[%swap3A_22, %swap3A_23], %gather3A_19 {strides = array<i32>} : memref<64x512xf32, #tpu.memory_space<vmem>>, vector<16xf32>,
      %gather3A_25 = arith.constant 1024 : i32
      %gather3A_26 = tpu.memref_slice %arg5[%gather3A_25] : memref<65536xf32, #tpu.memory_space<vmem>> -> memref<1024xf32, #tpu.memory_space<vmem>>
      %gather3A_27 = tpu.vector_load_idx %gather3A_26[%get3A_17] : memref<1024xf32, #tpu.memory_space<vmem>>[vector<16xi32>], vector<16xf32>,
      %mul3A_28 = arith.constant 16 : i32
      %mul3A_29 = arith.muli %scan3A_12, %mul3A_28 : i32
      %swap3A_30 = arith.constant 1 : i32
      %swap3A_31 = arith.index_cast %swap3A_30 : i32 to index
      %swap3A_32 = arith.index_cast %mul3A_29 : i32 to index
      %swap3A_33 = tpu.vector_load %arg7[%swap3A_31, %swap3A_32] {strides = array<i32>} : memref<64x512xf32, #tpu.memory_space<vmem>>, vector<16xf32>,
      tpu.vector_store %arg7[%swap3A_31, %swap3A_32], %gather3A_27 {strides = array<i32>} : memref<64x512xf32, #tpu.memory_space<vmem>>, vector<16xf32>,
      %gather3A_34 = arith.constant 2048 : i32
      %gather3A_35 = tpu.memref_slice %arg5[%gather3A_34] : memref<65536xf32, #tpu.memory_space<vmem>> -> memref<1024xf32, #tpu.memory_space<vmem>>
      %gather3A_36 = tpu.vector_load_idx %gather3A_35[%get3A_17] : memref<1024xf32, #tpu.memory_space<vmem>>[vector<16xi32>], vector<16xf32>,
      %mul3A_37 = arith.constant 16 : i32
      %mul3A_38 = arith.muli %scan3A_12, %mul3A_37 : i32
      %swap3A_39 = arith.constant 2 : i32
      %swap3A_40 = arith.index_cast %swap3A_39 : i32 to index
      %swap3A_41 = arith.index_cast %mul3A_38 : i32 to index
      %swap3A_42 = tpu.vector_load %arg7[%swap3A_40, %swap3A_41] {strides = array<i32>} : memref<64x512xf32, #tpu.memory_space<vmem>>, vector<16xf32>,
      tpu.vector_store %arg7[%swap3A_40, %swap3A_41], %gather3A_36 {strides = array<i32>} : memref<64x512xf32, #tpu.memory_space<vmem>>, vector<16xf32>,
      %gather3A_43 = arith.constant 3072 : i32
      %gather3A_44 = tpu.memref_slice %arg5[%gather3A_43] : memref<65536xf32, #tpu.memory_space<vmem>> -> memref<1024xf32, #tpu.memory_space<vmem>>
      %gather3A_45 = tpu.vector_load_idx %gather3A_44[%get3A_17] : memref<1024xf32, #tpu.memory_space<vmem>>[vector<16xi32>], vector<16xf32>,
      %mul3A_46 = arith.constant 16 : i32
      %mul3A_47 = arith.muli %scan3A_12, %mul3A_46 : i32
      %swap3A_48 = arith.constant 3 : i32
      %swap3A_49 = arith.index_cast %swap3A_48 : i32 to index
      %swap3A_50 = arith.index_cast %mul3A_47 : i32 to index
      %swap3A_51 = tpu.vector_load %arg7[%swap3A_49, %swap3A_50] {strides = array<i32>} : memref<64x512xf32, #tpu.memory_space<vmem>>, vector<16xf32>,
      tpu.vector_store %arg7[%swap3A_49, %swap3A_50], %gather3A_45 {strides = array<i32>} : memref<64x512xf32, #tpu.memory_space<vmem>>, vector<16xf32>,
      %gather3A_52 = arith.constant 4096 : i32
      %gather3A_53 = tpu.memref_slice %arg5[%gather3A_52] : memref<65536xf32, #tpu.memory_space<vmem>> -> memref<1024xf32, #tpu.memory_space<vmem>>
      %gather3A_54 = tpu.vector_load_idx %gather3A_53[%get3A_17] : memref<1024xf32, #tpu.memory_space<vmem>>[vector<16xi32>], vector<16xf32>,
      %mul3A_55 = arith.constant 16 : i32
      %mul3A_56 = arith.muli %scan3A_12, %mul3A_55 : i32
      %swap3A_57 = arith.constant 4 : i32
      %swap3A_58 = arith.index_cast %swap3A_57 : i32 to index
      %swap3A_59 = arith.index_cast %mul3A_56 : i32 to index
      %swap3A_60 = tpu.vector_load %arg7[%swap3A_58, %swap3A_59] {strides = array<i32>} : memref<64x512xf32, #tpu.memory_space<vmem>>, vector<16xf32>,
      tpu.vector_store %arg7[%swap3A_58, %swap3A_59], %gather3A_54 {strides = array<i32>} : memref<64x512xf32, #tpu.memory_space<vmem>>, vector<16xf32>,
      %gather3A_61 = arith.constant 5120 : i32
      %gather3A_62 = tpu.memref_slice %arg5[%gather3A_61] : memref<65536xf32, #tpu.memory_space<vmem>> -> memref<1024xf32, #tpu.memory_space<vmem>>
      %gather3A_63 = tpu.vector_load_idx %gather3A_62[%get3A_17] : memref<1024xf32, #tpu.memory_space<vmem>>[vector<16xi32>], vector<16xf32>,
      %mul3A_64 = arith.constant 16 : i32
      %mul3A_65 = arith.muli %scan3A_12, %mul3A_64 : i32
      %swap3A_66 = arith.constant 5 : i32
      %swap3A_67 = arith.index_cast %swap3A_66 : i32 to index
      %swap3A_68 = arith.index_cast %mul3A_65 : i32 to index
      %swap3A_69 = tpu.vector_load %arg7[%swap3A_67, %swap3A_68] {strides = array<i32>} : memref<64x512xf32, #tpu.memory_space<vmem>>, vector<16xf32>,
      tpu.vector_store %arg7[%swap3A_67, %swap3A_68], %gather3A_63 {strides = array<i32>} : memref<64x512xf32, #tpu.memory_space<vmem>>, vector<16xf32>,
      %gather3A_70 = arith.constant 6144 : i32
      %gather3A_71 = tpu.memref_slice %arg5[%gather3A_70] : memref<65536xf32, #tpu.memory_space<vmem>> -> memref<1024xf32, #tpu.memory_space<vmem>>
      %gather3A_72 = tpu.vector_load_idx %gather3A_71[%get3A_17] : memref<1024xf32, #tpu.memory_space<vmem>>[vector<16xi32>], vector<16xf32>,
      %mul3A_73 = arith.constant 16 : i32
      %mul3A_74 = arith.muli %scan3A_12, %mul3A_73 : i32
      %swap3A_75 = arith.constant 6 : i32
      %swap3A_76 = arith.index_cast %swap3A_75 : i32 to index
      %swap3A_77 = arith.index_cast %mul3A_74 : i32 to index
      %swap3A_78 = tpu.vector_load %arg7[%swap3A_76, %swap3A_77] {strides = array<i32>} : memref<64x512xf32, #tpu.memory_space<vmem>>, vector<16xf32>,
      tpu.vector_store %arg7[%swap3A_76, %swap3A_77], %gather3A_72 {strides = array<i32>} : memref<64x512xf32, #tpu.memory_space<vmem>>, vector<16xf32>,
      %gather3A_79 = arith.constant 7168 : i32
      %gather3A_80 = tpu.memref_slice %arg5[%gather3A_79] : memref<65536xf32, #tpu.memory_space<vmem>> -> memref<1024xf32, #tpu.memory_space<vmem>>
      %gather3A_81 = tpu.vector_load_idx %gather3A_80[%get3A_17] : memref<1024xf32, #tpu.memory_space<vmem>>[vector<16xi32>], vector<16xf32>,
      %mul3A_82 = arith.constant 16 : i32
      %mul3A_83 = arith.muli %scan3A_12, %mul3A_82 : i32
      %swap3A_84 = arith.constant 7 : i32
      %swap3A_85 = arith.index_cast %swap3A_84 : i32 to index
      %swap3A_86 = arith.index_cast %mul3A_83 : i32 to index
      %swap3A_87 = tpu.vector_load %arg7[%swap3A_85, %swap3A_86] {strides = array<i32>} : memref<64x512xf32, #tpu.memory_space<vmem>>, vector<16xf32>,
      tpu.vector_store %arg7[%swap3A_85, %swap3A_86], %gather3A_81 {strides = array<i32>} : memref<64x512xf32, #tpu.memory_space<vmem>>, vector<16xf32>,
      %gather3A_88 = arith.constant 8192 : i32
      %gather3A_89 = tpu.memref_slice %arg5[%gather3A_88] : memref<65536xf32, #tpu.memory_space<vmem>> -> memref<1024xf32, #tpu.memory_space<vmem>>
      %gather3A_90 = tpu.vector_load_idx %gather3A_89[%get3A_17] : memref<1024xf32, #tpu.memory_space<vmem>>[vector<16xi32>], vector<16xf32>,
      %mul3A_91 = arith.constant 16 : i32
      %mul3A_92 = arith.muli %scan3A_12, %mul3A_91 : i32
      %swap3A_93 = arith.constant 8 : i32
      %swap3A_94 = arith.index_cast %swap3A_93 : i32 to index
      %swap3A_95 = arith.index_cast %mul3A_92 : i32 to index
      %swap3A_96 = tpu.vector_load %arg7[%swap3A_94, %swap3A_95] {strides = array<i32>} : memref<64x512xf32, #tpu.memory_space<vmem>>, vector<16xf32>,
      tpu.vector_store %arg7[%swap3A_94, %swap3A_95], %gather3A_90 {strides = array<i32>} : memref<64x512xf32, #tpu.memory_space<vmem>>, vector<16xf32>,
      %gather3A_97 = arith.constant 9216 : i32
      %gather3A_98 = tpu.memref_slice %arg5[%gather3A_97] : memref<65536xf32, #tpu.memory_space<vmem>> -> memref<1024xf32, #tpu.memory_space<vmem>>
      %gather3A_99 = tpu.vector_load_idx %gather3A_98[%get3A_17] : memref<1024xf32, #tpu.memory_space<vmem>>[vector<16xi32>], vector<16xf32>,
      %mul3A_100 = arith.constant 16 : i32
      %mul3A_101 = arith.muli %scan3A_12, %mul3A_100 : i32
      %swap3A_102 = arith.constant 9 : i32
      %swap3A_103 = arith.index_cast %swap3A_102 : i32 to index
      %swap3A_104 = arith.index_cast %mul3A_101 : i32 to index
      %swap3A_105 = tpu.vector_load %arg7[%swap3A_103, %swap3A_104] {strides = array<i32>} : memref<64x512xf32, #tpu.memory_space<vmem>>, vector<16xf32>,
      tpu.vector_store %arg7[%swap3A_103, %swap3A_104], %gather3A_99 {strides = array<i32>} : memref<64x512xf32, #tpu.memory_space<vmem>>, vector<16xf32>,
      %gather3A_106 = arith.constant 10240 : i32
      %gather3A_107 = tpu.memref_slice %arg5[%gather3A_106] : memref<65536xf32, #tpu.memory_space<vmem>> -> memref<1024xf32, #tpu.memory_space<vmem>>
      %gather3A_108 = tpu.vector_load_idx %gather3A_107[%get3A_17] : memref<1024xf32, #tpu.memory_space<vmem>>[vector<16xi32>], vector<16xf32>,
      %mul3A_109 = arith.constant 16 : i32
      %mul3A_110 = arith.muli %scan3A_12, %mul3A_109 : i32
      %swap3A_111 = arith.constant 10 : i32
      %swap3A_112 = arith.index_cast %swap3A_111 : i32 to index
      %swap3A_113 = arith.index_cast %mul3A_110 : i32 to index
      %swap3A_114 = tpu.vector_load %arg7[%swap3A_112, %swap3A_113] {strides = array<i32>} : memref<64x512xf32, #tpu.memory_space<vmem>>, vector<16xf32>,
      tpu.vector_store %arg7[%swap3A_112, %swap3A_113], %gather3A_108 {strides = array<i32>} : memref<64x512xf32, #tpu.memory_space<vmem>>, vector<16xf32>,
      %gather3A_115 = arith.constant 11264 : i32
      %gather3A_116 = tpu.memref_slice %arg5[%gather3A_115] : memref<65536xf32, #tpu.memory_space<vmem>> -> memref<1024xf32, #tpu.memory_space<vmem>>
      %gather3A_117 = tpu.vector_load_idx %gather3A_116[%get3A_17] : memref<1024xf32, #tpu.memory_space<vmem>>[vector<16xi32>], vector<16xf32>,
      %mul3A_118 = arith.constant 16 : i32
      %mul3A_119 = arith.muli %scan3A_12, %mul3A_118 : i32
      %swap3A_120 = arith.constant 11 : i32
      %swap3A_121 = arith.index_cast %swap3A_120 : i32 to index
      %swap3A_122 = arith.index_cast %mul3A_119 : i32 to index
      %swap3A_123 = tpu.vector_load %arg7[%swap3A_121, %swap3A_122] {strides = array<i32>} : memref<64x512xf32, #tpu.memory_space<vmem>>, vector<16xf32>,
      tpu.vector_store %arg7[%swap3A_121, %swap3A_122], %gather3A_117 {strides = array<i32>} : memref<64x512xf32, #tpu.memory_space<vmem>>, vector<16xf32>,
      %gather3A_124 = arith.constant 12288 : i32
      %gather3A_125 = tpu.memref_slice %arg5[%gather3A_124] : memref<65536xf32, #tpu.memory_space<vmem>> -> memref<1024xf32, #tpu.memory_space<vmem>>
      %gather3A_126 = tpu.vector_load_idx %gather3A_125[%get3A_17] : memref<1024xf32, #tpu.memory_space<vmem>>[vector<16xi32>], vector<16xf32>,
      %mul3A_127 = arith.constant 16 : i32
      %mul3A_128 = arith.muli %scan3A_12, %mul3A_127 : i32
      %swap3A_129 = arith.constant 12 : i32
      %swap3A_130 = arith.index_cast %swap3A_129 : i32 to index
      %swap3A_131 = arith.index_cast %mul3A_128 : i32 to index
      %swap3A_132 = tpu.vector_load %arg7[%swap3A_130, %swap3A_131] {strides = array<i32>} : memref<64x512xf32, #tpu.memory_space<vmem>>, vector<16xf32>,
      tpu.vector_store %arg7[%swap3A_130, %swap3A_131], %gather3A_126 {strides = array<i32>} : memref<64x512xf32, #tpu.memory_space<vmem>>, vector<16xf32>,
      %gather3A_133 = arith.constant 13312 : i32
      %gather3A_134 = tpu.memref_slice %arg5[%gather3A_133] : memref<65536xf32, #tpu.memory_space<vmem>> -> memref<1024xf32, #tpu.memory_space<vmem>>
      %gather3A_135 = tpu.vector_load_idx %gather3A_134[%get3A_17] : memref<1024xf32, #tpu.memory_space<vmem>>[vector<16xi32>], vector<16xf32>,
      %mul3A_136 = arith.constant 16 : i32
      %mul3A_137 = arith.muli %scan3A_12, %mul3A_136 : i32
      %swap3A_138 = arith.constant 13 : i32
      %swap3A_139 = arith.index_cast %swap3A_138 : i32 to index
      %swap3A_140 = arith.index_cast %mul3A_137 : i32 to index
      %swap3A_141 = tpu.vector_load %arg7[%swap3A_139, %swap3A_140] {strides = array<i32>} : memref<64x512xf32, #tpu.memory_space<vmem>>, vector<16xf32>,
      tpu.vector_store %arg7[%swap3A_139, %swap3A_140], %gather3A_135 {strides = array<i32>} : memref<64x512xf32, #tpu.memory_space<vmem>>, vector<16xf32>,
      %gather3A_142 = arith.constant 14336 : i32
      %gather3A_143 = tpu.memref_slice %arg5[%gather3A_142] : memref<65536xf32, #tpu.memory_space<vmem>> -> memref<1024xf32, #tpu.memory_space<vmem>>
      %gather3A_144 = tpu.vector_load_idx %gather3A_143[%get3A_17] : memref<1024xf32, #tpu.memory_space<vmem>>[vector<16xi32>], vector<16xf32>,
      %mul3A_145 = arith.constant 16 : i32
      %mul3A_146 = arith.muli %scan3A_12, %mul3A_145 : i32
      %swap3A_147 = arith.constant 14 : i32
      %swap3A_148 = arith.index_cast %swap3A_147 : i32 to index
      %swap3A_149 = arith.index_cast %mul3A_146 : i32 to index
      %swap3A_150 = tpu.vector_load %arg7[%swap3A_148, %swap3A_149] {strides = array<i32>} : memref<64x512xf32, #tpu.memory_space<vmem>>, vector<16xf32>,
      tpu.vector_store %arg7[%swap3A_148, %swap3A_149], %gather3A_144 {strides = array<i32>} : memref<64x512xf32, #tpu.memory_space<vmem>>, vector<16xf32>,
      %gather3A_151 = arith.constant 15360 : i32
      %gather3A_152 = tpu.memref_slice %arg5[%gather3A_151] : memref<65536xf32, #tpu.memory_space<vmem>> -> memref<1024xf32, #tpu.memory_space<vmem>>
      %gather3A_153 = tpu.vector_load_idx %gather3A_152[%get3A_17] : memref<1024xf32, #tpu.memory_space<vmem>>[vector<16xi32>], vector<16xf32>,
      %mul3A_154 = arith.constant 16 : i32
      %mul3A_155 = arith.muli %scan3A_12, %mul3A_154 : i32
      %swap3A_156 = arith.constant 15 : i32
      %swap3A_157 = arith.index_cast %swap3A_156 : i32 to index
      %swap3A_158 = arith.index_cast %mul3A_155 : i32 to index
      %swap3A_159 = tpu.vector_load %arg7[%swap3A_157, %swap3A_158] {strides = array<i32>} : memref<64x512xf32, #tpu.memory_space<vmem>>, vector<16xf32>,
      tpu.vector_store %arg7[%swap3A_157, %swap3A_158], %gather3A_153 {strides = array<i32>} : memref<64x512xf32, #tpu.memory_space<vmem>>, vector<16xf32>,
      %gather3A_160 = arith.constant 16384 : i32
      %gather3A_161 = tpu.memref_slice %arg5[%gather3A_160] : memref<65536xf32, #tpu.memory_space<vmem>> -> memref<1024xf32, #tpu.memory_space<vmem>>
      %gather3A_162 = tpu.vector_load_idx %gather3A_161[%get3A_17] : memref<1024xf32, #tpu.memory_space<vmem>>[vector<16xi32>], vector<16xf32>,
      %mul3A_163 = arith.constant 16 : i32
      %mul3A_164 = arith.muli %scan3A_12, %mul3A_163 : i32
      %swap3A_165 = arith.constant 16 : i32
      %swap3A_166 = arith.index_cast %swap3A_165 : i32 to index
      %swap3A_167 = arith.index_cast %mul3A_164 : i32 to index
      %swap3A_168 = tpu.vector_load %arg7[%swap3A_166, %swap3A_167] {strides = array<i32>} : memref<64x512xf32, #tpu.memory_space<vmem>>, vector<16xf32>,
      tpu.vector_store %arg7[%swap3A_166, %swap3A_167], %gather3A_162 {strides = array<i32>} : memref<64x512xf32, #tpu.memory_space<vmem>>, vector<16xf32>,
      %gather3A_169 = arith.constant 17408 : i32
      %gather3A_170 = tpu.memref_slice %arg5[%gather3A_169] : memref<65536xf32, #tpu.memory_space<vmem>> -> memref<1024xf32, #tpu.memory_space<vmem>>
      %gather3A_171 = tpu.vector_load_idx %gather3A_170[%get3A_17] : memref<1024xf32, #tpu.memory_space<vmem>>[vector<16xi32>], vector<16xf32>,
      %mul3A_172 = arith.constant 16 : i32
      %mul3A_173 = arith.muli %scan3A_12, %mul3A_172 : i32
      %swap3A_174 = arith.constant 17 : i32
      %swap3A_175 = arith.index_cast %swap3A_174 : i32 to index
      %swap3A_176 = arith.index_cast %mul3A_173 : i32 to index
      %swap3A_177 = tpu.vector_load %arg7[%swap3A_175, %swap3A_176] {strides = array<i32>} : memref<64x512xf32, #tpu.memory_space<vmem>>, vector<16xf32>,
      tpu.vector_store %arg7[%swap3A_175, %swap3A_176], %gather3A_171 {strides = array<i32>} : memref<64x512xf32, #tpu.memory_space<vmem>>, vector<16xf32>,
      %gather3A_178 = arith.constant 18432 : i32
      %gather3A_179 = tpu.memref_slice %arg5[%gather3A_178] : memref<65536xf32, #tpu.memory_space<vmem>> -> memref<1024xf32, #tpu.memory_space<vmem>>
      %gather3A_180 = tpu.vector_load_idx %gather3A_179[%get3A_17] : memref<1024xf32, #tpu.memory_space<vmem>>[vector<16xi32>], vector<16xf32>,
      %mul3A_181 = arith.constant 16 : i32
      %mul3A_182 = arith.muli %scan3A_12, %mul3A_181 : i32
      %swap3A_183 = arith.constant 18 : i32
      %swap3A_184 = arith.index_cast %swap3A_183 : i32 to index
      %swap3A_185 = arith.index_cast %mul3A_182 : i32 to index
      %swap3A_186 = tpu.vector_load %arg7[%swap3A_184, %swap3A_185] {strides = array<i32>} : memref<64x512xf32, #tpu.memory_space<vmem>>, vector<16xf32>,
      tpu.vector_store %arg7[%swap3A_184, %swap3A_185], %gather3A_180 {strides = array<i32>} : memref<64x512xf32, #tpu.memory_space<vmem>>, vector<16xf32>,
      %gather3A_187 = arith.constant 19456 : i32
      %gather3A_188 = tpu.memref_slice %arg5[%gather3A_187] : memref<65536xf32, #tpu.memory_space<vmem>> -> memref<1024xf32, #tpu.memory_space<vmem>>
      %gather3A_189 = tpu.vector_load_idx %gather3A_188[%get3A_17] : memref<1024xf32, #tpu.memory_space<vmem>>[vector<16xi32>], vector<16xf32>,
      %mul3A_190 = arith.constant 16 : i32
      %mul3A_191 = arith.muli %scan3A_12, %mul3A_190 : i32
      %swap3A_192 = arith.constant 19 : i32
      %swap3A_193 = arith.index_cast %swap3A_192 : i32 to index
      %swap3A_194 = arith.index_cast %mul3A_191 : i32 to index
      %swap3A_195 = tpu.vector_load %arg7[%swap3A_193, %swap3A_194] {strides = array<i32>} : memref<64x512xf32, #tpu.memory_space<vmem>>, vector<16xf32>,
      tpu.vector_store %arg7[%swap3A_193, %swap3A_194], %gather3A_189 {strides = array<i32>} : memref<64x512xf32, #tpu.memory_space<vmem>>, vector<16xf32>,
      %gather3A_196 = arith.constant 20480 : i32
      %gather3A_197 = tpu.memref_slice %arg5[%gather3A_196] : memref<65536xf32, #tpu.memory_space<vmem>> -> memref<1024xf32, #tpu.memory_space<vmem>>
      %gather3A_198 = tpu.vector_load_idx %gather3A_197[%get3A_17] : memref<1024xf32, #tpu.memory_space<vmem>>[vector<16xi32>], vector<16xf32>,
      %mul3A_199 = arith.constant 16 : i32
      %mul3A_200 = arith.muli %scan3A_12, %mul3A_199 : i32
      %swap3A_201 = arith.constant 20 : i32
      %swap3A_202 = arith.index_cast %swap3A_201 : i32 to index
      %swap3A_203 = arith.index_cast %mul3A_200 : i32 to index
      %swap3A_204 = tpu.vector_load %arg7[%swap3A_202, %swap3A_203] {strides = array<i32>} : memref<64x512xf32, #tpu.memory_space<vmem>>, vector<16xf32>,
      tpu.vector_store %arg7[%swap3A_202, %swap3A_203], %gather3A_198 {strides = array<i32>} : memref<64x512xf32, #tpu.memory_space<vmem>>, vector<16xf32>,
      %gather3A_205 = arith.constant 21504 : i32
      %gather3A_206 = tpu.memref_slice %arg5[%gather3A_205] : memref<65536xf32, #tpu.memory_space<vmem>> -> memref<1024xf32, #tpu.memory_space<vmem>>
      %gather3A_207 = tpu.vector_load_idx %gather3A_206[%get3A_17] : memref<1024xf32, #tpu.memory_space<vmem>>[vector<16xi32>], vector<16xf32>,
      %mul3A_208 = arith.constant 16 : i32
      %mul3A_209 = arith.muli %scan3A_12, %mul3A_208 : i32
      %swap3A_210 = arith.constant 21 : i32
      %swap3A_211 = arith.index_cast %swap3A_210 : i32 to index
      %swap3A_212 = arith.index_cast %mul3A_209 : i32 to index
      %swap3A_213 = tpu.vector_load %arg7[%swap3A_211, %swap3A_212] {strides = array<i32>} : memref<64x512xf32, #tpu.memory_space<vmem>>, vector<16xf32>,
      tpu.vector_store %arg7[%swap3A_211, %swap3A_212], %gather3A_207 {strides = array<i32>} : memref<64x512xf32, #tpu.memory_space<vmem>>, vector<16xf32>,
      %gather3A_214 = arith.constant 22528 : i32
      %gather3A_215 = tpu.memref_slice %arg5[%gather3A_214] : memref<65536xf32, #tpu.memory_space<vmem>> -> memref<1024xf32, #tpu.memory_space<vmem>>
      %gather3A_216 = tpu.vector_load_idx %gather3A_215[%get3A_17] : memref<1024xf32, #tpu.memory_space<vmem>>[vector<16xi32>], vector<16xf32>,
      %mul3A_217 = arith.constant 16 : i32
      %mul3A_218 = arith.muli %scan3A_12, %mul3A_217 : i32
      %swap3A_219 = arith.constant 22 : i32
      %swap3A_220 = arith.index_cast %swap3A_219 : i32 to index
      %swap3A_221 = arith.index_cast %mul3A_218 : i32 to index
      %swap3A_222 = tpu.vector_load %arg7[%swap3A_220, %swap3A_221] {strides = array<i32>} : memref<64x512xf32, #tpu.memory_space<vmem>>, vector<16xf32>,
      tpu.vector_store %arg7[%swap3A_220, %swap3A_221], %gather3A_216 {strides = array<i32>} : memref<64x512xf32, #tpu.memory_space<vmem>>, vector<16xf32>,
      %gather3A_223 = arith.constant 23552 : i32
      %gather3A_224 = tpu.memref_slice %arg5[%gather3A_223] : memref<65536xf32, #tpu.memory_space<vmem>> -> memref<1024xf32, #tpu.memory_space<vmem>>
      %gather3A_225 = tpu.vector_load_idx %gather3A_224[%get3A_17] : memref<1024xf32, #tpu.memory_space<vmem>>[vector<16xi32>], vector<16xf32>,
      %mul3A_226 = arith.constant 16 : i32
      %mul3A_227 = arith.muli %scan3A_12, %mul3A_226 : i32
      %swap3A_228 = arith.constant 23 : i32
      %swap3A_229 = arith.index_cast %swap3A_228 : i32 to index
      %swap3A_230 = arith.index_cast %mul3A_227 : i32 to index
      %swap3A_231 = tpu.vector_load %arg7[%swap3A_229, %swap3A_230] {strides = array<i32>} : memref<64x512xf32, #tpu.memory_space<vmem>>, vector<16xf32>,
      tpu.vector_store %arg7[%swap3A_229, %swap3A_230], %gather3A_225 {strides = array<i32>} : memref<64x512xf32, #tpu.memory_space<vmem>>, vector<16xf32>,
      %gather3A_232 = arith.constant 24576 : i32
      %gather3A_233 = tpu.memref_slice %arg5[%gather3A_232] : memref<65536xf32, #tpu.memory_space<vmem>> -> memref<1024xf32, #tpu.memory_space<vmem>>
      %gather3A_234 = tpu.vector_load_idx %gather3A_233[%get3A_17] : memref<1024xf32, #tpu.memory_space<vmem>>[vector<16xi32>], vector<16xf32>,
      %mul3A_235 = arith.constant 16 : i32
      %mul3A_236 = arith.muli %scan3A_12, %mul3A_235 : i32
      %swap3A_237 = arith.constant 24 : i32
      %swap3A_238 = arith.index_cast %swap3A_237 : i32 to index
      %swap3A_239 = arith.index_cast %mul3A_236 : i32 to index
      %swap3A_240 = tpu.vector_load %arg7[%swap3A_238, %swap3A_239] {strides = array<i32>} : memref<64x512xf32, #tpu.memory_space<vmem>>, vector<16xf32>,
      tpu.vector_store %arg7[%swap3A_238, %swap3A_239], %gather3A_234 {strides = array<i32>} : memref<64x512xf32, #tpu.memory_space<vmem>>, vector<16xf32>,
      %gather3A_241 = arith.constant 25600 : i32
      %gather3A_242 = tpu.memref_slice %arg5[%gather3A_241] : memref<65536xf32, #tpu.memory_space<vmem>> -> memref<1024xf32, #tpu.memory_space<vmem>>
      %gather3A_243 = tpu.vector_load_idx %gather3A_242[%get3A_17] : memref<1024xf32, #tpu.memory_space<vmem>>[vector<16xi32>], vector<16xf32>,
      %mul3A_244 = arith.constant 16 : i32
      %mul3A_245 = arith.muli %scan3A_12, %mul3A_244 : i32
      %swap3A_246 = arith.constant 25 : i32
      %swap3A_247 = arith.index_cast %swap3A_246 : i32 to index
      %swap3A_248 = arith.index_cast %mul3A_245 : i32 to index
      %swap3A_249 = tpu.vector_load %arg7[%swap3A_247, %swap3A_248] {strides = array<i32>} : memref<64x512xf32, #tpu.memory_space<vmem>>, vector<16xf32>,
      tpu.vector_store %arg7[%swap3A_247, %swap3A_248], %gather3A_243 {strides = array<i32>} : memref<64x512xf32, #tpu.memory_space<vmem>>, vector<16xf32>,
      %gather3A_250 = arith.constant 26624 : i32
      %gather3A_251 = tpu.memref_slice %arg5[%gather3A_250] : memref<65536xf32, #tpu.memory_space<vmem>> -> memref<1024xf32, #tpu.memory_space<vmem>>
      %gather3A_252 = tpu.vector_load_idx %gather3A_251[%get3A_17] : memref<1024xf32, #tpu.memory_space<vmem>>[vector<16xi32>], vector<16xf32>,
      %mul3A_253 = arith.constant 16 : i32
      %mul3A_254 = arith.muli %scan3A_12, %mul3A_253 : i32
      %swap3A_255 = arith.constant 26 : i32
      %swap3A_256 = arith.index_cast %swap3A_255 : i32 to index
      %swap3A_257 = arith.index_cast %mul3A_254 : i32 to index
      %swap3A_258 = tpu.vector_load %arg7[%swap3A_256, %swap3A_257] {strides = array<i32>} : memref<64x512xf32, #tpu.memory_space<vmem>>, vector<16xf32>,
      tpu.vector_store %arg7[%swap3A_256, %swap3A_257], %gather3A_252 {strides = array<i32>} : memref<64x512xf32, #tpu.memory_space<vmem>>, vector<16xf32>,
      %gather3A_259 = arith.constant 27648 : i32
      %gather3A_260 = tpu.memref_slice %arg5[%gather3A_259] : memref<65536xf32, #tpu.memory_space<vmem>> -> memref<1024xf32, #tpu.memory_space<vmem>>
      %gather3A_261 = tpu.vector_load_idx %gather3A_260[%get3A_17] : memref<1024xf32, #tpu.memory_space<vmem>>[vector<16xi32>], vector<16xf32>,
      %mul3A_262 = arith.constant 16 : i32
      %mul3A_263 = arith.muli %scan3A_12, %mul3A_262 : i32
      %swap3A_264 = arith.constant 27 : i32
      %swap3A_265 = arith.index_cast %swap3A_264 : i32 to index
      %swap3A_266 = arith.index_cast %mul3A_263 : i32 to index
      %swap3A_267 = tpu.vector_load %arg7[%swap3A_265, %swap3A_266] {strides = array<i32>} : memref<64x512xf32, #tpu.memory_space<vmem>>, vector<16xf32>,
      tpu.vector_store %arg7[%swap3A_265, %swap3A_266], %gather3A_261 {strides = array<i32>} : memref<64x512xf32, #tpu.memory_space<vmem>>, vector<16xf32>,
      %gather3A_268 = arith.constant 28672 : i32
      %gather3A_269 = tpu.memref_slice %arg5[%gather3A_268] : memref<65536xf32, #tpu.memory_space<vmem>> -> memref<1024xf32, #tpu.memory_space<vmem>>
      %gather3A_270 = tpu.vector_load_idx %gather3A_269[%get3A_17] : memref<1024xf32, #tpu.memory_space<vmem>>[vector<16xi32>], vector<16xf32>,
      %mul3A_271 = arith.constant 16 : i32
      %mul3A_272 = arith.muli %scan3A_12, %mul3A_271 : i32
      %swap3A_273 = arith.constant 28 : i32
      %swap3A_274 = arith.index_cast %swap3A_273 : i32 to index
      %swap3A_275 = arith.index_cast %mul3A_272 : i32 to index
      %swap3A_276 = tpu.vector_load %arg7[%swap3A_274, %swap3A_275] {strides = array<i32>} : memref<64x512xf32, #tpu.memory_space<vmem>>, vector<16xf32>,
      tpu.vector_store %arg7[%swap3A_274, %swap3A_275], %gather3A_270 {strides = array<i32>} : memref<64x512xf32, #tpu.memory_space<vmem>>, vector<16xf32>,
      %gather3A_277 = arith.constant 29696 : i32
      %gather3A_278 = tpu.memref_slice %arg5[%gather3A_277] : memref<65536xf32, #tpu.memory_space<vmem>> -> memref<1024xf32, #tpu.memory_space<vmem>>
      %gather3A_279 = tpu.vector_load_idx %gather3A_278[%get3A_17] : memref<1024xf32, #tpu.memory_space<vmem>>[vector<16xi32>], vector<16xf32>,
      %mul3A_280 = arith.constant 16 : i32
      %mul3A_281 = arith.muli %scan3A_12, %mul3A_280 : i32
      %swap3A_282 = arith.constant 29 : i32
      %swap3A_283 = arith.index_cast %swap3A_282 : i32 to index
      %swap3A_284 = arith.index_cast %mul3A_281 : i32 to index
      %swap3A_285 = tpu.vector_load %arg7[%swap3A_283, %swap3A_284] {strides = array<i32>} : memref<64x512xf32, #tpu.memory_space<vmem>>, vector<16xf32>,
      tpu.vector_store %arg7[%swap3A_283, %swap3A_284], %gather3A_279 {strides = array<i32>} : memref<64x512xf32, #tpu.memory_space<vmem>>, vector<16xf32>,
      %gather3A_286 = arith.constant 30720 : i32
      %gather3A_287 = tpu.memref_slice %arg5[%gather3A_286] : memref<65536xf32, #tpu.memory_space<vmem>> -> memref<1024xf32, #tpu.memory_space<vmem>>
      %gather3A_288 = tpu.vector_load_idx %gather3A_287[%get3A_17] : memref<1024xf32, #tpu.memory_space<vmem>>[vector<16xi32>], vector<16xf32>,
      %mul3A_289 = arith.constant 16 : i32
      %mul3A_290 = arith.muli %scan3A_12, %mul3A_289 : i32
      %swap3A_291 = arith.constant 30 : i32
      %swap3A_292 = arith.index_cast %swap3A_291 : i32 to index
      %swap3A_293 = arith.index_cast %mul3A_290 : i32 to index
      %swap3A_294 = tpu.vector_load %arg7[%swap3A_292, %swap3A_293] {strides = array<i32>} : memref<64x512xf32, #tpu.memory_space<vmem>>, vector<16xf32>,
      tpu.vector_store %arg7[%swap3A_292, %swap3A_293], %gather3A_288 {strides = array<i32>} : memref<64x512xf32, #tpu.memory_space<vmem>>, vector<16xf32>,
      %gather3A_295 = arith.constant 31744 : i32
      %gather3A_296 = tpu.memref_slice %arg5[%gather3A_295] : memref<65536xf32, #tpu.memory_space<vmem>> -> memref<1024xf32, #tpu.memory_space<vmem>>
      %gather3A_297 = tpu.vector_load_idx %gather3A_296[%get3A_17] : memref<1024xf32, #tpu.memory_space<vmem>>[vector<16xi32>], vector<16xf32>,
      %mul3A_298 = arith.constant 16 : i32
      %mul3A_299 = arith.muli %scan3A_12, %mul3A_298 : i32
      %swap3A_300 = arith.constant 31 : i32
      %swap3A_301 = arith.index_cast %swap3A_300 : i32 to index
      %swap3A_302 = arith.index_cast %mul3A_299 : i32 to index
      %swap3A_303 = tpu.vector_load %arg7[%swap3A_301, %swap3A_302] {strides = array<i32>} : memref<64x512xf32, #tpu.memory_space<vmem>>, vector<16xf32>,
      tpu.vector_store %arg7[%swap3A_301, %swap3A_302], %gather3A_297 {strides = array<i32>} : memref<64x512xf32, #tpu.memory_space<vmem>>, vector<16xf32>,
      %gather3A_304 = arith.constant 32768 : i32
      %gather3A_305 = tpu.memref_slice %arg5[%gather3A_304] : memref<65536xf32, #tpu.memory_space<vmem>> -> memref<1024xf32, #tpu.memory_space<vmem>>
      %gather3A_306 = tpu.vector_load_idx %gather3A_305[%get3A_17] : memref<1024xf32, #tpu.memory_space<vmem>>[vector<16xi32>], vector<16xf32>,
      %mul3A_307 = arith.constant 16 : i32
      %mul3A_308 = arith.muli %scan3A_12, %mul3A_307 : i32
      %swap3A_309 = arith.constant 32 : i32
      %swap3A_310 = arith.index_cast %swap3A_309 : i32 to index
      %swap3A_311 = arith.index_cast %mul3A_308 : i32 to index
      %swap3A_312 = tpu.vector_load %arg7[%swap3A_310, %swap3A_311] {strides = array<i32>} : memref<64x512xf32, #tpu.memory_space<vmem>>, vector<16xf32>,
      tpu.vector_store %arg7[%swap3A_310, %swap3A_311], %gather3A_306 {strides = array<i32>} : memref<64x512xf32, #tpu.memory_space<vmem>>, vector<16xf32>,
      %gather3A_313 = arith.constant 33792 : i32
      %gather3A_314 = tpu.memref_slice %arg5[%gather3A_313] : memref<65536xf32, #tpu.memory_space<vmem>> -> memref<1024xf32, #tpu.memory_space<vmem>>
      %gather3A_315 = tpu.vector_load_idx %gather3A_314[%get3A_17] : memref<1024xf32, #tpu.memory_space<vmem>>[vector<16xi32>], vector<16xf32>,
      %mul3A_316 = arith.constant 16 : i32
      %mul3A_317 = arith.muli %scan3A_12, %mul3A_316 : i32
      %swap3A_318 = arith.constant 33 : i32
      %swap3A_319 = arith.index_cast %swap3A_318 : i32 to index
      %swap3A_320 = arith.index_cast %mul3A_317 : i32 to index
      %swap3A_321 = tpu.vector_load %arg7[%swap3A_319, %swap3A_320] {strides = array<i32>} : memref<64x512xf32, #tpu.memory_space<vmem>>, vector<16xf32>,
      tpu.vector_store %arg7[%swap3A_319, %swap3A_320], %gather3A_315 {strides = array<i32>} : memref<64x512xf32, #tpu.memory_space<vmem>>, vector<16xf32>,
      %gather3A_322 = arith.constant 34816 : i32
      %gather3A_323 = tpu.memref_slice %arg5[%gather3A_322] : memref<65536xf32, #tpu.memory_space<vmem>> -> memref<1024xf32, #tpu.memory_space<vmem>>
      %gather3A_324 = tpu.vector_load_idx %gather3A_323[%get3A_17] : memref<1024xf32, #tpu.memory_space<vmem>>[vector<16xi32>], vector<16xf32>,
      %mul3A_325 = arith.constant 16 : i32
      %mul3A_326 = arith.muli %scan3A_12, %mul3A_325 : i32
      %swap3A_327 = arith.constant 34 : i32
      %swap3A_328 = arith.index_cast %swap3A_327 : i32 to index
      %swap3A_329 = arith.index_cast %mul3A_326 : i32 to index
      %swap3A_330 = tpu.vector_load %arg7[%swap3A_328, %swap3A_329] {strides = array<i32>} : memref<64x512xf32, #tpu.memory_space<vmem>>, vector<16xf32>,
      tpu.vector_store %arg7[%swap3A_328, %swap3A_329], %gather3A_324 {strides = array<i32>} : memref<64x512xf32, #tpu.memory_space<vmem>>, vector<16xf32>,
      %gather3A_331 = arith.constant 35840 : i32
      %gather3A_332 = tpu.memref_slice %arg5[%gather3A_331] : memref<65536xf32, #tpu.memory_space<vmem>> -> memref<1024xf32, #tpu.memory_space<vmem>>
      %gather3A_333 = tpu.vector_load_idx %gather3A_332[%get3A_17] : memref<1024xf32, #tpu.memory_space<vmem>>[vector<16xi32>], vector<16xf32>,
      %mul3A_334 = arith.constant 16 : i32
      %mul3A_335 = arith.muli %scan3A_12, %mul3A_334 : i32
      %swap3A_336 = arith.constant 35 : i32
      %swap3A_337 = arith.index_cast %swap3A_336 : i32 to index
      %swap3A_338 = arith.index_cast %mul3A_335 : i32 to index
      %swap3A_339 = tpu.vector_load %arg7[%swap3A_337, %swap3A_338] {strides = array<i32>} : memref<64x512xf32, #tpu.memory_space<vmem>>, vector<16xf32>,
      tpu.vector_store %arg7[%swap3A_337, %swap3A_338], %gather3A_333 {strides = array<i32>} : memref<64x512xf32, #tpu.memory_space<vmem>>, vector<16xf32>,
      %gather3A_340 = arith.constant 36864 : i32
      %gather3A_341 = tpu.memref_slice %arg5[%gather3A_340] : memref<65536xf32, #tpu.memory_space<vmem>> -> memref<1024xf32, #tpu.memory_space<vmem>>
      %gather3A_342 = tpu.vector_load_idx %gather3A_341[%get3A_17] : memref<1024xf32, #tpu.memory_space<vmem>>[vector<16xi32>], vector<16xf32>,
      %mul3A_343 = arith.constant 16 : i32
      %mul3A_344 = arith.muli %scan3A_12, %mul3A_343 : i32
      %swap3A_345 = arith.constant 36 : i32
      %swap3A_346 = arith.index_cast %swap3A_345 : i32 to index
      %swap3A_347 = arith.index_cast %mul3A_344 : i32 to index
      %swap3A_348 = tpu.vector_load %arg7[%swap3A_346, %swap3A_347] {strides = array<i32>} : memref<64x512xf32, #tpu.memory_space<vmem>>, vector<16xf32>,
      tpu.vector_store %arg7[%swap3A_346, %swap3A_347], %gather3A_342 {strides = array<i32>} : memref<64x512xf32, #tpu.memory_space<vmem>>, vector<16xf32>,
      %gather3A_349 = arith.constant 37888 : i32
      %gather3A_350 = tpu.memref_slice %arg5[%gather3A_349] : memref<65536xf32, #tpu.memory_space<vmem>> -> memref<1024xf32, #tpu.memory_space<vmem>>
      %gather3A_351 = tpu.vector_load_idx %gather3A_350[%get3A_17] : memref<1024xf32, #tpu.memory_space<vmem>>[vector<16xi32>], vector<16xf32>,
      %mul3A_352 = arith.constant 16 : i32
      %mul3A_353 = arith.muli %scan3A_12, %mul3A_352 : i32
      %swap3A_354 = arith.constant 37 : i32
      %swap3A_355 = arith.index_cast %swap3A_354 : i32 to index
      %swap3A_356 = arith.index_cast %mul3A_353 : i32 to index
      %swap3A_357 = tpu.vector_load %arg7[%swap3A_355, %swap3A_356] {strides = array<i32>} : memref<64x512xf32, #tpu.memory_space<vmem>>, vector<16xf32>,
      tpu.vector_store %arg7[%swap3A_355, %swap3A_356], %gather3A_351 {strides = array<i32>} : memref<64x512xf32, #tpu.memory_space<vmem>>, vector<16xf32>,
      %gather3A_358 = arith.constant 38912 : i32
      %gather3A_359 = tpu.memref_slice %arg5[%gather3A_358] : memref<65536xf32, #tpu.memory_space<vmem>> -> memref<1024xf32, #tpu.memory_space<vmem>>
      %gather3A_360 = tpu.vector_load_idx %gather3A_359[%get3A_17] : memref<1024xf32, #tpu.memory_space<vmem>>[vector<16xi32>], vector<16xf32>,
      %mul3A_361 = arith.constant 16 : i32
      %mul3A_362 = arith.muli %scan3A_12, %mul3A_361 : i32
      %swap3A_363 = arith.constant 38 : i32
      %swap3A_364 = arith.index_cast %swap3A_363 : i32 to index
      %swap3A_365 = arith.index_cast %mul3A_362 : i32 to index
      %swap3A_366 = tpu.vector_load %arg7[%swap3A_364, %swap3A_365] {strides = array<i32>} : memref<64x512xf32, #tpu.memory_space<vmem>>, vector<16xf32>,
      tpu.vector_store %arg7[%swap3A_364, %swap3A_365], %gather3A_360 {strides = array<i32>} : memref<64x512xf32, #tpu.memory_space<vmem>>, vector<16xf32>,
      %gather3A_367 = arith.constant 39936 : i32
      %gather3A_368 = tpu.memref_slice %arg5[%gather3A_367] : memref<65536xf32, #tpu.memory_space<vmem>> -> memref<1024xf32, #tpu.memory_space<vmem>>
      %gather3A_369 = tpu.vector_load_idx %gather3A_368[%get3A_17] : memref<1024xf32, #tpu.memory_space<vmem>>[vector<16xi32>], vector<16xf32>,
      %mul3A_370 = arith.constant 16 : i32
      %mul3A_371 = arith.muli %scan3A_12, %mul3A_370 : i32
      %swap3A_372 = arith.constant 39 : i32
      %swap3A_373 = arith.index_cast %swap3A_372 : i32 to index
      %swap3A_374 = arith.index_cast %mul3A_371 : i32 to index
      %swap3A_375 = tpu.vector_load %arg7[%swap3A_373, %swap3A_374] {strides = array<i32>} : memref<64x512xf32, #tpu.memory_space<vmem>>, vector<16xf32>,
      tpu.vector_store %arg7[%swap3A_373, %swap3A_374], %gather3A_369 {strides = array<i32>} : memref<64x512xf32, #tpu.memory_space<vmem>>, vector<16xf32>,
      %gather3A_376 = arith.constant 40960 : i32
      %gather3A_377 = tpu.memref_slice %arg5[%gather3A_376] : memref<65536xf32, #tpu.memory_space<vmem>> -> memref<1024xf32, #tpu.memory_space<vmem>>
      %gather3A_378 = tpu.vector_load_idx %gather3A_377[%get3A_17] : memref<1024xf32, #tpu.memory_space<vmem>>[vector<16xi32>], vector<16xf32>,
      %mul3A_379 = arith.constant 16 : i32
      %mul3A_380 = arith.muli %scan3A_12, %mul3A_379 : i32
      %swap3A_381 = arith.constant 40 : i32
      %swap3A_382 = arith.index_cast %swap3A_381 : i32 to index
      %swap3A_383 = arith.index_cast %mul3A_380 : i32 to index
      %swap3A_384 = tpu.vector_load %arg7[%swap3A_382, %swap3A_383] {strides = array<i32>} : memref<64x512xf32, #tpu.memory_space<vmem>>, vector<16xf32>,
      tpu.vector_store %arg7[%swap3A_382, %swap3A_383], %gather3A_378 {strides = array<i32>} : memref<64x512xf32, #tpu.memory_space<vmem>>, vector<16xf32>,
      %gather3A_385 = arith.constant 41984 : i32
      %gather3A_386 = tpu.memref_slice %arg5[%gather3A_385] : memref<65536xf32, #tpu.memory_space<vmem>> -> memref<1024xf32, #tpu.memory_space<vmem>>
      %gather3A_387 = tpu.vector_load_idx %gather3A_386[%get3A_17] : memref<1024xf32, #tpu.memory_space<vmem>>[vector<16xi32>], vector<16xf32>,
      %mul3A_388 = arith.constant 16 : i32
      %mul3A_389 = arith.muli %scan3A_12, %mul3A_388 : i32
      %swap3A_390 = arith.constant 41 : i32
      %swap3A_391 = arith.index_cast %swap3A_390 : i32 to index
      %swap3A_392 = arith.index_cast %mul3A_389 : i32 to index
      %swap3A_393 = tpu.vector_load %arg7[%swap3A_391, %swap3A_392] {strides = array<i32>} : memref<64x512xf32, #tpu.memory_space<vmem>>, vector<16xf32>,
      tpu.vector_store %arg7[%swap3A_391, %swap3A_392], %gather3A_387 {strides = array<i32>} : memref<64x512xf32, #tpu.memory_space<vmem>>, vector<16xf32>,
      %gather3A_394 = arith.constant 43008 : i32
      %gather3A_395 = tpu.memref_slice %arg5[%gather3A_394] : memref<65536xf32, #tpu.memory_space<vmem>> -> memref<1024xf32, #tpu.memory_space<vmem>>
      %gather3A_396 = tpu.vector_load_idx %gather3A_395[%get3A_17] : memref<1024xf32, #tpu.memory_space<vmem>>[vector<16xi32>], vector<16xf32>,
      %mul3A_397 = arith.constant 16 : i32
      %mul3A_398 = arith.muli %scan3A_12, %mul3A_397 : i32
      %swap3A_399 = arith.constant 42 : i32
      %swap3A_400 = arith.index_cast %swap3A_399 : i32 to index
      %swap3A_401 = arith.index_cast %mul3A_398 : i32 to index
      %swap3A_402 = tpu.vector_load %arg7[%swap3A_400, %swap3A_401] {strides = array<i32>} : memref<64x512xf32, #tpu.memory_space<vmem>>, vector<16xf32>,
      tpu.vector_store %arg7[%swap3A_400, %swap3A_401], %gather3A_396 {strides = array<i32>} : memref<64x512xf32, #tpu.memory_space<vmem>>, vector<16xf32>,
      %gather3A_403 = arith.constant 44032 : i32
      %gather3A_404 = tpu.memref_slice %arg5[%gather3A_403] : memref<65536xf32, #tpu.memory_space<vmem>> -> memref<1024xf32, #tpu.memory_space<vmem>>
      %gather3A_405 = tpu.vector_load_idx %gather3A_404[%get3A_17] : memref<1024xf32, #tpu.memory_space<vmem>>[vector<16xi32>], vector<16xf32>,
      %mul3A_406 = arith.constant 16 : i32
      %mul3A_407 = arith.muli %scan3A_12, %mul3A_406 : i32
      %swap3A_408 = arith.constant 43 : i32
      %swap3A_409 = arith.index_cast %swap3A_408 : i32 to index
      %swap3A_410 = arith.index_cast %mul3A_407 : i32 to index
      %swap3A_411 = tpu.vector_load %arg7[%swap3A_409, %swap3A_410] {strides = array<i32>} : memref<64x512xf32, #tpu.memory_space<vmem>>, vector<16xf32>,
      tpu.vector_store %arg7[%swap3A_409, %swap3A_410], %gather3A_405 {strides = array<i32>} : memref<64x512xf32, #tpu.memory_space<vmem>>, vector<16xf32>,
      %gather3A_412 = arith.constant 45056 : i32
      %gather3A_413 = tpu.memref_slice %arg5[%gather3A_412] : memref<65536xf32, #tpu.memory_space<vmem>> -> memref<1024xf32, #tpu.memory_space<vmem>>
      %gather3A_414 = tpu.vector_load_idx %gather3A_413[%get3A_17] : memref<1024xf32, #tpu.memory_space<vmem>>[vector<16xi32>], vector<16xf32>,
      %mul3A_415 = arith.constant 16 : i32
      %mul3A_416 = arith.muli %scan3A_12, %mul3A_415 : i32
      %swap3A_417 = arith.constant 44 : i32
      %swap3A_418 = arith.index_cast %swap3A_417 : i32 to index
      %swap3A_419 = arith.index_cast %mul3A_416 : i32 to index
      %swap3A_420 = tpu.vector_load %arg7[%swap3A_418, %swap3A_419] {strides = array<i32>} : memref<64x512xf32, #tpu.memory_space<vmem>>, vector<16xf32>,
      tpu.vector_store %arg7[%swap3A_418, %swap3A_419], %gather3A_414 {strides = array<i32>} : memref<64x512xf32, #tpu.memory_space<vmem>>, vector<16xf32>,
      %gather3A_421 = arith.constant 46080 : i32
      %gather3A_422 = tpu.memref_slice %arg5[%gather3A_421] : memref<65536xf32, #tpu.memory_space<vmem>> -> memref<1024xf32, #tpu.memory_space<vmem>>
      %gather3A_423 = tpu.vector_load_idx %gather3A_422[%get3A_17] : memref<1024xf32, #tpu.memory_space<vmem>>[vector<16xi32>], vector<16xf32>,
      %mul3A_424 = arith.constant 16 : i32
      %mul3A_425 = arith.muli %scan3A_12, %mul3A_424 : i32
      %swap3A_426 = arith.constant 45 : i32
      %swap3A_427 = arith.index_cast %swap3A_426 : i32 to index
      %swap3A_428 = arith.index_cast %mul3A_425 : i32 to index
      %swap3A_429 = tpu.vector_load %arg7[%swap3A_427, %swap3A_428] {strides = array<i32>} : memref<64x512xf32, #tpu.memory_space<vmem>>, vector<16xf32>,
      tpu.vector_store %arg7[%swap3A_427, %swap3A_428], %gather3A_423 {strides = array<i32>} : memref<64x512xf32, #tpu.memory_space<vmem>>, vector<16xf32>,
      %gather3A_430 = arith.constant 47104 : i32
      %gather3A_431 = tpu.memref_slice %arg5[%gather3A_430] : memref<65536xf32, #tpu.memory_space<vmem>> -> memref<1024xf32, #tpu.memory_space<vmem>>
      %gather3A_432 = tpu.vector_load_idx %gather3A_431[%get3A_17] : memref<1024xf32, #tpu.memory_space<vmem>>[vector<16xi32>], vector<16xf32>,
      %mul3A_433 = arith.constant 16 : i32
      %mul3A_434 = arith.muli %scan3A_12, %mul3A_433 : i32
      %swap3A_435 = arith.constant 46 : i32
      %swap3A_436 = arith.index_cast %swap3A_435 : i32 to index
      %swap3A_437 = arith.index_cast %mul3A_434 : i32 to index
      %swap3A_438 = tpu.vector_load %arg7[%swap3A_436, %swap3A_437] {strides = array<i32>} : memref<64x512xf32, #tpu.memory_space<vmem>>, vector<16xf32>,
      tpu.vector_store %arg7[%swap3A_436, %swap3A_437], %gather3A_432 {strides = array<i32>} : memref<64x512xf32, #tpu.memory_space<vmem>>, vector<16xf32>,
      %gather3A_439 = arith.constant 48128 : i32
      %gather3A_440 = tpu.memref_slice %arg5[%gather3A_439] : memref<65536xf32, #tpu.memory_space<vmem>> -> memref<1024xf32, #tpu.memory_space<vmem>>
      %gather3A_441 = tpu.vector_load_idx %gather3A_440[%get3A_17] : memref<1024xf32, #tpu.memory_space<vmem>>[vector<16xi32>], vector<16xf32>,
      %mul3A_442 = arith.constant 16 : i32
      %mul3A_443 = arith.muli %scan3A_12, %mul3A_442 : i32
      %swap3A_444 = arith.constant 47 : i32
      %swap3A_445 = arith.index_cast %swap3A_444 : i32 to index
      %swap3A_446 = arith.index_cast %mul3A_443 : i32 to index
      %swap3A_447 = tpu.vector_load %arg7[%swap3A_445, %swap3A_446] {strides = array<i32>} : memref<64x512xf32, #tpu.memory_space<vmem>>, vector<16xf32>,
      tpu.vector_store %arg7[%swap3A_445, %swap3A_446], %gather3A_441 {strides = array<i32>} : memref<64x512xf32, #tpu.memory_space<vmem>>, vector<16xf32>,
      %gather3A_448 = arith.constant 49152 : i32
      %gather3A_449 = tpu.memref_slice %arg5[%gather3A_448] : memref<65536xf32, #tpu.memory_space<vmem>> -> memref<1024xf32, #tpu.memory_space<vmem>>
      %gather3A_450 = tpu.vector_load_idx %gather3A_449[%get3A_17] : memref<1024xf32, #tpu.memory_space<vmem>>[vector<16xi32>], vector<16xf32>,
      %mul3A_451 = arith.constant 16 : i32
      %mul3A_452 = arith.muli %scan3A_12, %mul3A_451 : i32
      %swap3A_453 = arith.constant 48 : i32
      %swap3A_454 = arith.index_cast %swap3A_453 : i32 to index
      %swap3A_455 = arith.index_cast %mul3A_452 : i32 to index
      %swap3A_456 = tpu.vector_load %arg7[%swap3A_454, %swap3A_455] {strides = array<i32>} : memref<64x512xf32, #tpu.memory_space<vmem>>, vector<16xf32>,
      tpu.vector_store %arg7[%swap3A_454, %swap3A_455], %gather3A_450 {strides = array<i32>} : memref<64x512xf32, #tpu.memory_space<vmem>>, vector<16xf32>,
      %gather3A_457 = arith.constant 50176 : i32
      %gather3A_458 = tpu.memref_slice %arg5[%gather3A_457] : memref<65536xf32, #tpu.memory_space<vmem>> -> memref<1024xf32, #tpu.memory_space<vmem>>
      %gather3A_459 = tpu.vector_load_idx %gather3A_458[%get3A_17] : memref<1024xf32, #tpu.memory_space<vmem>>[vector<16xi32>], vector<16xf32>,
      %mul3A_460 = arith.constant 16 : i32
      %mul3A_461 = arith.muli %scan3A_12, %mul3A_460 : i32
      %swap3A_462 = arith.constant 49 : i32
      %swap3A_463 = arith.index_cast %swap3A_462 : i32 to index
      %swap3A_464 = arith.index_cast %mul3A_461 : i32 to index
      %swap3A_465 = tpu.vector_load %arg7[%swap3A_463, %swap3A_464] {strides = array<i32>} : memref<64x512xf32, #tpu.memory_space<vmem>>, vector<16xf32>,
      tpu.vector_store %arg7[%swap3A_463, %swap3A_464], %gather3A_459 {strides = array<i32>} : memref<64x512xf32, #tpu.memory_space<vmem>>, vector<16xf32>,
      %gather3A_466 = arith.constant 51200 : i32
      %gather3A_467 = tpu.memref_slice %arg5[%gather3A_466] : memref<65536xf32, #tpu.memory_space<vmem>> -> memref<1024xf32, #tpu.memory_space<vmem>>
      %gather3A_468 = tpu.vector_load_idx %gather3A_467[%get3A_17] : memref<1024xf32, #tpu.memory_space<vmem>>[vector<16xi32>], vector<16xf32>,
      %mul3A_469 = arith.constant 16 : i32
      %mul3A_470 = arith.muli %scan3A_12, %mul3A_469 : i32
      %swap3A_471 = arith.constant 50 : i32
      %swap3A_472 = arith.index_cast %swap3A_471 : i32 to index
      %swap3A_473 = arith.index_cast %mul3A_470 : i32 to index
      %swap3A_474 = tpu.vector_load %arg7[%swap3A_472, %swap3A_473] {strides = array<i32>} : memref<64x512xf32, #tpu.memory_space<vmem>>, vector<16xf32>,
      tpu.vector_store %arg7[%swap3A_472, %swap3A_473], %gather3A_468 {strides = array<i32>} : memref<64x512xf32, #tpu.memory_space<vmem>>, vector<16xf32>,
      %gather3A_475 = arith.constant 52224 : i32
      %gather3A_476 = tpu.memref_slice %arg5[%gather3A_475] : memref<65536xf32, #tpu.memory_space<vmem>> -> memref<1024xf32, #tpu.memory_space<vmem>>
      %gather3A_477 = tpu.vector_load_idx %gather3A_476[%get3A_17] : memref<1024xf32, #tpu.memory_space<vmem>>[vector<16xi32>], vector<16xf32>,
      %mul3A_478 = arith.constant 16 : i32
      %mul3A_479 = arith.muli %scan3A_12, %mul3A_478 : i32
      %swap3A_480 = arith.constant 51 : i32
      %swap3A_481 = arith.index_cast %swap3A_480 : i32 to index
      %swap3A_482 = arith.index_cast %mul3A_479 : i32 to index
      %swap3A_483 = tpu.vector_load %arg7[%swap3A_481, %swap3A_482] {strides = array<i32>} : memref<64x512xf32, #tpu.memory_space<vmem>>, vector<16xf32>,
      tpu.vector_store %arg7[%swap3A_481, %swap3A_482], %gather3A_477 {strides = array<i32>} : memref<64x512xf32, #tpu.memory_space<vmem>>, vector<16xf32>,
      %gather3A_484 = arith.constant 53248 : i32
      %gather3A_485 = tpu.memref_slice %arg5[%gather3A_484] : memref<65536xf32, #tpu.memory_space<vmem>> -> memref<1024xf32, #tpu.memory_space<vmem>>
      %gather3A_486 = tpu.vector_load_idx %gather3A_485[%get3A_17] : memref<1024xf32, #tpu.memory_space<vmem>>[vector<16xi32>], vector<16xf32>,
      %mul3A_487 = arith.constant 16 : i32
      %mul3A_488 = arith.muli %scan3A_12, %mul3A_487 : i32
      %swap3A_489 = arith.constant 52 : i32
      %swap3A_490 = arith.index_cast %swap3A_489 : i32 to index
      %swap3A_491 = arith.index_cast %mul3A_488 : i32 to index
      %swap3A_492 = tpu.vector_load %arg7[%swap3A_490, %swap3A_491] {strides = array<i32>} : memref<64x512xf32, #tpu.memory_space<vmem>>, vector<16xf32>,
      tpu.vector_store %arg7[%swap3A_490, %swap3A_491], %gather3A_486 {strides = array<i32>} : memref<64x512xf32, #tpu.memory_space<vmem>>, vector<16xf32>,
      %gather3A_493 = arith.constant 54272 : i32
      %gather3A_494 = tpu.memref_slice %arg5[%gather3A_493] : memref<65536xf32, #tpu.memory_space<vmem>> -> memref<1024xf32, #tpu.memory_space<vmem>>
      %gather3A_495 = tpu.vector_load_idx %gather3A_494[%get3A_17] : memref<1024xf32, #tpu.memory_space<vmem>>[vector<16xi32>], vector<16xf32>,
      %mul3A_496 = arith.constant 16 : i32
      %mul3A_497 = arith.muli %scan3A_12, %mul3A_496 : i32
      %swap3A_498 = arith.constant 53 : i32
      %swap3A_499 = arith.index_cast %swap3A_498 : i32 to index
      %swap3A_500 = arith.index_cast %mul3A_497 : i32 to index
      %swap3A_501 = tpu.vector_load %arg7[%swap3A_499, %swap3A_500] {strides = array<i32>} : memref<64x512xf32, #tpu.memory_space<vmem>>, vector<16xf32>,
      tpu.vector_store %arg7[%swap3A_499, %swap3A_500], %gather3A_495 {strides = array<i32>} : memref<64x512xf32, #tpu.memory_space<vmem>>, vector<16xf32>,
      %gather3A_502 = arith.constant 55296 : i32
      %gather3A_503 = tpu.memref_slice %arg5[%gather3A_502] : memref<65536xf32, #tpu.memory_space<vmem>> -> memref<1024xf32, #tpu.memory_space<vmem>>
      %gather3A_504 = tpu.vector_load_idx %gather3A_503[%get3A_17] : memref<1024xf32, #tpu.memory_space<vmem>>[vector<16xi32>], vector<16xf32>,
      %mul3A_505 = arith.constant 16 : i32
      %mul3A_506 = arith.muli %scan3A_12, %mul3A_505 : i32
      %swap3A_507 = arith.constant 54 : i32
      %swap3A_508 = arith.index_cast %swap3A_507 : i32 to index
      %swap3A_509 = arith.index_cast %mul3A_506 : i32 to index
      %swap3A_510 = tpu.vector_load %arg7[%swap3A_508, %swap3A_509] {strides = array<i32>} : memref<64x512xf32, #tpu.memory_space<vmem>>, vector<16xf32>,
      tpu.vector_store %arg7[%swap3A_508, %swap3A_509], %gather3A_504 {strides = array<i32>} : memref<64x512xf32, #tpu.memory_space<vmem>>, vector<16xf32>,
      %gather3A_511 = arith.constant 56320 : i32
      %gather3A_512 = tpu.memref_slice %arg5[%gather3A_511] : memref<65536xf32, #tpu.memory_space<vmem>> -> memref<1024xf32, #tpu.memory_space<vmem>>
      %gather3A_513 = tpu.vector_load_idx %gather3A_512[%get3A_17] : memref<1024xf32, #tpu.memory_space<vmem>>[vector<16xi32>], vector<16xf32>,
      %mul3A_514 = arith.constant 16 : i32
      %mul3A_515 = arith.muli %scan3A_12, %mul3A_514 : i32
      %swap3A_516 = arith.constant 55 : i32
      %swap3A_517 = arith.index_cast %swap3A_516 : i32 to index
      %swap3A_518 = arith.index_cast %mul3A_515 : i32 to index
      %swap3A_519 = tpu.vector_load %arg7[%swap3A_517, %swap3A_518] {strides = array<i32>} : memref<64x512xf32, #tpu.memory_space<vmem>>, vector<16xf32>,
      tpu.vector_store %arg7[%swap3A_517, %swap3A_518], %gather3A_513 {strides = array<i32>} : memref<64x512xf32, #tpu.memory_space<vmem>>, vector<16xf32>,
      %gather3A_520 = arith.constant 57344 : i32
      %gather3A_521 = tpu.memref_slice %arg5[%gather3A_520] : memref<65536xf32, #tpu.memory_space<vmem>> -> memref<1024xf32, #tpu.memory_space<vmem>>
      %gather3A_522 = tpu.vector_load_idx %gather3A_521[%get3A_17] : memref<1024xf32, #tpu.memory_space<vmem>>[vector<16xi32>], vector<16xf32>,
      %mul3A_523 = arith.constant 16 : i32
      %mul3A_524 = arith.muli %scan3A_12, %mul3A_523 : i32
      %swap3A_525 = arith.constant 56 : i32
      %swap3A_526 = arith.index_cast %swap3A_525 : i32 to index
      %swap3A_527 = arith.index_cast %mul3A_524 : i32 to index
      %swap3A_528 = tpu.vector_load %arg7[%swap3A_526, %swap3A_527] {strides = array<i32>} : memref<64x512xf32, #tpu.memory_space<vmem>>, vector<16xf32>,
      tpu.vector_store %arg7[%swap3A_526, %swap3A_527], %gather3A_522 {strides = array<i32>} : memref<64x512xf32, #tpu.memory_space<vmem>>, vector<16xf32>,
      %gather3A_529 = arith.constant 58368 : i32
      %gather3A_530 = tpu.memref_slice %arg5[%gather3A_529] : memref<65536xf32, #tpu.memory_space<vmem>> -> memref<1024xf32, #tpu.memory_space<vmem>>
      %gather3A_531 = tpu.vector_load_idx %gather3A_530[%get3A_17] : memref<1024xf32, #tpu.memory_space<vmem>>[vector<16xi32>], vector<16xf32>,
      %mul3A_532 = arith.constant 16 : i32
      %mul3A_533 = arith.muli %scan3A_12, %mul3A_532 : i32
      %swap3A_534 = arith.constant 57 : i32
      %swap3A_535 = arith.index_cast %swap3A_534 : i32 to index
      %swap3A_536 = arith.index_cast %mul3A_533 : i32 to index
      %swap3A_537 = tpu.vector_load %arg7[%swap3A_535, %swap3A_536] {strides = array<i32>} : memref<64x512xf32, #tpu.memory_space<vmem>>, vector<16xf32>,
      tpu.vector_store %arg7[%swap3A_535, %swap3A_536], %gather3A_531 {strides = array<i32>} : memref<64x512xf32, #tpu.memory_space<vmem>>, vector<16xf32>,
      %gather3A_538 = arith.constant 59392 : i32
      %gather3A_539 = tpu.memref_slice %arg5[%gather3A_538] : memref<65536xf32, #tpu.memory_space<vmem>> -> memref<1024xf32, #tpu.memory_space<vmem>>
      %gather3A_540 = tpu.vector_load_idx %gather3A_539[%get3A_17] : memref<1024xf32, #tpu.memory_space<vmem>>[vector<16xi32>], vector<16xf32>,
      %mul3A_541 = arith.constant 16 : i32
      %mul3A_542 = arith.muli %scan3A_12, %mul3A_541 : i32
      %swap3A_543 = arith.constant 58 : i32
      %swap3A_544 = arith.index_cast %swap3A_543 : i32 to index
      %swap3A_545 = arith.index_cast %mul3A_542 : i32 to index
      %swap3A_546 = tpu.vector_load %arg7[%swap3A_544, %swap3A_545] {strides = array<i32>} : memref<64x512xf32, #tpu.memory_space<vmem>>, vector<16xf32>,
      tpu.vector_store %arg7[%swap3A_544, %swap3A_545], %gather3A_540 {strides = array<i32>} : memref<64x512xf32, #tpu.memory_space<vmem>>, vector<16xf32>,
      %gather3A_547 = arith.constant 60416 : i32
      %gather3A_548 = tpu.memref_slice %arg5[%gather3A_547] : memref<65536xf32, #tpu.memory_space<vmem>> -> memref<1024xf32, #tpu.memory_space<vmem>>
      %gather3A_549 = tpu.vector_load_idx %gather3A_548[%get3A_17] : memref<1024xf32, #tpu.memory_space<vmem>>[vector<16xi32>], vector<16xf32>,
      %mul3A_550 = arith.constant 16 : i32
      %mul3A_551 = arith.muli %scan3A_12, %mul3A_550 : i32
      %swap3A_552 = arith.constant 59 : i32
      %swap3A_553 = arith.index_cast %swap3A_552 : i32 to index
      %swap3A_554 = arith.index_cast %mul3A_551 : i32 to index
      %swap3A_555 = tpu.vector_load %arg7[%swap3A_553, %swap3A_554] {strides = array<i32>} : memref<64x512xf32, #tpu.memory_space<vmem>>, vector<16xf32>,
      tpu.vector_store %arg7[%swap3A_553, %swap3A_554], %gather3A_549 {strides = array<i32>} : memref<64x512xf32, #tpu.memory_space<vmem>>, vector<16xf32>,
      %gather3A_556 = arith.constant 61440 : i32
      %gather3A_557 = tpu.memref_slice %arg5[%gather3A_556] : memref<65536xf32, #tpu.memory_space<vmem>> -> memref<1024xf32, #tpu.memory_space<vmem>>
      %gather3A_558 = tpu.vector_load_idx %gather3A_557[%get3A_17] : memref<1024xf32, #tpu.memory_space<vmem>>[vector<16xi32>], vector<16xf32>,
      %mul3A_559 = arith.constant 16 : i32
      %mul3A_560 = arith.muli %scan3A_12, %mul3A_559 : i32
      %swap3A_561 = arith.constant 60 : i32
      %swap3A_562 = arith.index_cast %swap3A_561 : i32 to index
      %swap3A_563 = arith.index_cast %mul3A_560 : i32 to index
      %swap3A_564 = tpu.vector_load %arg7[%swap3A_562, %swap3A_563] {strides = array<i32>} : memref<64x512xf32, #tpu.memory_space<vmem>>, vector<16xf32>,
      tpu.vector_store %arg7[%swap3A_562, %swap3A_563], %gather3A_558 {strides = array<i32>} : memref<64x512xf32, #tpu.memory_space<vmem>>, vector<16xf32>,
      %gather3A_565 = arith.constant 62464 : i32
      %gather3A_566 = tpu.memref_slice %arg5[%gather3A_565] : memref<65536xf32, #tpu.memory_space<vmem>> -> memref<1024xf32, #tpu.memory_space<vmem>>
      %gather3A_567 = tpu.vector_load_idx %gather3A_566[%get3A_17] : memref<1024xf32, #tpu.memory_space<vmem>>[vector<16xi32>], vector<16xf32>,
      %mul3A_568 = arith.constant 16 : i32
      %mul3A_569 = arith.muli %scan3A_12, %mul3A_568 : i32
      %swap3A_570 = arith.constant 61 : i32
      %swap3A_571 = arith.index_cast %swap3A_570 : i32 to index
      %swap3A_572 = arith.index_cast %mul3A_569 : i32 to index
      %swap3A_573 = tpu.vector_load %arg7[%swap3A_571, %swap3A_572] {strides = array<i32>} : memref<64x512xf32, #tpu.memory_space<vmem>>, vector<16xf32>,
      tpu.vector_store %arg7[%swap3A_571, %swap3A_572], %gather3A_567 {strides = array<i32>} : memref<64x512xf32, #tpu.memory_space<vmem>>, vector<16xf32>,
      %gather3A_574 = arith.constant 63488 : i32
      %gather3A_575 = tpu.memref_slice %arg5[%gather3A_574] : memref<65536xf32, #tpu.memory_space<vmem>> -> memref<1024xf32, #tpu.memory_space<vmem>>
      %gather3A_576 = tpu.vector_load_idx %gather3A_575[%get3A_17] : memref<1024xf32, #tpu.memory_space<vmem>>[vector<16xi32>], vector<16xf32>,
      %mul3A_577 = arith.constant 16 : i32
      %mul3A_578 = arith.muli %scan3A_12, %mul3A_577 : i32
      %swap3A_579 = arith.constant 62 : i32
      %swap3A_580 = arith.index_cast %swap3A_579 : i32 to index
      %swap3A_581 = arith.index_cast %mul3A_578 : i32 to index
      %swap3A_582 = tpu.vector_load %arg7[%swap3A_580, %swap3A_581] {strides = array<i32>} : memref<64x512xf32, #tpu.memory_space<vmem>>, vector<16xf32>,
      tpu.vector_store %arg7[%swap3A_580, %swap3A_581], %gather3A_576 {strides = array<i32>} : memref<64x512xf32, #tpu.memory_space<vmem>>, vector<16xf32>,
      %gather3A_583 = arith.constant 64512 : i32
      %gather3A_584 = tpu.memref_slice %arg5[%gather3A_583] : memref<65536xf32, #tpu.memory_space<vmem>> -> memref<1024xf32, #tpu.memory_space<vmem>>
      %gather3A_585 = tpu.vector_load_idx %gather3A_584[%get3A_17] : memref<1024xf32, #tpu.memory_space<vmem>>[vector<16xi32>], vector<16xf32>,
      %mul3A_586 = arith.constant 16 : i32
      %mul3A_587 = arith.muli %scan3A_12, %mul3A_586 : i32
      %swap3A_588 = arith.constant 63 : i32
      %swap3A_589 = arith.index_cast %swap3A_588 : i32 to index
      %swap3A_590 = arith.index_cast %mul3A_587 : i32 to index
      %swap3A_591 = tpu.vector_load %arg7[%swap3A_589, %swap3A_590] {strides = array<i32>} : memref<64x512xf32, #tpu.memory_space<vmem>>, vector<16xf32>,
      tpu.vector_store %arg7[%swap3A_589, %swap3A_590], %gather3A_585 {strides = array<i32>} : memref<64x512xf32, #tpu.memory_space<vmem>>, vector<16xf32>,
    }
    %scan3A_5 = arith.constant 32 : i32
    "tpu.region"() ({
      %run_scoped3A = tpu.sem_alloc : memref<!tpu.dma_semaphore, #tpu.memory_space<semaphore_mem>>
      %dma_start3A = arith.constant 0 : i32
      %dma_start3A_12 = arith.constant 0 : i32
      %dma_start3A_13 = tpu.memref_slice %arg4[%add3A, %dma_start3A, %dma_start3A_12] : memref<32x64x1024xf32, #tpu.memory_space<hbm>> -> memref<1x64x512xf32, #tpu.memory_space<hbm>>
      %dma_start3A_14 = tpu.memref_squeeze %dma_start3A_13 : memref<1x64x512xf32, #tpu.memory_space<hbm>> -> memref<64x512xf32, #tpu.memory_space<hbm>>
      %dma_start3A_15 = arith.constant 0 : i32
      %dma_start3A_16 = arith.constant 0 : i32
      %dma_start3A_17 = tpu.memref_slice %arg4[%add3A, %dma_start3A_15, %dma_start3A_16] : memref<32x64x1024xf32, #tpu.memory_space<hbm>> -> memref<1x64x512xf32, #tpu.memory_space<hbm>>
      %dma_start3A_18 = tpu.memref_squeeze %dma_start3A_17 : memref<1x64x512xf32, #tpu.memory_space<hbm>> -> memref<64x512xf32, #tpu.memory_space<hbm>>
      tpu.enqueue_dma source(%arg7 : memref<64x512xf32, #tpu.memory_space<vmem>>) target(%dma_start3A_18 : memref<64x512xf32, #tpu.memory_space<hbm>>) target_semaphore(%run_scoped3A : memref<!tpu.dma_semaphore, #tpu.memory_space<semaphore_mem>>)
      %dma_wait3A = arith.constant 0 : i32
      %dma_wait3A_19 = arith.constant 0 : i32
      %dma_wait3A_20 = tpu.memref_slice %arg4[%add3A, %dma_wait3A, %dma_wait3A_19] : memref<32x64x1024xf32, #tpu.memory_space<hbm>> -> memref<1x64x512xf32, #tpu.memory_space<hbm>>
      %dma_wait3A_21 = tpu.memref_squeeze %dma_wait3A_20 : memref<1x64x512xf32, #tpu.memory_space<hbm>> -> memref<64x512xf32, #tpu.memory_space<hbm>>
      %dma_wait3A_22 = arith.constant 0 : i32
      %dma_wait3A_23 = arith.constant 0 : i32
      %dma_wait3A_24 = tpu.memref_slice %arg4[%add3A, %dma_wait3A_22, %dma_wait3A_23] : memref<32x64x1024xf32, #tpu.memory_space<hbm>> -> memref<1x64x512xf32, #tpu.memory_space<hbm>>
      %dma_wait3A_25 = tpu.memref_squeeze %dma_wait3A_24 : memref<1x64x512xf32, #tpu.memory_space<hbm>> -> memref<64x512xf32, #tpu.memory_space<hbm>>
      tpu.wait_dma2 semaphore(%run_scoped3A : memref<!tpu.dma_semaphore, #tpu.memory_space<semaphore_mem>>) src(%arg7 : memref<64x512xf32, #tpu.memory_space<vmem>>) dst(%dma_wait3A_25 : memref<64x512xf32, #tpu.memory_space<hbm>>)
      tpu.yield
    }) : () -> ()
    %scan3A_6 = arith.constant 0 : i32
    %scan3A_7 = arith.constant 0 : i32
    %scan3A_8 = arith.constant 32 : i32
    %scan3A_9 = arith.addi %scan3A_7, %scan3A_8 : i32
    %scan3A_10 = arith.constant 1 : i32
    scf.for %scan3A_12 = %scan3A_7 to %scan3A_9 step %scan3A_10  : i32 {
      %mul3A_13 = arith.constant 16 : i32
      %mul3A_14 = arith.muli %scan3A_12, %mul3A_13 : i32
      %add3A_15 = arith.constant 512 : i32
      %add3A_16 = arith.addi %add3A_15, %mul3A_14 : i32
      %get3A = arith.index_cast %add3A_16 : i32 to index
      %get3A_17 = tpu.vector_load %arg6[%get3A] {strides = array<i32>} : memref<1024xi32, #tpu.memory_space<vmem>>, vector<16xi32>,
      %gather3A = arith.constant 0 : i32
      %gather3A_18 = tpu.memref_slice %arg5[%gather3A] : memref<65536xf32, #tpu.memory_space<vmem>> -> memref<1024xf32, #tpu.memory_space<vmem>>
      %gather3A_19 = tpu.vector_load_idx %gather3A_18[%get3A_17] : memref<1024xf32, #tpu.memory_space<vmem>>[vector<16xi32>], vector<16xf32>,
      %mul3A_20 = arith.constant 16 : i32
      %mul3A_21 = arith.muli %scan3A_12, %mul3A_20 : i32
      %swap3A = arith.constant 0 : i32
      %swap3A_22 = arith.index_cast %swap3A : i32 to index
      %swap3A_23 = arith.index_cast %mul3A_21 : i32 to index
      %swap3A_24 = tpu.vector_load %arg7[%swap3A_22, %swap3A_23] {strides = array<i32>} : memref<64x512xf32, #tpu.memory_space<vmem>>, vector<16xf32>,
      tpu.vector_store %arg7[%swap3A_22, %swap3A_23], %gather3A_19 {strides = array<i32>} : memref<64x512xf32, #tpu.memory_space<vmem>>, vector<16xf32>,
      %gather3A_25 = arith.constant 1024 : i32
      %gather3A_26 = tpu.memref_slice %arg5[%gather3A_25] : memref<65536xf32, #tpu.memory_space<vmem>> -> memref<1024xf32, #tpu.memory_space<vmem>>
      %gather3A_27 = tpu.vector_load_idx %gather3A_26[%get3A_17] : memref<1024xf32, #tpu.memory_space<vmem>>[vector<16xi32>], vector<16xf32>,
      %mul3A_28 = arith.constant 16 : i32
      %mul3A_29 = arith.muli %scan3A_12, %mul3A_28 : i32
      %swap3A_30 = arith.constant 1 : i32
      %swap3A_31 = arith.index_cast %swap3A_30 : i32 to index
      %swap3A_32 = arith.index_cast %mul3A_29 : i32 to index
      %swap3A_33 = tpu.vector_load %arg7[%swap3A_31, %swap3A_32] {strides = array<i32>} : memref<64x512xf32, #tpu.memory_space<vmem>>, vector<16xf32>,
      tpu.vector_store %arg7[%swap3A_31, %swap3A_32], %gather3A_27 {strides = array<i32>} : memref<64x512xf32, #tpu.memory_space<vmem>>, vector<16xf32>,
      %gather3A_34 = arith.constant 2048 : i32
      %gather3A_35 = tpu.memref_slice %arg5[%gather3A_34] : memref<65536xf32, #tpu.memory_space<vmem>> -> memref<1024xf32, #tpu.memory_space<vmem>>
      %gather3A_36 = tpu.vector_load_idx %gather3A_35[%get3A_17] : memref<1024xf32, #tpu.memory_space<vmem>>[vector<16xi32>], vector<16xf32>,
      %mul3A_37 = arith.constant 16 : i32
      %mul3A_38 = arith.muli %scan3A_12, %mul3A_37 : i32
      %swap3A_39 = arith.constant 2 : i32
      %swap3A_40 = arith.index_cast %swap3A_39 : i32 to index
      %swap3A_41 = arith.index_cast %mul3A_38 : i32 to index
      %swap3A_42 = tpu.vector_load %arg7[%swap3A_40, %swap3A_41] {strides = array<i32>} : memref<64x512xf32, #tpu.memory_space<vmem>>, vector<16xf32>,
      tpu.vector_store %arg7[%swap3A_40, %swap3A_41], %gather3A_36 {strides = array<i32>} : memref<64x512xf32, #tpu.memory_space<vmem>>, vector<16xf32>,
      %gather3A_43 = arith.constant 3072 : i32
      %gather3A_44 = tpu.memref_slice %arg5[%gather3A_43] : memref<65536xf32, #tpu.memory_space<vmem>> -> memref<1024xf32, #tpu.memory_space<vmem>>
      %gather3A_45 = tpu.vector_load_idx %gather3A_44[%get3A_17] : memref<1024xf32, #tpu.memory_space<vmem>>[vector<16xi32>], vector<16xf32>,
      %mul3A_46 = arith.constant 16 : i32
      %mul3A_47 = arith.muli %scan3A_12, %mul3A_46 : i32
      %swap3A_48 = arith.constant 3 : i32
      %swap3A_49 = arith.index_cast %swap3A_48 : i32 to index
      %swap3A_50 = arith.index_cast %mul3A_47 : i32 to index
      %swap3A_51 = tpu.vector_load %arg7[%swap3A_49, %swap3A_50] {strides = array<i32>} : memref<64x512xf32, #tpu.memory_space<vmem>>, vector<16xf32>,
      tpu.vector_store %arg7[%swap3A_49, %swap3A_50], %gather3A_45 {strides = array<i32>} : memref<64x512xf32, #tpu.memory_space<vmem>>, vector<16xf32>,
      %gather3A_52 = arith.constant 4096 : i32
      %gather3A_53 = tpu.memref_slice %arg5[%gather3A_52] : memref<65536xf32, #tpu.memory_space<vmem>> -> memref<1024xf32, #tpu.memory_space<vmem>>
      %gather3A_54 = tpu.vector_load_idx %gather3A_53[%get3A_17] : memref<1024xf32, #tpu.memory_space<vmem>>[vector<16xi32>], vector<16xf32>,
      %mul3A_55 = arith.constant 16 : i32
      %mul3A_56 = arith.muli %scan3A_12, %mul3A_55 : i32
      %swap3A_57 = arith.constant 4 : i32
      %swap3A_58 = arith.index_cast %swap3A_57 : i32 to index
      %swap3A_59 = arith.index_cast %mul3A_56 : i32 to index
      %swap3A_60 = tpu.vector_load %arg7[%swap3A_58, %swap3A_59] {strides = array<i32>} : memref<64x512xf32, #tpu.memory_space<vmem>>, vector<16xf32>,
      tpu.vector_store %arg7[%swap3A_58, %swap3A_59], %gather3A_54 {strides = array<i32>} : memref<64x512xf32, #tpu.memory_space<vmem>>, vector<16xf32>,
      %gather3A_61 = arith.constant 5120 : i32
      %gather3A_62 = tpu.memref_slice %arg5[%gather3A_61] : memref<65536xf32, #tpu.memory_space<vmem>> -> memref<1024xf32, #tpu.memory_space<vmem>>
      %gather3A_63 = tpu.vector_load_idx %gather3A_62[%get3A_17] : memref<1024xf32, #tpu.memory_space<vmem>>[vector<16xi32>], vector<16xf32>,
      %mul3A_64 = arith.constant 16 : i32
      %mul3A_65 = arith.muli %scan3A_12, %mul3A_64 : i32
      %swap3A_66 = arith.constant 5 : i32
      %swap3A_67 = arith.index_cast %swap3A_66 : i32 to index
      %swap3A_68 = arith.index_cast %mul3A_65 : i32 to index
      %swap3A_69 = tpu.vector_load %arg7[%swap3A_67, %swap3A_68] {strides = array<i32>} : memref<64x512xf32, #tpu.memory_space<vmem>>, vector<16xf32>,
      tpu.vector_store %arg7[%swap3A_67, %swap3A_68], %gather3A_63 {strides = array<i32>} : memref<64x512xf32, #tpu.memory_space<vmem>>, vector<16xf32>,
      %gather3A_70 = arith.constant 6144 : i32
      %gather3A_71 = tpu.memref_slice %arg5[%gather3A_70] : memref<65536xf32, #tpu.memory_space<vmem>> -> memref<1024xf32, #tpu.memory_space<vmem>>
      %gather3A_72 = tpu.vector_load_idx %gather3A_71[%get3A_17] : memref<1024xf32, #tpu.memory_space<vmem>>[vector<16xi32>], vector<16xf32>,
      %mul3A_73 = arith.constant 16 : i32
      %mul3A_74 = arith.muli %scan3A_12, %mul3A_73 : i32
      %swap3A_75 = arith.constant 6 : i32
      %swap3A_76 = arith.index_cast %swap3A_75 : i32 to index
      %swap3A_77 = arith.index_cast %mul3A_74 : i32 to index
      %swap3A_78 = tpu.vector_load %arg7[%swap3A_76, %swap3A_77] {strides = array<i32>} : memref<64x512xf32, #tpu.memory_space<vmem>>, vector<16xf32>,
      tpu.vector_store %arg7[%swap3A_76, %swap3A_77], %gather3A_72 {strides = array<i32>} : memref<64x512xf32, #tpu.memory_space<vmem>>, vector<16xf32>,
      %gather3A_79 = arith.constant 7168 : i32
      %gather3A_80 = tpu.memref_slice %arg5[%gather3A_79] : memref<65536xf32, #tpu.memory_space<vmem>> -> memref<1024xf32, #tpu.memory_space<vmem>>
      %gather3A_81 = tpu.vector_load_idx %gather3A_80[%get3A_17] : memref<1024xf32, #tpu.memory_space<vmem>>[vector<16xi32>], vector<16xf32>,
      %mul3A_82 = arith.constant 16 : i32
      %mul3A_83 = arith.muli %scan3A_12, %mul3A_82 : i32
      %swap3A_84 = arith.constant 7 : i32
      %swap3A_85 = arith.index_cast %swap3A_84 : i32 to index
      %swap3A_86 = arith.index_cast %mul3A_83 : i32 to index
      %swap3A_87 = tpu.vector_load %arg7[%swap3A_85, %swap3A_86] {strides = array<i32>} : memref<64x512xf32, #tpu.memory_space<vmem>>, vector<16xf32>,
      tpu.vector_store %arg7[%swap3A_85, %swap3A_86], %gather3A_81 {strides = array<i32>} : memref<64x512xf32, #tpu.memory_space<vmem>>, vector<16xf32>,
      %gather3A_88 = arith.constant 8192 : i32
      %gather3A_89 = tpu.memref_slice %arg5[%gather3A_88] : memref<65536xf32, #tpu.memory_space<vmem>> -> memref<1024xf32, #tpu.memory_space<vmem>>
      %gather3A_90 = tpu.vector_load_idx %gather3A_89[%get3A_17] : memref<1024xf32, #tpu.memory_space<vmem>>[vector<16xi32>], vector<16xf32>,
      %mul3A_91 = arith.constant 16 : i32
      %mul3A_92 = arith.muli %scan3A_12, %mul3A_91 : i32
      %swap3A_93 = arith.constant 8 : i32
      %swap3A_94 = arith.index_cast %swap3A_93 : i32 to index
      %swap3A_95 = arith.index_cast %mul3A_92 : i32 to index
      %swap3A_96 = tpu.vector_load %arg7[%swap3A_94, %swap3A_95] {strides = array<i32>} : memref<64x512xf32, #tpu.memory_space<vmem>>, vector<16xf32>,
      tpu.vector_store %arg7[%swap3A_94, %swap3A_95], %gather3A_90 {strides = array<i32>} : memref<64x512xf32, #tpu.memory_space<vmem>>, vector<16xf32>,
      %gather3A_97 = arith.constant 9216 : i32
      %gather3A_98 = tpu.memref_slice %arg5[%gather3A_97] : memref<65536xf32, #tpu.memory_space<vmem>> -> memref<1024xf32, #tpu.memory_space<vmem>>
      %gather3A_99 = tpu.vector_load_idx %gather3A_98[%get3A_17] : memref<1024xf32, #tpu.memory_space<vmem>>[vector<16xi32>], vector<16xf32>,
      %mul3A_100 = arith.constant 16 : i32
      %mul3A_101 = arith.muli %scan3A_12, %mul3A_100 : i32
      %swap3A_102 = arith.constant 9 : i32
      %swap3A_103 = arith.index_cast %swap3A_102 : i32 to index
      %swap3A_104 = arith.index_cast %mul3A_101 : i32 to index
      %swap3A_105 = tpu.vector_load %arg7[%swap3A_103, %swap3A_104] {strides = array<i32>} : memref<64x512xf32, #tpu.memory_space<vmem>>, vector<16xf32>,
      tpu.vector_store %arg7[%swap3A_103, %swap3A_104], %gather3A_99 {strides = array<i32>} : memref<64x512xf32, #tpu.memory_space<vmem>>, vector<16xf32>,
      %gather3A_106 = arith.constant 10240 : i32
      %gather3A_107 = tpu.memref_slice %arg5[%gather3A_106] : memref<65536xf32, #tpu.memory_space<vmem>> -> memref<1024xf32, #tpu.memory_space<vmem>>
      %gather3A_108 = tpu.vector_load_idx %gather3A_107[%get3A_17] : memref<1024xf32, #tpu.memory_space<vmem>>[vector<16xi32>], vector<16xf32>,
      %mul3A_109 = arith.constant 16 : i32
      %mul3A_110 = arith.muli %scan3A_12, %mul3A_109 : i32
      %swap3A_111 = arith.constant 10 : i32
      %swap3A_112 = arith.index_cast %swap3A_111 : i32 to index
      %swap3A_113 = arith.index_cast %mul3A_110 : i32 to index
      %swap3A_114 = tpu.vector_load %arg7[%swap3A_112, %swap3A_113] {strides = array<i32>} : memref<64x512xf32, #tpu.memory_space<vmem>>, vector<16xf32>,
      tpu.vector_store %arg7[%swap3A_112, %swap3A_113], %gather3A_108 {strides = array<i32>} : memref<64x512xf32, #tpu.memory_space<vmem>>, vector<16xf32>,
      %gather3A_115 = arith.constant 11264 : i32
      %gather3A_116 = tpu.memref_slice %arg5[%gather3A_115] : memref<65536xf32, #tpu.memory_space<vmem>> -> memref<1024xf32, #tpu.memory_space<vmem>>
      %gather3A_117 = tpu.vector_load_idx %gather3A_116[%get3A_17] : memref<1024xf32, #tpu.memory_space<vmem>>[vector<16xi32>], vector<16xf32>,
      %mul3A_118 = arith.constant 16 : i32
      %mul3A_119 = arith.muli %scan3A_12, %mul3A_118 : i32
      %swap3A_120 = arith.constant 11 : i32
      %swap3A_121 = arith.index_cast %swap3A_120 : i32 to index
      %swap3A_122 = arith.index_cast %mul3A_119 : i32 to index
      %swap3A_123 = tpu.vector_load %arg7[%swap3A_121, %swap3A_122] {strides = array<i32>} : memref<64x512xf32, #tpu.memory_space<vmem>>, vector<16xf32>,
      tpu.vector_store %arg7[%swap3A_121, %swap3A_122], %gather3A_117 {strides = array<i32>} : memref<64x512xf32, #tpu.memory_space<vmem>>, vector<16xf32>,
      %gather3A_124 = arith.constant 12288 : i32
      %gather3A_125 = tpu.memref_slice %arg5[%gather3A_124] : memref<65536xf32, #tpu.memory_space<vmem>> -> memref<1024xf32, #tpu.memory_space<vmem>>
      %gather3A_126 = tpu.vector_load_idx %gather3A_125[%get3A_17] : memref<1024xf32, #tpu.memory_space<vmem>>[vector<16xi32>], vector<16xf32>,
      %mul3A_127 = arith.constant 16 : i32
      %mul3A_128 = arith.muli %scan3A_12, %mul3A_127 : i32
      %swap3A_129 = arith.constant 12 : i32
      %swap3A_130 = arith.index_cast %swap3A_129 : i32 to index
      %swap3A_131 = arith.index_cast %mul3A_128 : i32 to index
      %swap3A_132 = tpu.vector_load %arg7[%swap3A_130, %swap3A_131] {strides = array<i32>} : memref<64x512xf32, #tpu.memory_space<vmem>>, vector<16xf32>,
      tpu.vector_store %arg7[%swap3A_130, %swap3A_131], %gather3A_126 {strides = array<i32>} : memref<64x512xf32, #tpu.memory_space<vmem>>, vector<16xf32>,
      %gather3A_133 = arith.constant 13312 : i32
      %gather3A_134 = tpu.memref_slice %arg5[%gather3A_133] : memref<65536xf32, #tpu.memory_space<vmem>> -> memref<1024xf32, #tpu.memory_space<vmem>>
      %gather3A_135 = tpu.vector_load_idx %gather3A_134[%get3A_17] : memref<1024xf32, #tpu.memory_space<vmem>>[vector<16xi32>], vector<16xf32>,
      %mul3A_136 = arith.constant 16 : i32
      %mul3A_137 = arith.muli %scan3A_12, %mul3A_136 : i32
      %swap3A_138 = arith.constant 13 : i32
      %swap3A_139 = arith.index_cast %swap3A_138 : i32 to index
      %swap3A_140 = arith.index_cast %mul3A_137 : i32 to index
      %swap3A_141 = tpu.vector_load %arg7[%swap3A_139, %swap3A_140] {strides = array<i32>} : memref<64x512xf32, #tpu.memory_space<vmem>>, vector<16xf32>,
      tpu.vector_store %arg7[%swap3A_139, %swap3A_140], %gather3A_135 {strides = array<i32>} : memref<64x512xf32, #tpu.memory_space<vmem>>, vector<16xf32>,
      %gather3A_142 = arith.constant 14336 : i32
      %gather3A_143 = tpu.memref_slice %arg5[%gather3A_142] : memref<65536xf32, #tpu.memory_space<vmem>> -> memref<1024xf32, #tpu.memory_space<vmem>>
      %gather3A_144 = tpu.vector_load_idx %gather3A_143[%get3A_17] : memref<1024xf32, #tpu.memory_space<vmem>>[vector<16xi32>], vector<16xf32>,
      %mul3A_145 = arith.constant 16 : i32
      %mul3A_146 = arith.muli %scan3A_12, %mul3A_145 : i32
      %swap3A_147 = arith.constant 14 : i32
      %swap3A_148 = arith.index_cast %swap3A_147 : i32 to index
      %swap3A_149 = arith.index_cast %mul3A_146 : i32 to index
      %swap3A_150 = tpu.vector_load %arg7[%swap3A_148, %swap3A_149] {strides = array<i32>} : memref<64x512xf32, #tpu.memory_space<vmem>>, vector<16xf32>,
      tpu.vector_store %arg7[%swap3A_148, %swap3A_149], %gather3A_144 {strides = array<i32>} : memref<64x512xf32, #tpu.memory_space<vmem>>, vector<16xf32>,
      %gather3A_151 = arith.constant 15360 : i32
      %gather3A_152 = tpu.memref_slice %arg5[%gather3A_151] : memref<65536xf32, #tpu.memory_space<vmem>> -> memref<1024xf32, #tpu.memory_space<vmem>>
      %gather3A_153 = tpu.vector_load_idx %gather3A_152[%get3A_17] : memref<1024xf32, #tpu.memory_space<vmem>>[vector<16xi32>], vector<16xf32>,
      %mul3A_154 = arith.constant 16 : i32
      %mul3A_155 = arith.muli %scan3A_12, %mul3A_154 : i32
      %swap3A_156 = arith.constant 15 : i32
      %swap3A_157 = arith.index_cast %swap3A_156 : i32 to index
      %swap3A_158 = arith.index_cast %mul3A_155 : i32 to index
      %swap3A_159 = tpu.vector_load %arg7[%swap3A_157, %swap3A_158] {strides = array<i32>} : memref<64x512xf32, #tpu.memory_space<vmem>>, vector<16xf32>,
      tpu.vector_store %arg7[%swap3A_157, %swap3A_158], %gather3A_153 {strides = array<i32>} : memref<64x512xf32, #tpu.memory_space<vmem>>, vector<16xf32>,
      %gather3A_160 = arith.constant 16384 : i32
      %gather3A_161 = tpu.memref_slice %arg5[%gather3A_160] : memref<65536xf32, #tpu.memory_space<vmem>> -> memref<1024xf32, #tpu.memory_space<vmem>>
      %gather3A_162 = tpu.vector_load_idx %gather3A_161[%get3A_17] : memref<1024xf32, #tpu.memory_space<vmem>>[vector<16xi32>], vector<16xf32>,
      %mul3A_163 = arith.constant 16 : i32
      %mul3A_164 = arith.muli %scan3A_12, %mul3A_163 : i32
      %swap3A_165 = arith.constant 16 : i32
      %swap3A_166 = arith.index_cast %swap3A_165 : i32 to index
      %swap3A_167 = arith.index_cast %mul3A_164 : i32 to index
      %swap3A_168 = tpu.vector_load %arg7[%swap3A_166, %swap3A_167] {strides = array<i32>} : memref<64x512xf32, #tpu.memory_space<vmem>>, vector<16xf32>,
      tpu.vector_store %arg7[%swap3A_166, %swap3A_167], %gather3A_162 {strides = array<i32>} : memref<64x512xf32, #tpu.memory_space<vmem>>, vector<16xf32>,
      %gather3A_169 = arith.constant 17408 : i32
      %gather3A_170 = tpu.memref_slice %arg5[%gather3A_169] : memref<65536xf32, #tpu.memory_space<vmem>> -> memref<1024xf32, #tpu.memory_space<vmem>>
      %gather3A_171 = tpu.vector_load_idx %gather3A_170[%get3A_17] : memref<1024xf32, #tpu.memory_space<vmem>>[vector<16xi32>], vector<16xf32>,
      %mul3A_172 = arith.constant 16 : i32
      %mul3A_173 = arith.muli %scan3A_12, %mul3A_172 : i32
      %swap3A_174 = arith.constant 17 : i32
      %swap3A_175 = arith.index_cast %swap3A_174 : i32 to index
      %swap3A_176 = arith.index_cast %mul3A_173 : i32 to index
      %swap3A_177 = tpu.vector_load %arg7[%swap3A_175, %swap3A_176] {strides = array<i32>} : memref<64x512xf32, #tpu.memory_space<vmem>>, vector<16xf32>,
      tpu.vector_store %arg7[%swap3A_175, %swap3A_176], %gather3A_171 {strides = array<i32>} : memref<64x512xf32, #tpu.memory_space<vmem>>, vector<16xf32>,
      %gather3A_178 = arith.constant 18432 : i32
      %gather3A_179 = tpu.memref_slice %arg5[%gather3A_178] : memref<65536xf32, #tpu.memory_space<vmem>> -> memref<1024xf32, #tpu.memory_space<vmem>>
      %gather3A_180 = tpu.vector_load_idx %gather3A_179[%get3A_17] : memref<1024xf32, #tpu.memory_space<vmem>>[vector<16xi32>], vector<16xf32>,
      %mul3A_181 = arith.constant 16 : i32
      %mul3A_182 = arith.muli %scan3A_12, %mul3A_181 : i32
      %swap3A_183 = arith.constant 18 : i32
      %swap3A_184 = arith.index_cast %swap3A_183 : i32 to index
      %swap3A_185 = arith.index_cast %mul3A_182 : i32 to index
      %swap3A_186 = tpu.vector_load %arg7[%swap3A_184, %swap3A_185] {strides = array<i32>} : memref<64x512xf32, #tpu.memory_space<vmem>>, vector<16xf32>,
      tpu.vector_store %arg7[%swap3A_184, %swap3A_185], %gather3A_180 {strides = array<i32>} : memref<64x512xf32, #tpu.memory_space<vmem>>, vector<16xf32>,
      %gather3A_187 = arith.constant 19456 : i32
      %gather3A_188 = tpu.memref_slice %arg5[%gather3A_187] : memref<65536xf32, #tpu.memory_space<vmem>> -> memref<1024xf32, #tpu.memory_space<vmem>>
      %gather3A_189 = tpu.vector_load_idx %gather3A_188[%get3A_17] : memref<1024xf32, #tpu.memory_space<vmem>>[vector<16xi32>], vector<16xf32>,
      %mul3A_190 = arith.constant 16 : i32
      %mul3A_191 = arith.muli %scan3A_12, %mul3A_190 : i32
      %swap3A_192 = arith.constant 19 : i32
      %swap3A_193 = arith.index_cast %swap3A_192 : i32 to index
      %swap3A_194 = arith.index_cast %mul3A_191 : i32 to index
      %swap3A_195 = tpu.vector_load %arg7[%swap3A_193, %swap3A_194] {strides = array<i32>} : memref<64x512xf32, #tpu.memory_space<vmem>>, vector<16xf32>,
      tpu.vector_store %arg7[%swap3A_193, %swap3A_194], %gather3A_189 {strides = array<i32>} : memref<64x512xf32, #tpu.memory_space<vmem>>, vector<16xf32>,
      %gather3A_196 = arith.constant 20480 : i32
      %gather3A_197 = tpu.memref_slice %arg5[%gather3A_196] : memref<65536xf32, #tpu.memory_space<vmem>> -> memref<1024xf32, #tpu.memory_space<vmem>>
      %gather3A_198 = tpu.vector_load_idx %gather3A_197[%get3A_17] : memref<1024xf32, #tpu.memory_space<vmem>>[vector<16xi32>], vector<16xf32>,
      %mul3A_199 = arith.constant 16 : i32
      %mul3A_200 = arith.muli %scan3A_12, %mul3A_199 : i32
      %swap3A_201 = arith.constant 20 : i32
      %swap3A_202 = arith.index_cast %swap3A_201 : i32 to index
      %swap3A_203 = arith.index_cast %mul3A_200 : i32 to index
      %swap3A_204 = tpu.vector_load %arg7[%swap3A_202, %swap3A_203] {strides = array<i32>} : memref<64x512xf32, #tpu.memory_space<vmem>>, vector<16xf32>,
      tpu.vector_store %arg7[%swap3A_202, %swap3A_203], %gather3A_198 {strides = array<i32>} : memref<64x512xf32, #tpu.memory_space<vmem>>, vector<16xf32>,
      %gather3A_205 = arith.constant 21504 : i32
      %gather3A_206 = tpu.memref_slice %arg5[%gather3A_205] : memref<65536xf32, #tpu.memory_space<vmem>> -> memref<1024xf32, #tpu.memory_space<vmem>>
      %gather3A_207 = tpu.vector_load_idx %gather3A_206[%get3A_17] : memref<1024xf32, #tpu.memory_space<vmem>>[vector<16xi32>], vector<16xf32>,
      %mul3A_208 = arith.constant 16 : i32
      %mul3A_209 = arith.muli %scan3A_12, %mul3A_208 : i32
      %swap3A_210 = arith.constant 21 : i32
      %swap3A_211 = arith.index_cast %swap3A_210 : i32 to index
      %swap3A_212 = arith.index_cast %mul3A_209 : i32 to index
      %swap3A_213 = tpu.vector_load %arg7[%swap3A_211, %swap3A_212] {strides = array<i32>} : memref<64x512xf32, #tpu.memory_space<vmem>>, vector<16xf32>,
      tpu.vector_store %arg7[%swap3A_211, %swap3A_212], %gather3A_207 {strides = array<i32>} : memref<64x512xf32, #tpu.memory_space<vmem>>, vector<16xf32>,
      %gather3A_214 = arith.constant 22528 : i32
      %gather3A_215 = tpu.memref_slice %arg5[%gather3A_214] : memref<65536xf32, #tpu.memory_space<vmem>> -> memref<1024xf32, #tpu.memory_space<vmem>>
      %gather3A_216 = tpu.vector_load_idx %gather3A_215[%get3A_17] : memref<1024xf32, #tpu.memory_space<vmem>>[vector<16xi32>], vector<16xf32>,
      %mul3A_217 = arith.constant 16 : i32
      %mul3A_218 = arith.muli %scan3A_12, %mul3A_217 : i32
      %swap3A_219 = arith.constant 22 : i32
      %swap3A_220 = arith.index_cast %swap3A_219 : i32 to index
      %swap3A_221 = arith.index_cast %mul3A_218 : i32 to index
      %swap3A_222 = tpu.vector_load %arg7[%swap3A_220, %swap3A_221] {strides = array<i32>} : memref<64x512xf32, #tpu.memory_space<vmem>>, vector<16xf32>,
      tpu.vector_store %arg7[%swap3A_220, %swap3A_221], %gather3A_216 {strides = array<i32>} : memref<64x512xf32, #tpu.memory_space<vmem>>, vector<16xf32>,
      %gather3A_223 = arith.constant 23552 : i32
      %gather3A_224 = tpu.memref_slice %arg5[%gather3A_223] : memref<65536xf32, #tpu.memory_space<vmem>> -> memref<1024xf32, #tpu.memory_space<vmem>>
      %gather3A_225 = tpu.vector_load_idx %gather3A_224[%get3A_17] : memref<1024xf32, #tpu.memory_space<vmem>>[vector<16xi32>], vector<16xf32>,
      %mul3A_226 = arith.constant 16 : i32
      %mul3A_227 = arith.muli %scan3A_12, %mul3A_226 : i32
      %swap3A_228 = arith.constant 23 : i32
      %swap3A_229 = arith.index_cast %swap3A_228 : i32 to index
      %swap3A_230 = arith.index_cast %mul3A_227 : i32 to index
      %swap3A_231 = tpu.vector_load %arg7[%swap3A_229, %swap3A_230] {strides = array<i32>} : memref<64x512xf32, #tpu.memory_space<vmem>>, vector<16xf32>,
      tpu.vector_store %arg7[%swap3A_229, %swap3A_230], %gather3A_225 {strides = array<i32>} : memref<64x512xf32, #tpu.memory_space<vmem>>, vector<16xf32>,
      %gather3A_232 = arith.constant 24576 : i32
      %gather3A_233 = tpu.memref_slice %arg5[%gather3A_232] : memref<65536xf32, #tpu.memory_space<vmem>> -> memref<1024xf32, #tpu.memory_space<vmem>>
      %gather3A_234 = tpu.vector_load_idx %gather3A_233[%get3A_17] : memref<1024xf32, #tpu.memory_space<vmem>>[vector<16xi32>], vector<16xf32>,
      %mul3A_235 = arith.constant 16 : i32
      %mul3A_236 = arith.muli %scan3A_12, %mul3A_235 : i32
      %swap3A_237 = arith.constant 24 : i32
      %swap3A_238 = arith.index_cast %swap3A_237 : i32 to index
      %swap3A_239 = arith.index_cast %mul3A_236 : i32 to index
      %swap3A_240 = tpu.vector_load %arg7[%swap3A_238, %swap3A_239] {strides = array<i32>} : memref<64x512xf32, #tpu.memory_space<vmem>>, vector<16xf32>,
      tpu.vector_store %arg7[%swap3A_238, %swap3A_239], %gather3A_234 {strides = array<i32>} : memref<64x512xf32, #tpu.memory_space<vmem>>, vector<16xf32>,
      %gather3A_241 = arith.constant 25600 : i32
      %gather3A_242 = tpu.memref_slice %arg5[%gather3A_241] : memref<65536xf32, #tpu.memory_space<vmem>> -> memref<1024xf32, #tpu.memory_space<vmem>>
      %gather3A_243 = tpu.vector_load_idx %gather3A_242[%get3A_17] : memref<1024xf32, #tpu.memory_space<vmem>>[vector<16xi32>], vector<16xf32>,
      %mul3A_244 = arith.constant 16 : i32
      %mul3A_245 = arith.muli %scan3A_12, %mul3A_244 : i32
      %swap3A_246 = arith.constant 25 : i32
      %swap3A_247 = arith.index_cast %swap3A_246 : i32 to index
      %swap3A_248 = arith.index_cast %mul3A_245 : i32 to index
      %swap3A_249 = tpu.vector_load %arg7[%swap3A_247, %swap3A_248] {strides = array<i32>} : memref<64x512xf32, #tpu.memory_space<vmem>>, vector<16xf32>,
      tpu.vector_store %arg7[%swap3A_247, %swap3A_248], %gather3A_243 {strides = array<i32>} : memref<64x512xf32, #tpu.memory_space<vmem>>, vector<16xf32>,
      %gather3A_250 = arith.constant 26624 : i32
      %gather3A_251 = tpu.memref_slice %arg5[%gather3A_250] : memref<65536xf32, #tpu.memory_space<vmem>> -> memref<1024xf32, #tpu.memory_space<vmem>>
      %gather3A_252 = tpu.vector_load_idx %gather3A_251[%get3A_17] : memref<1024xf32, #tpu.memory_space<vmem>>[vector<16xi32>], vector<16xf32>,
      %mul3A_253 = arith.constant 16 : i32
      %mul3A_254 = arith.muli %scan3A_12, %mul3A_253 : i32
      %swap3A_255 = arith.constant 26 : i32
      %swap3A_256 = arith.index_cast %swap3A_255 : i32 to index
      %swap3A_257 = arith.index_cast %mul3A_254 : i32 to index
      %swap3A_258 = tpu.vector_load %arg7[%swap3A_256, %swap3A_257] {strides = array<i32>} : memref<64x512xf32, #tpu.memory_space<vmem>>, vector<16xf32>,
      tpu.vector_store %arg7[%swap3A_256, %swap3A_257], %gather3A_252 {strides = array<i32>} : memref<64x512xf32, #tpu.memory_space<vmem>>, vector<16xf32>,
      %gather3A_259 = arith.constant 27648 : i32
      %gather3A_260 = tpu.memref_slice %arg5[%gather3A_259] : memref<65536xf32, #tpu.memory_space<vmem>> -> memref<1024xf32, #tpu.memory_space<vmem>>
      %gather3A_261 = tpu.vector_load_idx %gather3A_260[%get3A_17] : memref<1024xf32, #tpu.memory_space<vmem>>[vector<16xi32>], vector<16xf32>,
      %mul3A_262 = arith.constant 16 : i32
      %mul3A_263 = arith.muli %scan3A_12, %mul3A_262 : i32
      %swap3A_264 = arith.constant 27 : i32
      %swap3A_265 = arith.index_cast %swap3A_264 : i32 to index
      %swap3A_266 = arith.index_cast %mul3A_263 : i32 to index
      %swap3A_267 = tpu.vector_load %arg7[%swap3A_265, %swap3A_266] {strides = array<i32>} : memref<64x512xf32, #tpu.memory_space<vmem>>, vector<16xf32>,
      tpu.vector_store %arg7[%swap3A_265, %swap3A_266], %gather3A_261 {strides = array<i32>} : memref<64x512xf32, #tpu.memory_space<vmem>>, vector<16xf32>,
      %gather3A_268 = arith.constant 28672 : i32
      %gather3A_269 = tpu.memref_slice %arg5[%gather3A_268] : memref<65536xf32, #tpu.memory_space<vmem>> -> memref<1024xf32, #tpu.memory_space<vmem>>
      %gather3A_270 = tpu.vector_load_idx %gather3A_269[%get3A_17] : memref<1024xf32, #tpu.memory_space<vmem>>[vector<16xi32>], vector<16xf32>,
      %mul3A_271 = arith.constant 16 : i32
      %mul3A_272 = arith.muli %scan3A_12, %mul3A_271 : i32
      %swap3A_273 = arith.constant 28 : i32
      %swap3A_274 = arith.index_cast %swap3A_273 : i32 to index
      %swap3A_275 = arith.index_cast %mul3A_272 : i32 to index
      %swap3A_276 = tpu.vector_load %arg7[%swap3A_274, %swap3A_275] {strides = array<i32>} : memref<64x512xf32, #tpu.memory_space<vmem>>, vector<16xf32>,
      tpu.vector_store %arg7[%swap3A_274, %swap3A_275], %gather3A_270 {strides = array<i32>} : memref<64x512xf32, #tpu.memory_space<vmem>>, vector<16xf32>,
      %gather3A_277 = arith.constant 29696 : i32
      %gather3A_278 = tpu.memref_slice %arg5[%gather3A_277] : memref<65536xf32, #tpu.memory_space<vmem>> -> memref<1024xf32, #tpu.memory_space<vmem>>
      %gather3A_279 = tpu.vector_load_idx %gather3A_278[%get3A_17] : memref<1024xf32, #tpu.memory_space<vmem>>[vector<16xi32>], vector<16xf32>,
      %mul3A_280 = arith.constant 16 : i32
      %mul3A_281 = arith.muli %scan3A_12, %mul3A_280 : i32
      %swap3A_282 = arith.constant 29 : i32
      %swap3A_283 = arith.index_cast %swap3A_282 : i32 to index
      %swap3A_284 = arith.index_cast %mul3A_281 : i32 to index
      %swap3A_285 = tpu.vector_load %arg7[%swap3A_283, %swap3A_284] {strides = array<i32>} : memref<64x512xf32, #tpu.memory_space<vmem>>, vector<16xf32>,
      tpu.vector_store %arg7[%swap3A_283, %swap3A_284], %gather3A_279 {strides = array<i32>} : memref<64x512xf32, #tpu.memory_space<vmem>>, vector<16xf32>,
      %gather3A_286 = arith.constant 30720 : i32
      %gather3A_287 = tpu.memref_slice %arg5[%gather3A_286] : memref<65536xf32, #tpu.memory_space<vmem>> -> memref<1024xf32, #tpu.memory_space<vmem>>
      %gather3A_288 = tpu.vector_load_idx %gather3A_287[%get3A_17] : memref<1024xf32, #tpu.memory_space<vmem>>[vector<16xi32>], vector<16xf32>,
      %mul3A_289 = arith.constant 16 : i32
      %mul3A_290 = arith.muli %scan3A_12, %mul3A_289 : i32
      %swap3A_291 = arith.constant 30 : i32
      %swap3A_292 = arith.index_cast %swap3A_291 : i32 to index
      %swap3A_293 = arith.index_cast %mul3A_290 : i32 to index
      %swap3A_294 = tpu.vector_load %arg7[%swap3A_292, %swap3A_293] {strides = array<i32>} : memref<64x512xf32, #tpu.memory_space<vmem>>, vector<16xf32>,
      tpu.vector_store %arg7[%swap3A_292, %swap3A_293], %gather3A_288 {strides = array<i32>} : memref<64x512xf32, #tpu.memory_space<vmem>>, vector<16xf32>,
      %gather3A_295 = arith.constant 31744 : i32
      %gather3A_296 = tpu.memref_slice %arg5[%gather3A_295] : memref<65536xf32, #tpu.memory_space<vmem>> -> memref<1024xf32, #tpu.memory_space<vmem>>
      %gather3A_297 = tpu.vector_load_idx %gather3A_296[%get3A_17] : memref<1024xf32, #tpu.memory_space<vmem>>[vector<16xi32>], vector<16xf32>,
      %mul3A_298 = arith.constant 16 : i32
      %mul3A_299 = arith.muli %scan3A_12, %mul3A_298 : i32
      %swap3A_300 = arith.constant 31 : i32
      %swap3A_301 = arith.index_cast %swap3A_300 : i32 to index
      %swap3A_302 = arith.index_cast %mul3A_299 : i32 to index
      %swap3A_303 = tpu.vector_load %arg7[%swap3A_301, %swap3A_302] {strides = array<i32>} : memref<64x512xf32, #tpu.memory_space<vmem>>, vector<16xf32>,
      tpu.vector_store %arg7[%swap3A_301, %swap3A_302], %gather3A_297 {strides = array<i32>} : memref<64x512xf32, #tpu.memory_space<vmem>>, vector<16xf32>,
      %gather3A_304 = arith.constant 32768 : i32
      %gather3A_305 = tpu.memref_slice %arg5[%gather3A_304] : memref<65536xf32, #tpu.memory_space<vmem>> -> memref<1024xf32, #tpu.memory_space<vmem>>
      %gather3A_306 = tpu.vector_load_idx %gather3A_305[%get3A_17] : memref<1024xf32, #tpu.memory_space<vmem>>[vector<16xi32>], vector<16xf32>,
      %mul3A_307 = arith.constant 16 : i32
      %mul3A_308 = arith.muli %scan3A_12, %mul3A_307 : i32
      %swap3A_309 = arith.constant 32 : i32
      %swap3A_310 = arith.index_cast %swap3A_309 : i32 to index
      %swap3A_311 = arith.index_cast %mul3A_308 : i32 to index
      %swap3A_312 = tpu.vector_load %arg7[%swap3A_310, %swap3A_311] {strides = array<i32>} : memref<64x512xf32, #tpu.memory_space<vmem>>, vector<16xf32>,
      tpu.vector_store %arg7[%swap3A_310, %swap3A_311], %gather3A_306 {strides = array<i32>} : memref<64x512xf32, #tpu.memory_space<vmem>>, vector<16xf32>,
      %gather3A_313 = arith.constant 33792 : i32
      %gather3A_314 = tpu.memref_slice %arg5[%gather3A_313] : memref<65536xf32, #tpu.memory_space<vmem>> -> memref<1024xf32, #tpu.memory_space<vmem>>
      %gather3A_315 = tpu.vector_load_idx %gather3A_314[%get3A_17] : memref<1024xf32, #tpu.memory_space<vmem>>[vector<16xi32>], vector<16xf32>,
      %mul3A_316 = arith.constant 16 : i32
      %mul3A_317 = arith.muli %scan3A_12, %mul3A_316 : i32
      %swap3A_318 = arith.constant 33 : i32
      %swap3A_319 = arith.index_cast %swap3A_318 : i32 to index
      %swap3A_320 = arith.index_cast %mul3A_317 : i32 to index
      %swap3A_321 = tpu.vector_load %arg7[%swap3A_319, %swap3A_320] {strides = array<i32>} : memref<64x512xf32, #tpu.memory_space<vmem>>, vector<16xf32>,
      tpu.vector_store %arg7[%swap3A_319, %swap3A_320], %gather3A_315 {strides = array<i32>} : memref<64x512xf32, #tpu.memory_space<vmem>>, vector<16xf32>,
      %gather3A_322 = arith.constant 34816 : i32
      %gather3A_323 = tpu.memref_slice %arg5[%gather3A_322] : memref<65536xf32, #tpu.memory_space<vmem>> -> memref<1024xf32, #tpu.memory_space<vmem>>
      %gather3A_324 = tpu.vector_load_idx %gather3A_323[%get3A_17] : memref<1024xf32, #tpu.memory_space<vmem>>[vector<16xi32>], vector<16xf32>,
      %mul3A_325 = arith.constant 16 : i32
      %mul3A_326 = arith.muli %scan3A_12, %mul3A_325 : i32
      %swap3A_327 = arith.constant 34 : i32
      %swap3A_328 = arith.index_cast %swap3A_327 : i32 to index
      %swap3A_329 = arith.index_cast %mul3A_326 : i32 to index
      %swap3A_330 = tpu.vector_load %arg7[%swap3A_328, %swap3A_329] {strides = array<i32>} : memref<64x512xf32, #tpu.memory_space<vmem>>, vector<16xf32>,
      tpu.vector_store %arg7[%swap3A_328, %swap3A_329], %gather3A_324 {strides = array<i32>} : memref<64x512xf32, #tpu.memory_space<vmem>>, vector<16xf32>,
      %gather3A_331 = arith.constant 35840 : i32
      %gather3A_332 = tpu.memref_slice %arg5[%gather3A_331] : memref<65536xf32, #tpu.memory_space<vmem>> -> memref<1024xf32, #tpu.memory_space<vmem>>
      %gather3A_333 = tpu.vector_load_idx %gather3A_332[%get3A_17] : memref<1024xf32, #tpu.memory_space<vmem>>[vector<16xi32>], vector<16xf32>,
      %mul3A_334 = arith.constant 16 : i32
      %mul3A_335 = arith.muli %scan3A_12, %mul3A_334 : i32
      %swap3A_336 = arith.constant 35 : i32
      %swap3A_337 = arith.index_cast %swap3A_336 : i32 to index
      %swap3A_338 = arith.index_cast %mul3A_335 : i32 to index
      %swap3A_339 = tpu.vector_load %arg7[%swap3A_337, %swap3A_338] {strides = array<i32>} : memref<64x512xf32, #tpu.memory_space<vmem>>, vector<16xf32>,
      tpu.vector_store %arg7[%swap3A_337, %swap3A_338], %gather3A_333 {strides = array<i32>} : memref<64x512xf32, #tpu.memory_space<vmem>>, vector<16xf32>,
      %gather3A_340 = arith.constant 36864 : i32
      %gather3A_341 = tpu.memref_slice %arg5[%gather3A_340] : memref<65536xf32, #tpu.memory_space<vmem>> -> memref<1024xf32, #tpu.memory_space<vmem>>
      %gather3A_342 = tpu.vector_load_idx %gather3A_341[%get3A_17] : memref<1024xf32, #tpu.memory_space<vmem>>[vector<16xi32>], vector<16xf32>,
      %mul3A_343 = arith.constant 16 : i32
      %mul3A_344 = arith.muli %scan3A_12, %mul3A_343 : i32
      %swap3A_345 = arith.constant 36 : i32
      %swap3A_346 = arith.index_cast %swap3A_345 : i32 to index
      %swap3A_347 = arith.index_cast %mul3A_344 : i32 to index
      %swap3A_348 = tpu.vector_load %arg7[%swap3A_346, %swap3A_347] {strides = array<i32>} : memref<64x512xf32, #tpu.memory_space<vmem>>, vector<16xf32>,
      tpu.vector_store %arg7[%swap3A_346, %swap3A_347], %gather3A_342 {strides = array<i32>} : memref<64x512xf32, #tpu.memory_space<vmem>>, vector<16xf32>,
      %gather3A_349 = arith.constant 37888 : i32
      %gather3A_350 = tpu.memref_slice %arg5[%gather3A_349] : memref<65536xf32, #tpu.memory_space<vmem>> -> memref<1024xf32, #tpu.memory_space<vmem>>
      %gather3A_351 = tpu.vector_load_idx %gather3A_350[%get3A_17] : memref<1024xf32, #tpu.memory_space<vmem>>[vector<16xi32>], vector<16xf32>,
      %mul3A_352 = arith.constant 16 : i32
      %mul3A_353 = arith.muli %scan3A_12, %mul3A_352 : i32
      %swap3A_354 = arith.constant 37 : i32
      %swap3A_355 = arith.index_cast %swap3A_354 : i32 to index
      %swap3A_356 = arith.index_cast %mul3A_353 : i32 to index
      %swap3A_357 = tpu.vector_load %arg7[%swap3A_355, %swap3A_356] {strides = array<i32>} : memref<64x512xf32, #tpu.memory_space<vmem>>, vector<16xf32>,
      tpu.vector_store %arg7[%swap3A_355, %swap3A_356], %gather3A_351 {strides = array<i32>} : memref<64x512xf32, #tpu.memory_space<vmem>>, vector<16xf32>,
      %gather3A_358 = arith.constant 38912 : i32
      %gather3A_359 = tpu.memref_slice %arg5[%gather3A_358] : memref<65536xf32, #tpu.memory_space<vmem>> -> memref<1024xf32, #tpu.memory_space<vmem>>
      %gather3A_360 = tpu.vector_load_idx %gather3A_359[%get3A_17] : memref<1024xf32, #tpu.memory_space<vmem>>[vector<16xi32>], vector<16xf32>,
      %mul3A_361 = arith.constant 16 : i32
      %mul3A_362 = arith.muli %scan3A_12, %mul3A_361 : i32
      %swap3A_363 = arith.constant 38 : i32
      %swap3A_364 = arith.index_cast %swap3A_363 : i32 to index
      %swap3A_365 = arith.index_cast %mul3A_362 : i32 to index
      %swap3A_366 = tpu.vector_load %arg7[%swap3A_364, %swap3A_365] {strides = array<i32>} : memref<64x512xf32, #tpu.memory_space<vmem>>, vector<16xf32>,
      tpu.vector_store %arg7[%swap3A_364, %swap3A_365], %gather3A_360 {strides = array<i32>} : memref<64x512xf32, #tpu.memory_space<vmem>>, vector<16xf32>,
      %gather3A_367 = arith.constant 39936 : i32
      %gather3A_368 = tpu.memref_slice %arg5[%gather3A_367] : memref<65536xf32, #tpu.memory_space<vmem>> -> memref<1024xf32, #tpu.memory_space<vmem>>
      %gather3A_369 = tpu.vector_load_idx %gather3A_368[%get3A_17] : memref<1024xf32, #tpu.memory_space<vmem>>[vector<16xi32>], vector<16xf32>,
      %mul3A_370 = arith.constant 16 : i32
      %mul3A_371 = arith.muli %scan3A_12, %mul3A_370 : i32
      %swap3A_372 = arith.constant 39 : i32
      %swap3A_373 = arith.index_cast %swap3A_372 : i32 to index
      %swap3A_374 = arith.index_cast %mul3A_371 : i32 to index
      %swap3A_375 = tpu.vector_load %arg7[%swap3A_373, %swap3A_374] {strides = array<i32>} : memref<64x512xf32, #tpu.memory_space<vmem>>, vector<16xf32>,
      tpu.vector_store %arg7[%swap3A_373, %swap3A_374], %gather3A_369 {strides = array<i32>} : memref<64x512xf32, #tpu.memory_space<vmem>>, vector<16xf32>,
      %gather3A_376 = arith.constant 40960 : i32
      %gather3A_377 = tpu.memref_slice %arg5[%gather3A_376] : memref<65536xf32, #tpu.memory_space<vmem>> -> memref<1024xf32, #tpu.memory_space<vmem>>
      %gather3A_378 = tpu.vector_load_idx %gather3A_377[%get3A_17] : memref<1024xf32, #tpu.memory_space<vmem>>[vector<16xi32>], vector<16xf32>,
      %mul3A_379 = arith.constant 16 : i32
      %mul3A_380 = arith.muli %scan3A_12, %mul3A_379 : i32
      %swap3A_381 = arith.constant 40 : i32
      %swap3A_382 = arith.index_cast %swap3A_381 : i32 to index
      %swap3A_383 = arith.index_cast %mul3A_380 : i32 to index
      %swap3A_384 = tpu.vector_load %arg7[%swap3A_382, %swap3A_383] {strides = array<i32>} : memref<64x512xf32, #tpu.memory_space<vmem>>, vector<16xf32>,
      tpu.vector_store %arg7[%swap3A_382, %swap3A_383], %gather3A_378 {strides = array<i32>} : memref<64x512xf32, #tpu.memory_space<vmem>>, vector<16xf32>,
      %gather3A_385 = arith.constant 41984 : i32
      %gather3A_386 = tpu.memref_slice %arg5[%gather3A_385] : memref<65536xf32, #tpu.memory_space<vmem>> -> memref<1024xf32, #tpu.memory_space<vmem>>
      %gather3A_387 = tpu.vector_load_idx %gather3A_386[%get3A_17] : memref<1024xf32, #tpu.memory_space<vmem>>[vector<16xi32>], vector<16xf32>,
      %mul3A_388 = arith.constant 16 : i32
      %mul3A_389 = arith.muli %scan3A_12, %mul3A_388 : i32
      %swap3A_390 = arith.constant 41 : i32
      %swap3A_391 = arith.index_cast %swap3A_390 : i32 to index
      %swap3A_392 = arith.index_cast %mul3A_389 : i32 to index
      %swap3A_393 = tpu.vector_load %arg7[%swap3A_391, %swap3A_392] {strides = array<i32>} : memref<64x512xf32, #tpu.memory_space<vmem>>, vector<16xf32>,
      tpu.vector_store %arg7[%swap3A_391, %swap3A_392], %gather3A_387 {strides = array<i32>} : memref<64x512xf32, #tpu.memory_space<vmem>>, vector<16xf32>,
      %gather3A_394 = arith.constant 43008 : i32
      %gather3A_395 = tpu.memref_slice %arg5[%gather3A_394] : memref<65536xf32, #tpu.memory_space<vmem>> -> memref<1024xf32, #tpu.memory_space<vmem>>
      %gather3A_396 = tpu.vector_load_idx %gather3A_395[%get3A_17] : memref<1024xf32, #tpu.memory_space<vmem>>[vector<16xi32>], vector<16xf32>,
      %mul3A_397 = arith.constant 16 : i32
      %mul3A_398 = arith.muli %scan3A_12, %mul3A_397 : i32
      %swap3A_399 = arith.constant 42 : i32
      %swap3A_400 = arith.index_cast %swap3A_399 : i32 to index
      %swap3A_401 = arith.index_cast %mul3A_398 : i32 to index
      %swap3A_402 = tpu.vector_load %arg7[%swap3A_400, %swap3A_401] {strides = array<i32>} : memref<64x512xf32, #tpu.memory_space<vmem>>, vector<16xf32>,
      tpu.vector_store %arg7[%swap3A_400, %swap3A_401], %gather3A_396 {strides = array<i32>} : memref<64x512xf32, #tpu.memory_space<vmem>>, vector<16xf32>,
      %gather3A_403 = arith.constant 44032 : i32
      %gather3A_404 = tpu.memref_slice %arg5[%gather3A_403] : memref<65536xf32, #tpu.memory_space<vmem>> -> memref<1024xf32, #tpu.memory_space<vmem>>
      %gather3A_405 = tpu.vector_load_idx %gather3A_404[%get3A_17] : memref<1024xf32, #tpu.memory_space<vmem>>[vector<16xi32>], vector<16xf32>,
      %mul3A_406 = arith.constant 16 : i32
      %mul3A_407 = arith.muli %scan3A_12, %mul3A_406 : i32
      %swap3A_408 = arith.constant 43 : i32
      %swap3A_409 = arith.index_cast %swap3A_408 : i32 to index
      %swap3A_410 = arith.index_cast %mul3A_407 : i32 to index
      %swap3A_411 = tpu.vector_load %arg7[%swap3A_409, %swap3A_410] {strides = array<i32>} : memref<64x512xf32, #tpu.memory_space<vmem>>, vector<16xf32>,
      tpu.vector_store %arg7[%swap3A_409, %swap3A_410], %gather3A_405 {strides = array<i32>} : memref<64x512xf32, #tpu.memory_space<vmem>>, vector<16xf32>,
      %gather3A_412 = arith.constant 45056 : i32
      %gather3A_413 = tpu.memref_slice %arg5[%gather3A_412] : memref<65536xf32, #tpu.memory_space<vmem>> -> memref<1024xf32, #tpu.memory_space<vmem>>
      %gather3A_414 = tpu.vector_load_idx %gather3A_413[%get3A_17] : memref<1024xf32, #tpu.memory_space<vmem>>[vector<16xi32>], vector<16xf32>,
      %mul3A_415 = arith.constant 16 : i32
      %mul3A_416 = arith.muli %scan3A_12, %mul3A_415 : i32
      %swap3A_417 = arith.constant 44 : i32
      %swap3A_418 = arith.index_cast %swap3A_417 : i32 to index
      %swap3A_419 = arith.index_cast %mul3A_416 : i32 to index
      %swap3A_420 = tpu.vector_load %arg7[%swap3A_418, %swap3A_419] {strides = array<i32>} : memref<64x512xf32, #tpu.memory_space<vmem>>, vector<16xf32>,
      tpu.vector_store %arg7[%swap3A_418, %swap3A_419], %gather3A_414 {strides = array<i32>} : memref<64x512xf32, #tpu.memory_space<vmem>>, vector<16xf32>,
      %gather3A_421 = arith.constant 46080 : i32
      %gather3A_422 = tpu.memref_slice %arg5[%gather3A_421] : memref<65536xf32, #tpu.memory_space<vmem>> -> memref<1024xf32, #tpu.memory_space<vmem>>
      %gather3A_423 = tpu.vector_load_idx %gather3A_422[%get3A_17] : memref<1024xf32, #tpu.memory_space<vmem>>[vector<16xi32>], vector<16xf32>,
      %mul3A_424 = arith.constant 16 : i32
      %mul3A_425 = arith.muli %scan3A_12, %mul3A_424 : i32
      %swap3A_426 = arith.constant 45 : i32
      %swap3A_427 = arith.index_cast %swap3A_426 : i32 to index
      %swap3A_428 = arith.index_cast %mul3A_425 : i32 to index
      %swap3A_429 = tpu.vector_load %arg7[%swap3A_427, %swap3A_428] {strides = array<i32>} : memref<64x512xf32, #tpu.memory_space<vmem>>, vector<16xf32>,
      tpu.vector_store %arg7[%swap3A_427, %swap3A_428], %gather3A_423 {strides = array<i32>} : memref<64x512xf32, #tpu.memory_space<vmem>>, vector<16xf32>,
      %gather3A_430 = arith.constant 47104 : i32
      %gather3A_431 = tpu.memref_slice %arg5[%gather3A_430] : memref<65536xf32, #tpu.memory_space<vmem>> -> memref<1024xf32, #tpu.memory_space<vmem>>
      %gather3A_432 = tpu.vector_load_idx %gather3A_431[%get3A_17] : memref<1024xf32, #tpu.memory_space<vmem>>[vector<16xi32>], vector<16xf32>,
      %mul3A_433 = arith.constant 16 : i32
      %mul3A_434 = arith.muli %scan3A_12, %mul3A_433 : i32
      %swap3A_435 = arith.constant 46 : i32
      %swap3A_436 = arith.index_cast %swap3A_435 : i32 to index
      %swap3A_437 = arith.index_cast %mul3A_434 : i32 to index
      %swap3A_438 = tpu.vector_load %arg7[%swap3A_436, %swap3A_437] {strides = array<i32>} : memref<64x512xf32, #tpu.memory_space<vmem>>, vector<16xf32>,
      tpu.vector_store %arg7[%swap3A_436, %swap3A_437], %gather3A_432 {strides = array<i32>} : memref<64x512xf32, #tpu.memory_space<vmem>>, vector<16xf32>,
      %gather3A_439 = arith.constant 48128 : i32
      %gather3A_440 = tpu.memref_slice %arg5[%gather3A_439] : memref<65536xf32, #tpu.memory_space<vmem>> -> memref<1024xf32, #tpu.memory_space<vmem>>
      %gather3A_441 = tpu.vector_load_idx %gather3A_440[%get3A_17] : memref<1024xf32, #tpu.memory_space<vmem>>[vector<16xi32>], vector<16xf32>,
      %mul3A_442 = arith.constant 16 : i32
      %mul3A_443 = arith.muli %scan3A_12, %mul3A_442 : i32
      %swap3A_444 = arith.constant 47 : i32
      %swap3A_445 = arith.index_cast %swap3A_444 : i32 to index
      %swap3A_446 = arith.index_cast %mul3A_443 : i32 to index
      %swap3A_447 = tpu.vector_load %arg7[%swap3A_445, %swap3A_446] {strides = array<i32>} : memref<64x512xf32, #tpu.memory_space<vmem>>, vector<16xf32>,
      tpu.vector_store %arg7[%swap3A_445, %swap3A_446], %gather3A_441 {strides = array<i32>} : memref<64x512xf32, #tpu.memory_space<vmem>>, vector<16xf32>,
      %gather3A_448 = arith.constant 49152 : i32
      %gather3A_449 = tpu.memref_slice %arg5[%gather3A_448] : memref<65536xf32, #tpu.memory_space<vmem>> -> memref<1024xf32, #tpu.memory_space<vmem>>
      %gather3A_450 = tpu.vector_load_idx %gather3A_449[%get3A_17] : memref<1024xf32, #tpu.memory_space<vmem>>[vector<16xi32>], vector<16xf32>,
      %mul3A_451 = arith.constant 16 : i32
      %mul3A_452 = arith.muli %scan3A_12, %mul3A_451 : i32
      %swap3A_453 = arith.constant 48 : i32
      %swap3A_454 = arith.index_cast %swap3A_453 : i32 to index
      %swap3A_455 = arith.index_cast %mul3A_452 : i32 to index
      %swap3A_456 = tpu.vector_load %arg7[%swap3A_454, %swap3A_455] {strides = array<i32>} : memref<64x512xf32, #tpu.memory_space<vmem>>, vector<16xf32>,
      tpu.vector_store %arg7[%swap3A_454, %swap3A_455], %gather3A_450 {strides = array<i32>} : memref<64x512xf32, #tpu.memory_space<vmem>>, vector<16xf32>,
      %gather3A_457 = arith.constant 50176 : i32
      %gather3A_458 = tpu.memref_slice %arg5[%gather3A_457] : memref<65536xf32, #tpu.memory_space<vmem>> -> memref<1024xf32, #tpu.memory_space<vmem>>
      %gather3A_459 = tpu.vector_load_idx %gather3A_458[%get3A_17] : memref<1024xf32, #tpu.memory_space<vmem>>[vector<16xi32>], vector<16xf32>,
      %mul3A_460 = arith.constant 16 : i32
      %mul3A_461 = arith.muli %scan3A_12, %mul3A_460 : i32
      %swap3A_462 = arith.constant 49 : i32
      %swap3A_463 = arith.index_cast %swap3A_462 : i32 to index
      %swap3A_464 = arith.index_cast %mul3A_461 : i32 to index
      %swap3A_465 = tpu.vector_load %arg7[%swap3A_463, %swap3A_464] {strides = array<i32>} : memref<64x512xf32, #tpu.memory_space<vmem>>, vector<16xf32>,
      tpu.vector_store %arg7[%swap3A_463, %swap3A_464], %gather3A_459 {strides = array<i32>} : memref<64x512xf32, #tpu.memory_space<vmem>>, vector<16xf32>,
      %gather3A_466 = arith.constant 51200 : i32
      %gather3A_467 = tpu.memref_slice %arg5[%gather3A_466] : memref<65536xf32, #tpu.memory_space<vmem>> -> memref<1024xf32, #tpu.memory_space<vmem>>
      %gather3A_468 = tpu.vector_load_idx %gather3A_467[%get3A_17] : memref<1024xf32, #tpu.memory_space<vmem>>[vector<16xi32>], vector<16xf32>,
      %mul3A_469 = arith.constant 16 : i32
      %mul3A_470 = arith.muli %scan3A_12, %mul3A_469 : i32
      %swap3A_471 = arith.constant 50 : i32
      %swap3A_472 = arith.index_cast %swap3A_471 : i32 to index
      %swap3A_473 = arith.index_cast %mul3A_470 : i32 to index
      %swap3A_474 = tpu.vector_load %arg7[%swap3A_472, %swap3A_473] {strides = array<i32>} : memref<64x512xf32, #tpu.memory_space<vmem>>, vector<16xf32>,
      tpu.vector_store %arg7[%swap3A_472, %swap3A_473], %gather3A_468 {strides = array<i32>} : memref<64x512xf32, #tpu.memory_space<vmem>>, vector<16xf32>,
      %gather3A_475 = arith.constant 52224 : i32
      %gather3A_476 = tpu.memref_slice %arg5[%gather3A_475] : memref<65536xf32, #tpu.memory_space<vmem>> -> memref<1024xf32, #tpu.memory_space<vmem>>
      %gather3A_477 = tpu.vector_load_idx %gather3A_476[%get3A_17] : memref<1024xf32, #tpu.memory_space<vmem>>[vector<16xi32>], vector<16xf32>,
      %mul3A_478 = arith.constant 16 : i32
      %mul3A_479 = arith.muli %scan3A_12, %mul3A_478 : i32
      %swap3A_480 = arith.constant 51 : i32
      %swap3A_481 = arith.index_cast %swap3A_480 : i32 to index
      %swap3A_482 = arith.index_cast %mul3A_479 : i32 to index
      %swap3A_483 = tpu.vector_load %arg7[%swap3A_481, %swap3A_482] {strides = array<i32>} : memref<64x512xf32, #tpu.memory_space<vmem>>, vector<16xf32>,
      tpu.vector_store %arg7[%swap3A_481, %swap3A_482], %gather3A_477 {strides = array<i32>} : memref<64x512xf32, #tpu.memory_space<vmem>>, vector<16xf32>,
      %gather3A_484 = arith.constant 53248 : i32
      %gather3A_485 = tpu.memref_slice %arg5[%gather3A_484] : memref<65536xf32, #tpu.memory_space<vmem>> -> memref<1024xf32, #tpu.memory_space<vmem>>
      %gather3A_486 = tpu.vector_load_idx %gather3A_485[%get3A_17] : memref<1024xf32, #tpu.memory_space<vmem>>[vector<16xi32>], vector<16xf32>,
      %mul3A_487 = arith.constant 16 : i32
      %mul3A_488 = arith.muli %scan3A_12, %mul3A_487 : i32
      %swap3A_489 = arith.constant 52 : i32
      %swap3A_490 = arith.index_cast %swap3A_489 : i32 to index
      %swap3A_491 = arith.index_cast %mul3A_488 : i32 to index
      %swap3A_492 = tpu.vector_load %arg7[%swap3A_490, %swap3A_491] {strides = array<i32>} : memref<64x512xf32, #tpu.memory_space<vmem>>, vector<16xf32>,
      tpu.vector_store %arg7[%swap3A_490, %swap3A_491], %gather3A_486 {strides = array<i32>} : memref<64x512xf32, #tpu.memory_space<vmem>>, vector<16xf32>,
      %gather3A_493 = arith.constant 54272 : i32
      %gather3A_494 = tpu.memref_slice %arg5[%gather3A_493] : memref<65536xf32, #tpu.memory_space<vmem>> -> memref<1024xf32, #tpu.memory_space<vmem>>
      %gather3A_495 = tpu.vector_load_idx %gather3A_494[%get3A_17] : memref<1024xf32, #tpu.memory_space<vmem>>[vector<16xi32>], vector<16xf32>,
      %mul3A_496 = arith.constant 16 : i32
      %mul3A_497 = arith.muli %scan3A_12, %mul3A_496 : i32
      %swap3A_498 = arith.constant 53 : i32
      %swap3A_499 = arith.index_cast %swap3A_498 : i32 to index
      %swap3A_500 = arith.index_cast %mul3A_497 : i32 to index
      %swap3A_501 = tpu.vector_load %arg7[%swap3A_499, %swap3A_500] {strides = array<i32>} : memref<64x512xf32, #tpu.memory_space<vmem>>, vector<16xf32>,
      tpu.vector_store %arg7[%swap3A_499, %swap3A_500], %gather3A_495 {strides = array<i32>} : memref<64x512xf32, #tpu.memory_space<vmem>>, vector<16xf32>,
      %gather3A_502 = arith.constant 55296 : i32
      %gather3A_503 = tpu.memref_slice %arg5[%gather3A_502] : memref<65536xf32, #tpu.memory_space<vmem>> -> memref<1024xf32, #tpu.memory_space<vmem>>
      %gather3A_504 = tpu.vector_load_idx %gather3A_503[%get3A_17] : memref<1024xf32, #tpu.memory_space<vmem>>[vector<16xi32>], vector<16xf32>,
      %mul3A_505 = arith.constant 16 : i32
      %mul3A_506 = arith.muli %scan3A_12, %mul3A_505 : i32
      %swap3A_507 = arith.constant 54 : i32
      %swap3A_508 = arith.index_cast %swap3A_507 : i32 to index
      %swap3A_509 = arith.index_cast %mul3A_506 : i32 to index
      %swap3A_510 = tpu.vector_load %arg7[%swap3A_508, %swap3A_509] {strides = array<i32>} : memref<64x512xf32, #tpu.memory_space<vmem>>, vector<16xf32>,
      tpu.vector_store %arg7[%swap3A_508, %swap3A_509], %gather3A_504 {strides = array<i32>} : memref<64x512xf32, #tpu.memory_space<vmem>>, vector<16xf32>,
      %gather3A_511 = arith.constant 56320 : i32
      %gather3A_512 = tpu.memref_slice %arg5[%gather3A_511] : memref<65536xf32, #tpu.memory_space<vmem>> -> memref<1024xf32, #tpu.memory_space<vmem>>
      %gather3A_513 = tpu.vector_load_idx %gather3A_512[%get3A_17] : memref<1024xf32, #tpu.memory_space<vmem>>[vector<16xi32>], vector<16xf32>,
      %mul3A_514 = arith.constant 16 : i32
      %mul3A_515 = arith.muli %scan3A_12, %mul3A_514 : i32
      %swap3A_516 = arith.constant 55 : i32
      %swap3A_517 = arith.index_cast %swap3A_516 : i32 to index
      %swap3A_518 = arith.index_cast %mul3A_515 : i32 to index
      %swap3A_519 = tpu.vector_load %arg7[%swap3A_517, %swap3A_518] {strides = array<i32>} : memref<64x512xf32, #tpu.memory_space<vmem>>, vector<16xf32>,
      tpu.vector_store %arg7[%swap3A_517, %swap3A_518], %gather3A_513 {strides = array<i32>} : memref<64x512xf32, #tpu.memory_space<vmem>>, vector<16xf32>,
      %gather3A_520 = arith.constant 57344 : i32
      %gather3A_521 = tpu.memref_slice %arg5[%gather3A_520] : memref<65536xf32, #tpu.memory_space<vmem>> -> memref<1024xf32, #tpu.memory_space<vmem>>
      %gather3A_522 = tpu.vector_load_idx %gather3A_521[%get3A_17] : memref<1024xf32, #tpu.memory_space<vmem>>[vector<16xi32>], vector<16xf32>,
      %mul3A_523 = arith.constant 16 : i32
      %mul3A_524 = arith.muli %scan3A_12, %mul3A_523 : i32
      %swap3A_525 = arith.constant 56 : i32
      %swap3A_526 = arith.index_cast %swap3A_525 : i32 to index
      %swap3A_527 = arith.index_cast %mul3A_524 : i32 to index
      %swap3A_528 = tpu.vector_load %arg7[%swap3A_526, %swap3A_527] {strides = array<i32>} : memref<64x512xf32, #tpu.memory_space<vmem>>, vector<16xf32>,
      tpu.vector_store %arg7[%swap3A_526, %swap3A_527], %gather3A_522 {strides = array<i32>} : memref<64x512xf32, #tpu.memory_space<vmem>>, vector<16xf32>,
      %gather3A_529 = arith.constant 58368 : i32
      %gather3A_530 = tpu.memref_slice %arg5[%gather3A_529] : memref<65536xf32, #tpu.memory_space<vmem>> -> memref<1024xf32, #tpu.memory_space<vmem>>
      %gather3A_531 = tpu.vector_load_idx %gather3A_530[%get3A_17] : memref<1024xf32, #tpu.memory_space<vmem>>[vector<16xi32>], vector<16xf32>,
      %mul3A_532 = arith.constant 16 : i32
      %mul3A_533 = arith.muli %scan3A_12, %mul3A_532 : i32
      %swap3A_534 = arith.constant 57 : i32
      %swap3A_535 = arith.index_cast %swap3A_534 : i32 to index
      %swap3A_536 = arith.index_cast %mul3A_533 : i32 to index
      %swap3A_537 = tpu.vector_load %arg7[%swap3A_535, %swap3A_536] {strides = array<i32>} : memref<64x512xf32, #tpu.memory_space<vmem>>, vector<16xf32>,
      tpu.vector_store %arg7[%swap3A_535, %swap3A_536], %gather3A_531 {strides = array<i32>} : memref<64x512xf32, #tpu.memory_space<vmem>>, vector<16xf32>,
      %gather3A_538 = arith.constant 59392 : i32
      %gather3A_539 = tpu.memref_slice %arg5[%gather3A_538] : memref<65536xf32, #tpu.memory_space<vmem>> -> memref<1024xf32, #tpu.memory_space<vmem>>
      %gather3A_540 = tpu.vector_load_idx %gather3A_539[%get3A_17] : memref<1024xf32, #tpu.memory_space<vmem>>[vector<16xi32>], vector<16xf32>,
      %mul3A_541 = arith.constant 16 : i32
      %mul3A_542 = arith.muli %scan3A_12, %mul3A_541 : i32
      %swap3A_543 = arith.constant 58 : i32
      %swap3A_544 = arith.index_cast %swap3A_543 : i32 to index
      %swap3A_545 = arith.index_cast %mul3A_542 : i32 to index
      %swap3A_546 = tpu.vector_load %arg7[%swap3A_544, %swap3A_545] {strides = array<i32>} : memref<64x512xf32, #tpu.memory_space<vmem>>, vector<16xf32>,
      tpu.vector_store %arg7[%swap3A_544, %swap3A_545], %gather3A_540 {strides = array<i32>} : memref<64x512xf32, #tpu.memory_space<vmem>>, vector<16xf32>,
      %gather3A_547 = arith.constant 60416 : i32
      %gather3A_548 = tpu.memref_slice %arg5[%gather3A_547] : memref<65536xf32, #tpu.memory_space<vmem>> -> memref<1024xf32, #tpu.memory_space<vmem>>
      %gather3A_549 = tpu.vector_load_idx %gather3A_548[%get3A_17] : memref<1024xf32, #tpu.memory_space<vmem>>[vector<16xi32>], vector<16xf32>,
      %mul3A_550 = arith.constant 16 : i32
      %mul3A_551 = arith.muli %scan3A_12, %mul3A_550 : i32
      %swap3A_552 = arith.constant 59 : i32
      %swap3A_553 = arith.index_cast %swap3A_552 : i32 to index
      %swap3A_554 = arith.index_cast %mul3A_551 : i32 to index
      %swap3A_555 = tpu.vector_load %arg7[%swap3A_553, %swap3A_554] {strides = array<i32>} : memref<64x512xf32, #tpu.memory_space<vmem>>, vector<16xf32>,
      tpu.vector_store %arg7[%swap3A_553, %swap3A_554], %gather3A_549 {strides = array<i32>} : memref<64x512xf32, #tpu.memory_space<vmem>>, vector<16xf32>,
      %gather3A_556 = arith.constant 61440 : i32
      %gather3A_557 = tpu.memref_slice %arg5[%gather3A_556] : memref<65536xf32, #tpu.memory_space<vmem>> -> memref<1024xf32, #tpu.memory_space<vmem>>
      %gather3A_558 = tpu.vector_load_idx %gather3A_557[%get3A_17] : memref<1024xf32, #tpu.memory_space<vmem>>[vector<16xi32>], vector<16xf32>,
      %mul3A_559 = arith.constant 16 : i32
      %mul3A_560 = arith.muli %scan3A_12, %mul3A_559 : i32
      %swap3A_561 = arith.constant 60 : i32
      %swap3A_562 = arith.index_cast %swap3A_561 : i32 to index
      %swap3A_563 = arith.index_cast %mul3A_560 : i32 to index
      %swap3A_564 = tpu.vector_load %arg7[%swap3A_562, %swap3A_563] {strides = array<i32>} : memref<64x512xf32, #tpu.memory_space<vmem>>, vector<16xf32>,
      tpu.vector_store %arg7[%swap3A_562, %swap3A_563], %gather3A_558 {strides = array<i32>} : memref<64x512xf32, #tpu.memory_space<vmem>>, vector<16xf32>,
      %gather3A_565 = arith.constant 62464 : i32
      %gather3A_566 = tpu.memref_slice %arg5[%gather3A_565] : memref<65536xf32, #tpu.memory_space<vmem>> -> memref<1024xf32, #tpu.memory_space<vmem>>
      %gather3A_567 = tpu.vector_load_idx %gather3A_566[%get3A_17] : memref<1024xf32, #tpu.memory_space<vmem>>[vector<16xi32>], vector<16xf32>,
      %mul3A_568 = arith.constant 16 : i32
      %mul3A_569 = arith.muli %scan3A_12, %mul3A_568 : i32
      %swap3A_570 = arith.constant 61 : i32
      %swap3A_571 = arith.index_cast %swap3A_570 : i32 to index
      %swap3A_572 = arith.index_cast %mul3A_569 : i32 to index
      %swap3A_573 = tpu.vector_load %arg7[%swap3A_571, %swap3A_572] {strides = array<i32>} : memref<64x512xf32, #tpu.memory_space<vmem>>, vector<16xf32>,
      tpu.vector_store %arg7[%swap3A_571, %swap3A_572], %gather3A_567 {strides = array<i32>} : memref<64x512xf32, #tpu.memory_space<vmem>>, vector<16xf32>,
      %gather3A_574 = arith.constant 63488 : i32
      %gather3A_575 = tpu.memref_slice %arg5[%gather3A_574] : memref<65536xf32, #tpu.memory_space<vmem>> -> memref<1024xf32, #tpu.memory_space<vmem>>
      %gather3A_576 = tpu.vector_load_idx %gather3A_575[%get3A_17] : memref<1024xf32, #tpu.memory_space<vmem>>[vector<16xi32>], vector<16xf32>,
      %mul3A_577 = arith.constant 16 : i32
      %mul3A_578 = arith.muli %scan3A_12, %mul3A_577 : i32
      %swap3A_579 = arith.constant 62 : i32
      %swap3A_580 = arith.index_cast %swap3A_579 : i32 to index
      %swap3A_581 = arith.index_cast %mul3A_578 : i32 to index
      %swap3A_582 = tpu.vector_load %arg7[%swap3A_580, %swap3A_581] {strides = array<i32>} : memref<64x512xf32, #tpu.memory_space<vmem>>, vector<16xf32>,
      tpu.vector_store %arg7[%swap3A_580, %swap3A_581], %gather3A_576 {strides = array<i32>} : memref<64x512xf32, #tpu.memory_space<vmem>>, vector<16xf32>,
      %gather3A_583 = arith.constant 64512 : i32
      %gather3A_584 = tpu.memref_slice %arg5[%gather3A_583] : memref<65536xf32, #tpu.memory_space<vmem>> -> memref<1024xf32, #tpu.memory_space<vmem>>
      %gather3A_585 = tpu.vector_load_idx %gather3A_584[%get3A_17] : memref<1024xf32, #tpu.memory_space<vmem>>[vector<16xi32>], vector<16xf32>,
      %mul3A_586 = arith.constant 16 : i32
      %mul3A_587 = arith.muli %scan3A_12, %mul3A_586 : i32
      %swap3A_588 = arith.constant 63 : i32
      %swap3A_589 = arith.index_cast %swap3A_588 : i32 to index
      %swap3A_590 = arith.index_cast %mul3A_587 : i32 to index
      %swap3A_591 = tpu.vector_load %arg7[%swap3A_589, %swap3A_590] {strides = array<i32>} : memref<64x512xf32, #tpu.memory_space<vmem>>, vector<16xf32>,
      tpu.vector_store %arg7[%swap3A_589, %swap3A_590], %gather3A_585 {strides = array<i32>} : memref<64x512xf32, #tpu.memory_space<vmem>>, vector<16xf32>,
    }
    %scan3A_11 = arith.constant 32 : i32
    "tpu.region"() ({
      %run_scoped3A = tpu.sem_alloc : memref<!tpu.dma_semaphore, #tpu.memory_space<semaphore_mem>>
      %dma_start3A = arith.constant 0 : i32
      %dma_start3A_12 = arith.constant 512 : i32
      %dma_start3A_13 = tpu.memref_slice %arg4[%add3A, %dma_start3A, %dma_start3A_12] : memref<32x64x1024xf32, #tpu.memory_space<hbm>> -> memref<1x64x512xf32, #tpu.memory_space<hbm>>
      %dma_start3A_14 = tpu.memref_squeeze %dma_start3A_13 : memref<1x64x512xf32, #tpu.memory_space<hbm>> -> memref<64x512xf32, #tpu.memory_space<hbm>>
      %dma_start3A_15 = arith.constant 0 : i32
      %dma_start3A_16 = arith.constant 512 : i32
      %dma_start3A_17 = tpu.memref_slice %arg4[%add3A, %dma_start3A_15, %dma_start3A_16] : memref<32x64x1024xf32, #tpu.memory_space<hbm>> -> memref<1x64x512xf32, #tpu.memory_space<hbm>>
      %dma_start3A_18 = tpu.memref_squeeze %dma_start3A_17 : memref<1x64x512xf32, #tpu.memory_space<hbm>> -> memref<64x512xf32, #tpu.memory_space<hbm>>
      tpu.enqueue_dma source(%arg7 : memref<64x512xf32, #tpu.memory_space<vmem>>) target(%dma_start3A_18 : memref<64x512xf32, #tpu.memory_space<hbm>>) target_semaphore(%run_scoped3A : memref<!tpu.dma_semaphore, #tpu.memory_space<semaphore_mem>>)
      %dma_wait3A = arith.constant 0 : i32
      %dma_wait3A_19 = arith.constant 512 : i32
      %dma_wait3A_20 = tpu.memref_slice %arg4[%add3A, %dma_wait3A, %dma_wait3A_19] : memref<32x64x1024xf32, #tpu.memory_space<hbm>> -> memref<1x64x512xf32, #tpu.memory_space<hbm>>
      %dma_wait3A_21 = tpu.memref_squeeze %dma_wait3A_20 : memref<1x64x512xf32, #tpu.memory_space<hbm>> -> memref<64x512xf32, #tpu.memory_space<hbm>>
      %dma_wait3A_22 = arith.constant 0 : i32
      %dma_wait3A_23 = arith.constant 512 : i32
      %dma_wait3A_24 = tpu.memref_slice %arg4[%add3A, %dma_wait3A_22, %dma_wait3A_23] : memref<32x64x1024xf32, #tpu.memory_space<hbm>> -> memref<1x64x512xf32, #tpu.memory_space<hbm>>
      %dma_wait3A_25 = tpu.memref_squeeze %dma_wait3A_24 : memref<1x64x512xf32, #tpu.memory_space<hbm>> -> memref<64x512xf32, #tpu.memory_space<hbm>>
      tpu.wait_dma2 semaphore(%run_scoped3A : memref<!tpu.dma_semaphore, #tpu.memory_space<semaphore_mem>>) src(%arg7 : memref<64x512xf32, #tpu.memory_space<vmem>>) dst(%dma_wait3A_25 : memref<64x512xf32, #tpu.memory_space<hbm>>)
      tpu.yield
    }) : () -> ()
    return
  }
}

module attributes {stable_mosaic.version = 14 : i64} {
  func.func @_vq_body(%arg0: i32, %arg1: memref<1x64x1024xf32, #tpu.memory_space<vmem>>, %arg2: memref<1024x64xf32, #tpu.memory_space<vmem>>, %arg3: memref<1024x1xf32, #tpu.memory_space<vmem>>, %arg4: memref<1024x1024xf32, #tpu.memory_space<vmem>>, %arg5: memref<1x1x1024xi32, #tpu.memory_space<vmem>>, %arg6: memref<1x1xf32, #tpu.memory_space<smem>>) attributes {dimension_semantics = [#tpu.dimension_semantics<arbitrary>], iteration_bounds = array<i64: 32>, scalar_prefetch = 0 : i64, scratch_operands = 0 : i64, tpu.core_type = #tpu.core_type<tc>, window_params = [{transform_indices = @transform_0, window_bounds = array<i64: 1, 64, 1024>}, {pipeline_mode = #tpu.pipeline_mode<synchronous>, transform_indices = @transform_1, window_bounds = array<i64: 1024, 64>}, {pipeline_mode = #tpu.pipeline_mode<synchronous>, transform_indices = @transform_2, window_bounds = array<i64: 1024, 1>}, {pipeline_mode = #tpu.pipeline_mode<synchronous>, transform_indices = @transform_3, window_bounds = array<i64: 1024, 1024>}, {transform_indices = @transform_4, window_bounds = array<i64: 1, 1, 1024>}, {transform_indices = @transform_5, window_bounds = array<i64: 1, 1>}]} {
    %get3A = arith.constant 0 : index
    %get3A_0 = arith.constant 0 : index
    %get3A_1 = arith.constant 0 : index
    %get3A_2 = vector.load %arg1[%get3A, %get3A_0, %get3A_1] : memref<1x64x1024xf32, #tpu.memory_space<vmem>>, vector<1x64x1024xf32>
    %get3A_3 = vector.shape_cast %get3A_2 : vector<1x64x1024xf32> to vector<64x1024xf32>
    %get3A_4 = arith.constant 0 : index
    %get3A_5 = arith.constant 0 : index
    %get3A_6 = vector.load %arg2[%get3A_4, %get3A_5] : memref<1024x64xf32, #tpu.memory_space<vmem>>, vector<1024x64xf32>
    %get3A_7 = arith.constant 0 : index
    %get3A_8 = arith.constant 0 : index
    %get3A_9 = vector.load %arg3[%get3A_7, %get3A_8] : memref<1024x1xf32, #tpu.memory_space<vmem>>, vector<1024x1xf32>
    %get3A_10 = arith.constant 0 : index
    %get3A_11 = arith.constant 0 : index
    %get3A_12 = vector.load %arg4[%get3A_10, %get3A_11] : memref<1024x1024xf32, #tpu.memory_space<vmem>>, vector<1024x1024xf32>
    %mul3A = arith.mulf %get3A_3, %get3A_3 : vector<64x1024xf32>
    %reduce_sum3A = arith.constant dense<0.000000e+00> : vector<1024xf32>
    %reduce_sum3A_13 = vector.multi_reduction <add>, %mul3A, %reduce_sum3A [0] : vector<64x1024xf32> to vector<1024xf32>
    %broadcast_in_dim3A = vector.shape_cast %reduce_sum3A_13 : vector<1024xf32> to vector<1x1024xf32>
    %dot_general3A = arith.constant dense<0.000000e+00> : vector<1024x1024xf32>
    %dot_general3A_14 = tpu.matmul %get3A_6, %get3A_3, %dot_general3A {dimension_numbers = #tpu.dot_dimension_numbers<[1], [0], [0], [1], [0, 0, 1, 1], [], []>, transpose_lhs_hint = false} : vector<1024x64xf32>, vector<64x1024xf32>, vector<1024x1024xf32> -> vector<1024x1024xf32>
    %add3A = vector.broadcast %broadcast_in_dim3A : vector<1x1024xf32> to vector<1024x1024xf32>
    %add3A_15 = vector.broadcast %get3A_9 : vector<1024x1xf32> to vector<1024x1024xf32>
    %add3A_16 = arith.addf %add3A, %add3A_15 : vector<1024x1024xf32>
    %sub3A = arith.subf %add3A_16, %dot_general3A_14 : vector<1024x1024xf32>
    %reduce_min3A = arith.constant dense<0x7F800000> : vector<1024xf32>
    %reduce_min3A_17 = vector.multi_reduction <minimumf>, %sub3A, %reduce_min3A [0] : vector<1024x1024xf32> to vector<1024xf32>
    %broadcast_in_dim3A_18 = vector.shape_cast %reduce_min3A_17 : vector<1024xf32> to vector<1x1024xf32>
    %eq3A = vector.broadcast %broadcast_in_dim3A_18 : vector<1x1024xf32> to vector<1024x1024xf32>
    %eq3A_19 = arith.cmpf oeq, %sub3A, %eq3A : vector<1024x1024xf32>
    %jit3A = arith.constant 2.000000e+00 : f32
    %broadcast_in_dim3A_20 = vector.broadcast %jit3A : f32 to vector<1024x1024xf32>
    %select_n3A = arith.select %eq3A_19, %get3A_12, %broadcast_in_dim3A_20 : vector<1024x1024xi1>, vector<1024x1024xf32>
    %reduce_min3A_21 = arith.constant dense<0x7F800000> : vector<1024xf32>
    %reduce_min3A_22 = vector.multi_reduction <minimumf>, %select_n3A, %reduce_min3A_21 [0] : vector<1024x1024xf32> to vector<1024xf32>
    %broadcast_in_dim3A_23 = vector.shape_cast %reduce_min3A_22 : vector<1024xf32> to vector<1x1024xf32>
    %bitcast_convert_type3A = tpu.bitcast %broadcast_in_dim3A_23 : vector<1x1024xf32> -> vector<1x1024xi32>
    %sub3A_24 = arith.constant 1065353216 : i32
    %sub3A_25 = vector.broadcast %sub3A_24 : i32 to vector<1x1024xi32>
    %sub3A_26 = arith.subi %bitcast_convert_type3A, %sub3A_25 : vector<1x1024xi32>
    %swap3A = arith.constant 0 : index
    %swap3A_27 = arith.constant 0 : index
    %swap3A_28 = arith.constant 0 : index
    %swap3A_29 = vector.load %arg5[%swap3A, %swap3A_27, %swap3A_28] : memref<1x1x1024xi32, #tpu.memory_space<vmem>>, vector<1x1x1024xi32>
    %swap3A_30 = vector.shape_cast %swap3A_29 : vector<1x1x1024xi32> to vector<1x1024xi32>
    %swap3A_31 = vector.shape_cast %sub3A_26 : vector<1x1024xi32> to vector<1x1x1024xi32>
    tpu.vector_store %arg5[%swap3A, %swap3A_27, %swap3A_28], %swap3A_31 {strides = array<i32>} : memref<1x1x1024xi32, #tpu.memory_space<vmem>>, vector<1x1x1024xi32>,
    %eq3A_32 = arith.constant 0 : i32
    %eq3A_33 = arith.cmpi eq, %arg0, %eq3A_32 : i32
    %convert_element_type3A = arith.extui %eq3A_33 : i1 to i32
    %cond3A = arith.constant 0 : i32
    %cond3A_34 = arith.cmpi ne, %convert_element_type3A, %cond3A : i32
    scf.if %cond3A_34 {
      %swap3A_47 = arith.constant 0.000000e+00 : f32
      %swap3A_48 = arith.constant 0 : index
      %swap3A_49 = arith.constant 0 : index
      %swap3A_50 = memref.load %arg6[%swap3A_48, %swap3A_49] : memref<1x1xf32, #tpu.memory_space<smem>>
      memref.store %swap3A_47, %arg6[%swap3A_48, %swap3A_49] : memref<1x1xf32, #tpu.memory_space<smem>>
    } else {
    }
    %get3A_35 = arith.constant 0 : index
    %get3A_36 = arith.constant 0 : index
    %get3A_37 = memref.load %arg6[%get3A_35, %get3A_36] : memref<1x1xf32, #tpu.memory_space<smem>>
    %reduce_sum3A_38 = vector.shape_cast %broadcast_in_dim3A_18 : vector<1x1024xf32> to vector<1x1x1024xf32>
    %reduce_sum3A_39 = arith.constant dense<0.000000e+00> : vector<1xf32>
    %reduce_sum3A_40 = vector.multi_reduction <add>, %reduce_sum3A_38, %reduce_sum3A_39 [1, 2] : vector<1x1x1024xf32> to vector<1xf32>
    %reduce_sum3A_41 = vector.shape_cast %reduce_sum3A_40 : vector<1xf32> to vector<1x1x1xf32>
    %reduce_sum3A_42 = vector.extract %reduce_sum3A_41[0, 0, 0] : f32 from vector<1x1x1xf32>
    %add3A_43 = arith.addf %get3A_37, %reduce_sum3A_42 : f32
    %swap3A_44 = arith.constant 0 : index
    %swap3A_45 = arith.constant 0 : index
    %swap3A_46 = memref.load %arg6[%swap3A_44, %swap3A_45] : memref<1x1xf32, #tpu.memory_space<smem>>
    memref.store %add3A_43, %arg6[%swap3A_44, %swap3A_45] : memref<1x1xf32, #tpu.memory_space<smem>>
    return
  }
  func.func @transform_0(%arg0: i32) -> (i32, i32, i32) {
    %c0_i32 = arith.constant 0 : i32
    %c0_i32_0 = arith.constant 0 : i32
    %c0_i32_1 = arith.constant 0 : i32
    return %arg0, %c0_i32, %c0_i32_0 : i32, i32, i32
  }
  func.func @transform_1(%arg0: i32) -> (i32, i32) {
    %c0_i32 = arith.constant 0 : i32
    %c0_i32_0 = arith.constant 0 : i32
    %c0_i32_1 = arith.constant 0 : i32
    return %c0_i32, %c0_i32_0 : i32, i32
  }
  func.func @transform_2(%arg0: i32) -> (i32, i32) {
    %c0_i32 = arith.constant 0 : i32
    %c0_i32_0 = arith.constant 0 : i32
    %c0_i32_1 = arith.constant 0 : i32
    return %c0_i32, %c0_i32_0 : i32, i32
  }
  func.func @transform_3(%arg0: i32) -> (i32, i32) {
    %c0_i32 = arith.constant 0 : i32
    %c0_i32_0 = arith.constant 0 : i32
    %c0_i32_1 = arith.constant 0 : i32
    return %c0_i32, %c0_i32_0 : i32, i32
  }
  func.func @transform_4(%arg0: i32) -> (i32, i32, i32) {
    %c0_i32 = arith.constant 0 : i32
    %c0_i32_0 = arith.constant 0 : i32
    %c0_i32_1 = arith.constant 0 : i32
    return %arg0, %c0_i32, %c0_i32_0 : i32, i32, i32
  }
  func.func @transform_5(%arg0: i32) -> (i32, i32) {
    %c0_i32 = arith.constant 0 : i32
    %c0_i32_0 = arith.constant 0 : i32
    %c0_i32_1 = arith.constant 0 : i32
    return %c0_i32, %c0_i32_0 : i32, i32
  }
}

</mosaic_0001>

<sc_bundles>
// kernel: kernel.4.cloned.1.call-start
scs
__scs_entry_jumppad:
0x0: {  	(pc) =	sbr.rel $0x88, $3  }
0x1: {  	(tag) =	ssettag $0x0;
	lr =	simm.s32 $0x1  }
0x2: {  	[smem:$0x3F9F] =	sst lr;
	_ =	strace $0xD0000000  }
0x3: {  	_ = 	snop  }
0x4: {  	_ = 	snop  }
0x5: {  	_ = 	snop  }
0x6: {  	_ = 	snop  }
0x7: {  	_ = 	snop  }
__scs_overlays_trampoline_lowered:
0x8: {  	[smem:$0x3FAE] =	sst s0  }
0x9: {  	[smem:$0x3FAF] =	sst s1  }
0xa: {  	[smem:$0x3FB0] =	sst s2  }
0xb: {  	[smem:$0x3FB1] =	sst s3  }
0xc: {  	[smem:$0x3FB2] =	sst s4  }
0xd: {  	[smem:$0x3FB3] =	sst s5  }
0xe: {  	[smem:$0x3FB4] =	sst s6  }
0xf: {  	[smem:$0x3FB5] =	sst s7  }
0x10: {  	[smem:$0x3FB6] =	sst s8  }
0x11: {  	[smem:$0x3FB7] =	sst s9;
	s0 =	simm.s32 @!p0 $0x0  }
0x12: {  	s1 =	sld [smem:$0x3F9D];
	s0 =	simm.s32 @p0 $0x1  }
0x13: {  	[smem:$0x3FB8] =	sst s0;
	s0 =	simm.s32 @!p1 $0x0  }
0x14: {  	s2 =	sld [smem:$0x3F9C];
	s0 =	simm.s32 @p1 $0x1  }
0x15: {  	[smem:$0x3FB9] =	sst s0;
	s0 =	simm.s32 @!p2 $0x0  }
0x16: {  	s3 =	sld [smem:$0x3FDB];
	s0 =	simm.s32 @p2 $0x1  }
0x17: {  	s4 =	simm.s32 $0x1BF5;
	[smem:$0x3FBB] =	sst s0  }
0x18: {  	s0 =	sld [smem:$0x3F9E];
	_ =	swait.ge [sflag:s4], $0x0  }
0x19: {  	s7 =	sld [smem:$0x3F9F]  }
0x1a: {  	s8 =	sadd.s32 $0xFFFFE003, lr  }
0x1b: {  	s9 =	sadd.s32 $0xFFFFFEF7, lr;
	s5 =	simm.s32 $0xFFFFFFFF;
	p2 =	slt.u32 s8, $0xFFFFF086  }
0x1c: {  	p1 =	slt.u32 s9, $0xF7A;
	s5 =	simm.s32 @!p2 $0x0  }
0x1d: {  	s5 =	simm.s32 @p1 $0x1;
	p0 =	seq.s32 s7, s2  }
0x1e: {  	s7 =	smul.u32 @!p0 $0xF7A, s2;
	p2 =	seq.s32 @!p0 s5, $0x0  }
0x1f: {  	s9 =	smul.u32 $0xF7A, s1;
	s8 =	simm.s32 @!p0 $0x1BF5;
	p2 =	por !p2, p0  }
0x20: {  	[sflag:s8] =	ssyncset.s32 @!p0 $0xFFFFF086;
	s6 =	sadd.s32 @!p0 s3, s7;
	s7 =	simm.s32 @!p0 $0x108  }
0x21: {  	s3 =	sadd.s32 s3, s9;
	s6 =	sadd.s32 @!p0 $0x88, s6;
	s7 =	simm.s32 @p2 $0x1082  }
0x22: {  	[simem:s7], [sflag:s8] =	dma.local @!p0 [hbm:s6], $0xF7A  }
0x23: {  	s9 =	sor.u32 $0xD0000000, s2;
	s6 =	simm.s32 $0x108;
	_ =	swait.ge @!p0 [sflag:s8], $0x0  }
0x24: {  	s3 =	sadd.s32 $0x88, s3;
	s6 =	simm.s32 @!p1 $0x1082;
	[sflag:s4] =	ssyncset.s32 $0xFFFFF086  }
0x25: {  	[simem:s6], [sflag:s4] =	dma.local [hbm:s3], $0xF7A  }
0x26: {  	[smem:$0x3F9F] =	sst s1;
	(tag) =	ssettag s2;
	_ =	strace s9  }
0x27: {  	s1 =	sld [smem:$0x3FAF]  }
0x28: {  	s2 =	sld [smem:$0x3FB0]  }
0x29: {  	s4 =	sld [smem:$0x3FB2]  }
0x2a: {  	p0 =	seq.s32 s5, $0x0;
	s5 =	sld [smem:$0x3FB3]  }
0x2b: {  	s6 =	sld [smem:$0x3FB4]  }
0x2c: {  	s7 =	sld [smem:$0x3FB5]  }
0x2d: {  	s3 =	simm.s32 $0x108;
	s8 =	sld [smem:$0x3FB6]  }
0x2e: {  	s3 =	simm.s32 @!p0 $0x1082;
	s9 =	sld [smem:$0x3FB7]  }
0x2f: {  	lr =	sadd.s32 s0, s3;
	s0 =	sld [smem:$0x3FAE]  }
0x30: {  	s3 =	sld [smem:$0x3FB1]  }
0x31: {  	[smem:$0x3FBA] =	sst s10  }
0x32: {  	s10 =	sld [smem:$0x3FB8];
	_ =	sdelay $0x3  }
0x33: {  	p0 =	seq.s32 s10, $0x1;
	s10 =	sld [smem:$0x3FBA];
	_ =	sdelay $0x3  }
0x34: {  	[smem:$0x3FBA] =	sst s10  }
0x35: {  	s10 =	sld [smem:$0x3FB9];
	_ =	sdelay $0x3  }
0x36: {  	p1 =	seq.s32 s10, $0x1;
	s10 =	sld [smem:$0x3FBA];
	_ =	sdelay $0x3  }
0x37: {  	[smem:$0x3FBA] =	sst s10  }
0x38: {  	s10 =	sld [smem:$0x3FBB]  }
0x39: {  	_ = 	snop;
	(pc) =	sbr.ind lr, $3  }
0x3a: {  	_ = 	snop  }
0x3b: {  	_ = 	snop  }
0x3c: {  	p2 =	seq.s32 s10, $0x1;
	s10 =	sld [smem:$0x3FBA]  }
0x3d: {  	_ =	shalt  }
0x3e: {  	_ =	shalt  }
0x3f: {  	_ =	shalt  }
0x40: {  	_ =	shalt  }
0x41: {  	_ =	shalt  }
0x42: {  	_ =	shalt  }
0x43: {  	_ =	shalt  }
0x44: {  	_ =	shalt  }
0x45: {  	_ =	shalt  }
0x46: {  	_ =	shalt  }
0x47: {  	_ =	shalt  }
0x48: {  	_ =	shalt  }
0x49: {  	_ =	shalt  }
0x4a: {  	_ =	shalt  }
0x4b: {  	_ =	shalt  }
0x4c: {  	_ =	shalt  }
0x4d: {  	_ =	shalt  }
0x4e: {  	_ =	shalt  }
0x4f: {  	_ =	shalt  }
0x50: {  	_ =	shalt  }
0x51: {  	_ =	shalt  }
0x52: {  	_ =	shalt  }
0x53: {  	_ =	shalt  }
0x54: {  	_ =	shalt  }
0x55: {  	_ =	shalt  }
0x56: {  	_ =	shalt  }
0x57: {  	_ =	shalt  }
0x58: {  	_ =	shalt  }
0x59: {  	_ =	shalt  }
0x5a: {  	_ =	shalt  }
0x5b: {  	_ =	shalt  }
0x5c: {  	_ =	shalt  }
0x5d: {  	_ =	shalt  }
0x5e: {  	_ =	shalt  }
0x5f: {  	_ =	shalt  }
0x60: {  	_ =	shalt  }
0x61: {  	_ =	shalt  }
0x62: {  	_ =	shalt  }
0x63: {  	_ =	shalt  }
0x64: {  	_ =	shalt  }
0x65: {  	_ =	shalt  }
0x66: {  	_ =	shalt  }
0x67: {  	_ =	shalt  }
0x68: {  	_ =	shalt  }
0x69: {  	_ =	shalt  }
0x6a: {  	_ =	shalt  }
0x6b: {  	_ =	shalt  }
0x6c: {  	_ =	shalt  }
0x6d: {  	_ =	shalt  }
0x6e: {  	_ =	shalt  }
0x6f: {  	_ =	shalt  }
0x70: {  	_ =	shalt  }
0x71: {  	_ =	shalt  }
0x72: {  	_ =	shalt  }
0x73: {  	_ =	shalt  }
0x74: {  	_ =	shalt  }
0x75: {  	_ =	shalt  }
0x76: {  	_ =	shalt  }
0x77: {  	_ =	shalt  }
0x78: {  	_ =	shalt  }
0x79: {  	_ =	shalt  }
0x7a: {  	_ =	shalt  }
0x7b: {  	_ =	shalt  }
0x7c: {  	_ =	shalt  }
0x7d: {  	_ =	shalt  }
0x7e: {  	_ =	shalt  }
0x7f: {  	_ =	shalt  }
0x80: {  	_ =	shalt  }
0x81: {  	_ =	shalt  }
0x82: {  	_ =	shalt  }
0x83: {  	_ =	shalt  }
0x84: {  	_ =	shalt  }
0x85: {  	_ =	shalt  }
0x86: {  	_ =	shalt  }
0x87: {  	_ =	shalt  }
.Lfunc_end0:
.L_simem_size_0:
called_computation_lowered:
.L_overlay_start_0:
0x88: {  	s2 =	sld [smem:$0x3FD9]  }
0x89: {  	s3 =	sld [smem:$0x3FFE];
	_ =	sdelay $0x1  }
0x8a: {  	s1 =	srdreg.scid  }
0x8b: {  	s0 =	sand.u32 $0x1, s1  }
0x8c: {  	s14 =	sshll.u32 s0, $0xA;
	s2 =	sadd.s32 s3, s2  }
0x8d: {  	s2 =	sadd.s32 s2, s14  }
0x8e: {  	[smem:$0x3FC6] =	sst s2  }
0x8f: {  	_ = 	snop  }
0x90: {  	s2 =	sld [smem:$0x3FD0];
	_ =	sdelay $0x2  }
0x91: {  	s15 =	simm.s32 $0xA;
	s4 =	simm.s32 $0x10  }
0x92: {  	[smem:s4], [sflag:s15] =	dma.local [hbm:s2], $0x1  }
0x93: {  	_ =	swait.eq [sflag:s15], $0x1  }
0x94: {  	[sflag:s15] =	ssyncset.done $0x0  }
0x95: {  	[sflag:s15] =	ssyncadd.s32 $0xFFFFFFFF  }
0x96: {  	s16 =	sld [smem:$0x10];
	(tm) =	ssettm $0x1  }
0x97: {  	s17 =	sld [smem:$0x3FFB];
	_ =	sdelay $0x3  }
0x98: {  	_ =	strace s17  }
0x99: {  	s3 =	sld [smem:$0x3FFC];
	_ =	sdelay $0x3  }
0x9a: {  	_ =	strace s3  }
0x9b: {  	s3 =	sld [smem:$0x3FFD];
	_ =	sdelay $0x3  }
0x9c: {  	_ =	strace s3  }
0x9d: {  	_ =	strace $0x8FFFFFFF  }
0x9e: {  	s18 =	sld [smem:$0x3FDB];
	_ =	sdelay $0x1  }
0x9f: {  	s19 =	simm.s32 $_scs_section_size  }
0xa0: {  	s5 =	simm.s32 $_size__tile_overlayer_lowered;
	s6 =	simm.s32 $_tile_overlayer_lowered  }
0xa1: {  	s22 =	simm.s32 $0x1BFF;
	s21 =	sshll.u32 s6, $0x1;
	s3 =	sadd.s32 s19, s18  }
0xa2: {  	s7 =	simm.s32 $0x0;
	s20 =	sshll.u32 s5, $0x1;
	s5 =	sadd.s32 s21, s3  }
0xa3: {  	[timem:s7], [sflag:s22] =	dma.local [hbm:s5], s20  }
0xa4: {  	_ =	swait.ge [sflag:s22], s20  }
0xa5: {  	s4 =	ssub.s32 $0x0, s20;
	[sflag:s22] =	ssyncset.done $0x0  }
0xa6: {  	[sflag:s22] =	ssyncadd.s32 s4;
	_ =	sdelay $0x1  }
0xa7: {  	s23 =	simm.s32 $0x1B8B  }
0xa8: {  	_ =	swait.ge [sflag:s23], $0x1  }
0xa9: {  	[sflag:s23] =	ssyncset.done $0x0  }
0xaa: {  	s25 =	simm.s32 $0x1B8E;
	s24 =	sld [smem:$0x3FFE];
	[sflag:s23] =	ssyncadd.s32 $0xFFFFFFFF  }
0xab: {  	s26 =	simm.s32 $execute0_lowered;
	[smem:$0x3FD2] =	sst s25  }
0xac: {  	s5 =	sshll.u32 s26, $0x1;
	_ =	strace $0x80000046;
	[dreg:$0x1] =	wrdreg $0xFFFFFFFF  }
0xad: {  	s28 =	simm.s32 $_size_execute0_lowered;
	s3 =	sadd.s32 s3, s5;
	[dreg:$0x0] =	wrdreg $0x0  }
0xae: {  	s5 =	sshll.u32 s28, $0x1;
	[dreg:$0x2] =	wrdreg s3  }
0xaf: {  	[dreg:$0x3] =	wrdreg s5  }
0xb0: {  	[dreg:$0x4] =	wrdreg $0xC0  }
0xb1: {  	_ =	task [dreg:s7], $0x5FFFF  }
0xb2: {  	[dreg:$0x1] =	wrdreg $0xFFFFFFFF  }
0xb3: {  	[dreg:$0x0] =	wrdreg $0x60  }
0xb4: {  	[dreg:$0x2] =	wrdreg s24  }
0xb5: {  	[dreg:$0x3] =	wrdreg s16  }
0xb6: {  	[dreg:$0x4] =	wrdreg $0x9  }
0xb7: {  	_ =	task.clear_ibuf [dreg:s7], $0x5FFFF;
	_ =	strace $0x90000046  }
0xb8: {  	s29 =	simm.s32 $0x9;
	_ =	strace $0x80000048  }
0xb9: {  	_ =	swait.ge [sflag:s29], $0x1  }
0xba: {  	[sflag:s29] =	ssyncadd.s32 $0xFFFFFFFF  }
0xbb: {  	_ =	strace $0x90000048  }
0xbc: {  	_ =	sfence  }
0xbd: {  	s30 =	sld [smem:$0x0];
	_ =	sdelay $0x2  }
0xbe: {  	s31 =	sshll.u32 s1, $0xD;
	s1 =	sshrl.u32 s1, $0x2  }
0xbf: {  	s3 =	sand.u32 $0x4000, s31;
	s1 =	sadd.s32 s1, s30  }
0xc0: {  	s0 =	sor.u32 s3, s0;
	s1 =	sshll.u32 s1, $0x11  }
0xc1: {  	s0 =	sor.u32 s1, s0  }
0xc2: {  	s0 =	sadd.s32 $0x8F2B, s0  }
0xc3: {  	[sflag:s0] =	ssyncadd.remote.s32 $0x1  }
0xc4: {  	_ =	sfence.sel $0xFFFF  }
0xc5: {  	[dreg:$0x0] =	wrdreg $0xFFFFFFFF;
	(pc) =	sbr.abs _section_cstart, $3  }
0xc6: {  	[dreg:$0x1] =	wrdreg $0xFFFFFFFF  }
0xc7: {  	_ =	task.clear_ibuf [dreg:s7], $0x2FFFF;
	_ =	strace $0x9FFFFFFF  }
0xc8: {  	(tm) =	ssettm $0x7FFFFFFF  }
0xc9: {  	_ =	shalt  }
tec
execute0_lowered:
.L_overlay_start_1:
0x0: {  	(tag) =	ssettag $0x1  }
0x1: {  	s0 =	rddreg [dreg:$0x0]  }
0x2: {  	s1 =	rddreg [dreg:$0x1];
	s4 =	simm.s32 $0x0;
	s2 =	srdreg.scid  }
0x3: {  	s3 =	stileid.u32;
	s13 =	simm.s32 $0x1;
	s15 =	simm.s32 $0x9000  }
0x4: {  	s28 =	simm.s32 $0xA000;
	s29 =	simm.s32 $0xA400;
	s30 =	simm.s32 $0xA800  }
0x5: {  	s31 =	simm.s32 $0xAC00;
	s9 =	simm.s32 $0xB800;
	s5 =	simm.s32 $0xC000  }
0x6: {  	s6 =	simm.s32 $0xC400;
	s7 =	simm.s32 $0xC800;
	s8 =	simm.s32 $0xD000  }
0x7: {  	s11 =	simm.s32 $0xD800;
	s16 =	simm.s32 $0xDC00;
	s17 =	simm.s32 $0xE000  }
0x8: {  	s18 =	simm.s32 $0xE400;
	s19 =	simm.s32 $0xE800;
	s20 =	simm.s32 $0xEC00  }
0x9: {  	s12 =	simm.s32 $0x0;
	[smem:$0x7FF] =	sst s4;
	s2 =	sand.u32 $0x1, s2  }
0xa: {  	s3 =	sshll.u32 s3, $0x1;
	s21 =	sadd.s32 $0x400, s0;
	s4 =	simm.s32 $0xCC00  }
0xb: {  	_ =	strace $0x80000047;
	[dreg:$0x3] =	wrdreg s21;
	s3 =	sor.u32 s2, s3  }
0xc: {  	s2 =	ssub.s32 $0x2, s2;
	s21 =	simm.s32 $0xF000;
	s22 =	sshll.u32 s3, $0x7  }
0xd: {  	s3 =	sshll.u32 s3, $0xD;
	s23 =	sshrl.u32 s2, $0x1;
	s0 =	sadd.s32 s22, s0  }
0xe: {  	s3 =	sadd.s32 s1, s3;
	s24 =	ssub.s32 s2, s23;
	s1 =	simm.s32 $0xB400  }
0xf: {  	s2 =	simm.s32 $0xD400;
	s0 =	sadd.s32 $0x2400, s0;
	[dreg:$0x4] =	wrdreg s3  }
0x10: {  	s22 =	simm.s32 $0xF400;
	s25 =	sadd.s32 $0x40, s3;
	[dreg:$0x5] =	wrdreg s0  }
0x11: {  	s23 =	simm.s32 $0xF800;
	s26 =	smax.u32 s24, $0x1;
	[dreg:$0x6] =	wrdreg s25  }
0x12: {  	s24 =	simm.s32 $0x9400;
	s3 =	simm.s32 $0xBC00;
	[dreg:$0x7] =	wrdreg s26  }
0x13: {  	s25 =	simm.s32 $0x9800;
	s26 =	simm.s32 $0x9C00;
	s0 =	simm.s32 $0xB000  }
.LBB2_1:
0x14: {  	[dreg:$0x8] =	wrdreg s12  }
0x15: {  	s12 =	simm.s32 $0x0;
	s10 =	rddreg [dreg:$0x3]  }
0x16: {  	[tilespmem:s12], [sflag:$0x1] =	stream.linear.gather [hbm4b:s10+s12], $0x10000, $0x38;
	[tilespmem:$0x18400] =	vst v63  }
0x17: {  	_ =	swait.ge [sflag:s13], $0x10000  }
0x18: {  	[sflag:s13] =	ssyncset.done $0x0  }
0x19: {  	s14 =	simm.s32 $0x10000;
	s10 =	rddreg [dreg:$0x5];
	[sflag:s13] =	ssyncadd.s32 $0xFFFF0000  }
0x1a: {  	[tilespmem:s14], [sflag:$0x1] =	stream.linear.gather [hbm4b:s10+s12], $0x400, $0x38;
	[tilespmem:$0x18400] =	vst v63  }
0x1b: {  	_ =	swait.ge [sflag:s13], $0x400  }
0x1c: {  	[sflag:s13] =	ssyncset.done $0x0  }
0x1d: {  	s10 =	simm.s32 $0x0;
	[sflag:s13] =	ssyncadd.s32 $0xFFFFFC00  }
0x1e: {  	v0 =	vld [tilespmem:s10+$0x10000];
	_ =	sdelay $0x7  }
0x1f: {  	v1 =	vld.idx.msk [tilespmem:v0+s12+$0x0], $0xffff;
	_ =	sdelay $0x4  }
0x20: {  	s14 =	simm.s32 $0x400;
	[tilespmem:s10+$0x10400] =	vst v1  }
0x21: {  	v1 =	vld.idx.msk [tilespmem:v0+s14+$0x0], $0xffff;
	_ =	sdelay $0x4  }
0x22: {  	s13 =	simm.s32 $0x800;
	[tilespmem:s10+$0x10600] =	vst v1  }
0x23: {  	v1 =	vld.idx.msk [tilespmem:v0+s13+$0x0], $0xffff;
	_ =	sdelay $0x4  }
0x24: {  	s14 =	simm.s32 $0xC00;
	[tilespmem:s10+$0x10800] =	vst v1  }
0x25: {  	v1 =	vld.idx.msk [tilespmem:v0+s14+$0x0], $0xffff;
	_ =	sdelay $0x4  }
0x26: {  	s13 =	simm.s32 $0x1000;
	[tilespmem:s10+$0x10A00] =	vst v1  }
0x27: {  	v1 =	vld.idx.msk [tilespmem:v0+s13+$0x0], $0xffff;
	_ =	sdelay $0x4  }
0x28: {  	s14 =	simm.s32 $0x1400;
	[tilespmem:s10+$0x10C00] =	vst v1  }
0x29: {  	v1 =	vld.idx.msk [tilespmem:v0+s14+$0x0], $0xffff;
	_ =	sdelay $0x4  }
0x2a: {  	s13 =	simm.s32 $0x1800;
	[tilespmem:s10+$0x10E00] =	vst v1  }
0x2b: {  	v1 =	vld.idx.msk [tilespmem:v0+s13+$0x0], $0xffff;
	_ =	sdelay $0x4  }
0x2c: {  	s14 =	simm.s32 $0x1C00;
	[tilespmem:s10+$0x11000] =	vst v1  }
0x2d: {  	v1 =	vld.idx.msk [tilespmem:v0+s14+$0x0], $0xffff;
	_ =	sdelay $0x4  }
0x2e: {  	s13 =	simm.s32 $0x2000;
	[tilespmem:s10+$0x11200] =	vst v1  }
0x2f: {  	v1 =	vld.idx.msk [tilespmem:v0+s13+$0x0], $0xffff;
	_ =	sdelay $0x4  }
0x30: {  	s14 =	simm.s32 $0x2400;
	[tilespmem:s10+$0x11400] =	vst v1  }
0x31: {  	v1 =	vld.idx.msk [tilespmem:v0+s14+$0x0], $0xffff;
	_ =	sdelay $0x4  }
0x32: {  	s13 =	simm.s32 $0x2800;
	[tilespmem:s10+$0x11600] =	vst v1  }
0x33: {  	v1 =	vld.idx.msk [tilespmem:v0+s13+$0x0], $0xffff;
	_ =	sdelay $0x4  }
0x34: {  	s14 =	simm.s32 $0x2C00;
	[tilespmem:s10+$0x11800] =	vst v1  }
0x35: {  	v1 =	vld.idx.msk [tilespmem:v0+s14+$0x0], $0xffff;
	_ =	sdelay $0x4  }
0x36: {  	s13 =	simm.s32 $0x3000;
	[tilespmem:s10+$0x11A00] =	vst v1  }
0x37: {  	v1 =	vld.idx.msk [tilespmem:v0+s13+$0x0], $0xffff;
	_ =	sdelay $0x4  }
0x38: {  	s14 =	simm.s32 $0x3400;
	[tilespmem:s10+$0x11C00] =	vst v1  }
0x39: {  	v1 =	vld.idx.msk [tilespmem:v0+s14+$0x0], $0xffff;
	_ =	sdelay $0x4  }
0x3a: {  	s13 =	simm.s32 $0x3800;
	[tilespmem:s10+$0x11E00] =	vst v1  }
0x3b: {  	v1 =	vld.idx.msk [tilespmem:v0+s13+$0x0], $0xffff;
	_ =	sdelay $0x4  }
0x3c: {  	s14 =	simm.s32 $0x3C00;
	[tilespmem:s10+$0x12000] =	vst v1  }
0x3d: {  	v1 =	vld.idx.msk [tilespmem:v0+s14+$0x0], $0xffff;
	_ =	sdelay $0x4  }
0x3e: {  	s13 =	simm.s32 $0x4000;
	[tilespmem:s10+$0x12200] =	vst v1  }
0x3f: {  	v1 =	vld.idx.msk [tilespmem:v0+s13+$0x0], $0xffff;
	_ =	sdelay $0x4  }
0x40: {  	s14 =	simm.s32 $0x4400;
	[tilespmem:s10+$0x12400] =	vst v1  }
0x41: {  	v1 =	vld.idx.msk [tilespmem:v0+s14+$0x0], $0xffff;
	_ =	sdelay $0x4  }
0x42: {  	s13 =	simm.s32 $0x4800;
	[tilespmem:s10+$0x12600] =	vst v1  }
0x43: {  	v1 =	vld.idx.msk [tilespmem:v0+s13+$0x0], $0xffff;
	_ =	sdelay $0x4  }
0x44: {  	s14 =	simm.s32 $0x4C00;
	[tilespmem:s10+$0x12800] =	vst v1  }
0x45: {  	v1 =	vld.idx.msk [tilespmem:v0+s14+$0x0], $0xffff;
	_ =	sdelay $0x4  }
0x46: {  	s13 =	simm.s32 $0x5000;
	[tilespmem:s10+$0x12A00] =	vst v1  }
0x47: {  	v1 =	vld.idx.msk [tilespmem:v0+s13+$0x0], $0xffff;
	_ =	sdelay $0x4  }
0x48: {  	s14 =	simm.s32 $0x5400;
	[tilespmem:s10+$0x12C00] =	vst v1  }
0x49: {  	v1 =	vld.idx.msk [tilespmem:v0+s14+$0x0], $0xffff;
	_ =	sdelay $0x4  }
0x4a: {  	s13 =	simm.s32 $0x5800;
	[tilespmem:s10+$0x12E00] =	vst v1  }
0x4b: {  	v1 =	vld.idx.msk [tilespmem:v0+s13+$0x0], $0xffff;
	_ =	sdelay $0x4  }
0x4c: {  	s14 =	simm.s32 $0x5C00;
	[tilespmem:s10+$0x13000] =	vst v1  }
0x4d: {  	v1 =	vld.idx.msk [tilespmem:v0+s14+$0x0], $0xffff;
	_ =	sdelay $0x4  }
0x4e: {  	s13 =	simm.s32 $0x6000;
	[tilespmem:s10+$0x13200] =	vst v1  }
0x4f: {  	v1 =	vld.idx.msk [tilespmem:v0+s13+$0x0], $0xffff;
	_ =	sdelay $0x4  }
0x50: {  	s14 =	simm.s32 $0x6400;
	[tilespmem:s10+$0x13400] =	vst v1  }
0x51: {  	v1 =	vld.idx.msk [tilespmem:v0+s14+$0x0], $0xffff;
	_ =	sdelay $0x4  }
0x52: {  	s13 =	simm.s32 $0x6800;
	[tilespmem:s10+$0x13600] =	vst v1  }
0x53: {  	v1 =	vld.idx.msk [tilespmem:v0+s13+$0x0], $0xffff;
	_ =	sdelay $0x4  }
0x54: {  	s14 =	simm.s32 $0x6C00;
	[tilespmem:s10+$0x13800] =	vst v1  }
0x55: {  	v1 =	vld.idx.msk [tilespmem:v0+s14+$0x0], $0xffff;
	_ =	sdelay $0x4  }
0x56: {  	s13 =	simm.s32 $0x7000;
	[tilespmem:s10+$0x13A00] =	vst v1  }
0x57: {  	v1 =	vld.idx.msk [tilespmem:v0+s13+$0x0], $0xffff;
	_ =	sdelay $0x4  }
0x58: {  	s14 =	simm.s32 $0x7400;
	[tilespmem:s10+$0x13C00] =	vst v1  }
0x59: {  	v1 =	vld.idx.msk [tilespmem:v0+s14+$0x0], $0xffff;
	_ =	sdelay $0x4  }
0x5a: {  	s13 =	simm.s32 $0x7800;
	[tilespmem:s10+$0x13E00] =	vst v1  }
0x5b: {  	v1 =	vld.idx.msk [tilespmem:v0+s13+$0x0], $0xffff;
	_ =	sdelay $0x4  }
0x5c: {  	s14 =	simm.s32 $0x7C00;
	[tilespmem:s10+$0x14000] =	vst v1  }
0x5d: {  	v1 =	vld.idx.msk [tilespmem:v0+s14+$0x0], $0xffff;
	_ =	sdelay $0x4  }
0x5e: {  	s13 =	simm.s32 $0x8000;
	[tilespmem:s10+$0x14200] =	vst v1  }
0x5f: {  	v1 =	vld.idx.msk [tilespmem:v0+s13+$0x0], $0xffff;
	_ =	sdelay $0x4  }
0x60: {  	s14 =	simm.s32 $0x8400;
	[tilespmem:s10+$0x14400] =	vst v1  }
0x61: {  	v1 =	vld.idx.msk [tilespmem:v0+s14+$0x0], $0xffff;
	_ =	sdelay $0x4  }
0x62: {  	s13 =	simm.s32 $0x8800;
	[tilespmem:s10+$0x14600] =	vst v1  }
0x63: {  	v1 =	vld.idx.msk [tilespmem:v0+s13+$0x0], $0xffff;
	_ =	sdelay $0x4  }
0x64: {  	s14 =	simm.s32 $0x8C00;
	[tilespmem:s10+$0x14800] =	vst v1  }
0x65: {  	v1 =	vld.idx.msk [tilespmem:v0+s14+$0x0], $0xffff;
	_ =	sdelay $0x4  }
0x66: {  	[tilespmem:s10+$0x14A00] =	vst v1  }
0x67: {  	v1 =	vld.idx.msk [tilespmem:v0+s15+$0x0], $0xffff;
	_ =	sdelay $0x4  }
0x68: {  	[tilespmem:s10+$0x14C00] =	vst v1  }
0x69: {  	v1 =	vld.idx.msk [tilespmem:v0+s24+$0x0], $0xffff;
	_ =	sdelay $0x4  }
0x6a: {  	[tilespmem:s10+$0x14E00] =	vst v1  }
0x6b: {  	v1 =	vld.idx.msk [tilespmem:v0+s25+$0x0], $0xffff;
	_ =	sdelay $0x4  }
0x6c: {  	[tilespmem:s10+$0x15000] =	vst v1  }
0x6d: {  	v1 =	vld.idx.msk [tilespmem:v0+s26+$0x0], $0xffff;
	_ =	sdelay $0x4  }
0x6e: {  	[tilespmem:s10+$0x15200] =	vst v1  }
0x6f: {  	v1 =	vld.idx.msk [tilespmem:v0+s28+$0x0], $0xffff;
	_ =	sdelay $0x4  }
0x70: {  	[tilespmem:s10+$0x15400] =	vst v1  }
0x71: {  	v1 =	vld.idx.msk [tilespmem:v0+s29+$0x0], $0xffff;
	_ =	sdelay $0x4  }
0x72: {  	[tilespmem:s10+$0x15600] =	vst v1  }
0x73: {  	v1 =	vld.idx.msk [tilespmem:v0+s30+$0x0], $0xffff;
	_ =	sdelay $0x4  }
0x74: {  	[tilespmem:s10+$0x15800] =	vst v1  }
0x75: {  	v1 =	vld.idx.msk [tilespmem:v0+s31+$0x0], $0xffff;
	_ =	sdelay $0x4  }
0x76: {  	[tilespmem:s10+$0x15A00] =	vst v1  }
0x77: {  	v1 =	vld.idx.msk [tilespmem:v0+s0+$0x0], $0xffff;
	_ =	sdelay $0x4  }
0x78: {  	[tilespmem:s10+$0x15C00] =	vst v1  }
0x79: {  	v1 =	vld.idx.msk [tilespmem:v0+s1+$0x0], $0xffff;
	_ =	sdelay $0x4  }
0x7a: {  	[tilespmem:s10+$0x15E00] =	vst v1  }
0x7b: {  	v1 =	vld.idx.msk [tilespmem:v0+s9+$0x0], $0xffff;
	_ =	sdelay $0x4  }
0x7c: {  	[tilespmem:s10+$0x16000] =	vst v1  }
0x7d: {  	v1 =	vld.idx.msk [tilespmem:v0+s3+$0x0], $0xffff;
	_ =	sdelay $0x4  }
0x7e: {  	[tilespmem:s10+$0x16200] =	vst v1  }
0x7f: {  	v1 =	vld.idx.msk [tilespmem:v0+s5+$0x0], $0xffff;
	_ =	sdelay $0x4  }
0x80: {  	[tilespmem:s10+$0x16400] =	vst v1  }
0x81: {  	v1 =	vld.idx.msk [tilespmem:v0+s6+$0x0], $0xffff;
	_ =	sdelay $0x4  }
0x82: {  	[tilespmem:s10+$0x16600] =	vst v1  }
0x83: {  	v1 =	vld.idx.msk [tilespmem:v0+s7+$0x0], $0xffff;
	_ =	sdelay $0x4  }
0x84: {  	[tilespmem:s10+$0x16800] =	vst v1  }
0x85: {  	v1 =	vld.idx.msk [tilespmem:v0+s4+$0x0], $0xffff;
	_ =	sdelay $0x4  }
0x86: {  	[tilespmem:s10+$0x16A00] =	vst v1  }
0x87: {  	v1 =	vld.idx.msk [tilespmem:v0+s8+$0x0], $0xffff;
	_ =	sdelay $0x4  }
0x88: {  	[tilespmem:s10+$0x16C00] =	vst v1  }
0x89: {  	v1 =	vld.idx.msk [tilespmem:v0+s2+$0x0], $0xffff;
	_ =	sdelay $0x4  }
0x8a: {  	[tilespmem:s10+$0x16E00] =	vst v1  }
0x8b: {  	v1 =	vld.idx.msk [tilespmem:v0+s11+$0x0], $0xffff;
	_ =	sdelay $0x4  }
0x8c: {  	[tilespmem:s10+$0x17000] =	vst v1  }
0x8d: {  	v1 =	vld.idx.msk [tilespmem:v0+s16+$0x0], $0xffff;
	_ =	sdelay $0x4  }
0x8e: {  	[tilespmem:s10+$0x17200] =	vst v1  }
0x8f: {  	v1 =	vld.idx.msk [tilespmem:v0+s17+$0x0], $0xffff;
	_ =	sdelay $0x4  }
0x90: {  	[tilespmem:s10+$0x17400] =	vst v1  }
0x91: {  	v1 =	vld.idx.msk [tilespmem:v0+s18+$0x0], $0xffff;
	_ =	sdelay $0x4  }
0x92: {  	[tilespmem:s10+$0x17600] =	vst v1  }
0x93: {  	v1 =	vld.idx.msk [tilespmem:v0+s19+$0x0], $0xffff;
	_ =	sdelay $0x4  }
0x94: {  	[tilespmem:s10+$0x17800] =	vst v1  }
0x95: {  	v1 =	vld.idx.msk [tilespmem:v0+s20+$0x0], $0xffff;
	_ =	sdelay $0x4  }
0x96: {  	[tilespmem:s10+$0x17A00] =	vst v1  }
0x97: {  	v1 =	vld.idx.msk [tilespmem:v0+s21+$0x0], $0xffff;
	_ =	sdelay $0x4  }
0x98: {  	[tilespmem:s10+$0x17C00] =	vst v1  }
0x99: {  	v1 =	vld.idx.msk [tilespmem:v0+s22+$0x0], $0xffff;
	_ =	sdelay $0x4  }
0x9a: {  	[tilespmem:s10+$0x17E00] =	vst v1  }
0x9b: {  	v2 =	vld.idx.msk [tilespmem:v0+s23+$0x0], $0xffff;
	_ =	sdelay $0x3  }
0x9c: {  	s12 =	simm.s32 $0x80;
	s13 =	simm.s32 $0x10  }
.LBB2_2:
0x9d: {  	p0 =	sne.s32 s12, $0x7C0;
	v1 =	vld [tilespmem:s13+$0x10000];
	[tilespmem:s10+$0x18000] =	vst v2;
	s14 =	simm.s32 $0xFC00  }
0x9e: {  	v2 =	vld.idx.msk [tilespmem:v0+s14+$0x0], $0xffff;
	_ =	sdelay $0x3  }
0x9f: {  	v0 =	vmov v1;
	_ =	sdelay $0x1  }
0xa0: {  	[tilespmem:s10+$0x18200] =	vst v2;
	s10 =	smov.u32 s13;
	s13 =	simm.s32 $0x0  }
0xa1: {  	v1 =	vld.idx.msk [tilespmem:v1+s13+$0x0], $0xffff;
	_ =	sdelay $0x5  }
0xa2: {  	s13 =	simm.s32 $0x400;
	[tilespmem:s10+$0x10400] =	vst v1  }
0xa3: {  	v1 =	vld.idx.msk [tilespmem:v0+s13+$0x0], $0xffff;
	_ =	sdelay $0x5  }
0xa4: {  	s13 =	simm.s32 $0x800;
	[tilespmem:s10+$0x10600] =	vst v1  }
0xa5: {  	v1 =	vld.idx.msk [tilespmem:v0+s13+$0x0], $0xffff;
	_ =	sdelay $0x5  }
0xa6: {  	s13 =	simm.s32 $0xC00;
	[tilespmem:s10+$0x10800] =	vst v1  }
0xa7: {  	v1 =	vld.idx.msk [tilespmem:v0+s13+$0x0], $0xffff;
	_ =	sdelay $0x5  }
0xa8: {  	s13 =	simm.s32 $0x1000;
	[tilespmem:s10+$0x10A00] =	vst v1  }
0xa9: {  	v1 =	vld.idx.msk [tilespmem:v0+s13+$0x0], $0xffff;
	_ =	sdelay $0x5  }
0xaa: {  	s13 =	simm.s32 $0x1400;
	[tilespmem:s10+$0x10C00] =	vst v1  }
0xab: {  	v1 =	vld.idx.msk [tilespmem:v0+s13+$0x0], $0xffff;
	_ =	sdelay $0x5  }
0xac: {  	s13 =	simm.s32 $0x1800;
	[tilespmem:s10+$0x10E00] =	vst v1  }
0xad: {  	v1 =	vld.idx.msk [tilespmem:v0+s13+$0x0], $0xffff;
	_ =	sdelay $0x5  }
0xae: {  	s13 =	simm.s32 $0x1C00;
	[tilespmem:s10+$0x11000] =	vst v1  }
0xaf: {  	v1 =	vld.idx.msk [tilespmem:v0+s13+$0x0], $0xffff;
	_ =	sdelay $0x5  }
0xb0: {  	s13 =	simm.s32 $0x2000;
	[tilespmem:s10+$0x11200] =	vst v1  }
0xb1: {  	v1 =	vld.idx.msk [tilespmem:v0+s13+$0x0], $0xffff;
	_ =	sdelay $0x5  }
0xb2: {  	s13 =	simm.s32 $0x2400;
	[tilespmem:s10+$0x11400] =	vst v1  }
0xb3: {  	v1 =	vld.idx.msk [tilespmem:v0+s13+$0x0], $0xffff;
	_ =	sdelay $0x5  }
0xb4: {  	s13 =	simm.s32 $0x2800;
	[tilespmem:s10+$0x11600] =	vst v1  }
0xb5: {  	v1 =	vld.idx.msk [tilespmem:v0+s13+$0x0], $0xffff;
	_ =	sdelay $0x5  }
0xb6: {  	s13 =	simm.s32 $0x2C00;
	[tilespmem:s10+$0x11800] =	vst v1  }
0xb7: {  	v1 =	vld.idx.msk [tilespmem:v0+s13+$0x0], $0xffff;
	_ =	sdelay $0x5  }
0xb8: {  	s13 =	simm.s32 $0x3000;
	[tilespmem:s10+$0x11A00] =	vst v1  }
0xb9: {  	v1 =	vld.idx.msk [tilespmem:v0+s13+$0x0], $0xffff;
	_ =	sdelay $0x5  }
0xba: {  	s13 =	simm.s32 $0x3400;
	[tilespmem:s10+$0x11C00] =	vst v1  }
0xbb: {  	v1 =	vld.idx.msk [tilespmem:v0+s13+$0x0], $0xffff;
	_ =	sdelay $0x5  }
0xbc: {  	s13 =	simm.s32 $0x3800;
	[tilespmem:s10+$0x11E00] =	vst v1  }
0xbd: {  	v1 =	vld.idx.msk [tilespmem:v0+s13+$0x0], $0xffff;
	_ =	sdelay $0x5  }
0xbe: {  	s13 =	simm.s32 $0x3C00;
	[tilespmem:s10+$0x12000] =	vst v1  }
0xbf: {  	v1 =	vld.idx.msk [tilespmem:v0+s13+$0x0], $0xffff;
	_ =	sdelay $0x5  }
0xc0: {  	s13 =	simm.s32 $0x4000;
	[tilespmem:s10+$0x12200] =	vst v1  }
0xc1: {  	v1 =	vld.idx.msk [tilespmem:v0+s13+$0x0], $0xffff;
	_ =	sdelay $0x5  }
0xc2: {  	s13 =	simm.s32 $0x4400;
	[tilespmem:s10+$0x12400] =	vst v1  }
0xc3: {  	v1 =	vld.idx.msk [tilespmem:v0+s13+$0x0], $0xffff;
	_ =	sdelay $0x5  }
0xc4: {  	s13 =	simm.s32 $0x4800;
	[tilespmem:s10+$0x12600] =	vst v1  }
0xc5: {  	v1 =	vld.idx.msk [tilespmem:v0+s13+$0x0], $0xffff;
	_ =	sdelay $0x5  }
0xc6: {  	s13 =	simm.s32 $0x4C00;
	[tilespmem:s10+$0x12800] =	vst v1  }
0xc7: {  	v1 =	vld.idx.msk [tilespmem:v0+s13+$0x0], $0xffff;
	_ =	sdelay $0x5  }
0xc8: {  	s13 =	simm.s32 $0x5000;
	[tilespmem:s10+$0x12A00] =	vst v1  }
0xc9: {  	v1 =	vld.idx.msk [tilespmem:v0+s13+$0x0], $0xffff;
	_ =	sdelay $0x5  }
0xca: {  	s13 =	simm.s32 $0x5400;
	[tilespmem:s10+$0x12C00] =	vst v1  }
0xcb: {  	v1 =	vld.idx.msk [tilespmem:v0+s13+$0x0], $0xffff;
	_ =	sdelay $0x5  }
0xcc: {  	s13 =	simm.s32 $0x5800;
	[tilespmem:s10+$0x12E00] =	vst v1  }
0xcd: {  	v1 =	vld.idx.msk [tilespmem:v0+s13+$0x0], $0xffff;
	_ =	sdelay $0x5  }
0xce: {  	s13 =	simm.s32 $0x5C00;
	[tilespmem:s10+$0x13000] =	vst v1  }
0xcf: {  	v1 =	vld.idx.msk [tilespmem:v0+s13+$0x0], $0xffff;
	_ =	sdelay $0x5  }
0xd0: {  	s13 =	simm.s32 $0x6000;
	[tilespmem:s10+$0x13200] =	vst v1  }
0xd1: {  	v1 =	vld.idx.msk [tilespmem:v0+s13+$0x0], $0xffff;
	_ =	sdelay $0x5  }
0xd2: {  	s13 =	simm.s32 $0x6400;
	[tilespmem:s10+$0x13400] =	vst v1  }
0xd3: {  	v1 =	vld.idx.msk [tilespmem:v0+s13+$0x0], $0xffff;
	_ =	sdelay $0x5  }
0xd4: {  	s13 =	simm.s32 $0x6800;
	[tilespmem:s10+$0x13600] =	vst v1  }
0xd5: {  	v1 =	vld.idx.msk [tilespmem:v0+s13+$0x0], $0xffff;
	_ =	sdelay $0x5  }
0xd6: {  	s13 =	simm.s32 $0x6C00;
	[tilespmem:s10+$0x13800] =	vst v1  }
0xd7: {  	v1 =	vld.idx.msk [tilespmem:v0+s13+$0x0], $0xffff;
	_ =	sdelay $0x5  }
0xd8: {  	s13 =	simm.s32 $0x7000;
	[tilespmem:s10+$0x13A00] =	vst v1  }
0xd9: {  	v1 =	vld.idx.msk [tilespmem:v0+s13+$0x0], $0xffff;
	_ =	sdelay $0x5  }
0xda: {  	s13 =	simm.s32 $0x7400;
	[tilespmem:s10+$0x13C00] =	vst v1  }
0xdb: {  	v1 =	vld.idx.msk [tilespmem:v0+s13+$0x0], $0xffff;
	_ =	sdelay $0x5  }
0xdc: {  	s13 =	simm.s32 $0x7800;
	[tilespmem:s10+$0x13E00] =	vst v1  }
0xdd: {  	v1 =	vld.idx.msk [tilespmem:v0+s13+$0x0], $0xffff;
	_ =	sdelay $0x5  }
0xde: {  	s13 =	simm.s32 $0x7C00;
	[tilespmem:s10+$0x14000] =	vst v1  }
0xdf: {  	v1 =	vld.idx.msk [tilespmem:v0+s13+$0x0], $0xffff;
	_ =	sdelay $0x5  }
0xe0: {  	s13 =	simm.s32 $0x8000;
	[tilespmem:s10+$0x14200] =	vst v1  }
0xe1: {  	v1 =	vld.idx.msk [tilespmem:v0+s13+$0x0], $0xffff;
	_ =	sdelay $0x5  }
0xe2: {  	s13 =	simm.s32 $0x8400;
	[tilespmem:s10+$0x14400] =	vst v1  }
0xe3: {  	v1 =	vld.idx.msk [tilespmem:v0+s13+$0x0], $0xffff;
	_ =	sdelay $0x5  }
0xe4: {  	s13 =	simm.s32 $0x8800;
	[tilespmem:s10+$0x14600] =	vst v1  }
0xe5: {  	v1 =	vld.idx.msk [tilespmem:v0+s13+$0x0], $0xffff;
	_ =	sdelay $0x5  }
0xe6: {  	s13 =	simm.s32 $0x8C00;
	[tilespmem:s10+$0x14800] =	vst v1  }
0xe7: {  	v1 =	vld.idx.msk [tilespmem:v0+s13+$0x0], $0xffff;
	_ =	sdelay $0x5  }
0xe8: {  	[tilespmem:s10+$0x14A00] =	vst v1  }
0xe9: {  	v1 =	vld.idx.msk [tilespmem:v0+s15+$0x0], $0xffff;
	_ =	sdelay $0x5  }
0xea: {  	[tilespmem:s10+$0x14C00] =	vst v1  }
0xeb: {  	v1 =	vld.idx.msk [tilespmem:v0+s24+$0x0], $0xffff;
	_ =	sdelay $0x5  }
0xec: {  	[tilespmem:s10+$0x14E00] =	vst v1  }
0xed: {  	v1 =	vld.idx.msk [tilespmem:v0+s25+$0x0], $0xffff;
	_ =	sdelay $0x5  }
0xee: {  	[tilespmem:s10+$0x15000] =	vst v1  }
0xef: {  	v1 =	vld.idx.msk [tilespmem:v0+s26+$0x0], $0xffff;
	_ =	sdelay $0x5  }
0xf0: {  	[tilespmem:s10+$0x15200] =	vst v1  }
0xf1: {  	v1 =	vld.idx.msk [tilespmem:v0+s28+$0x0], $0xffff;
	_ =	sdelay $0x5  }
0xf2: {  	[tilespmem:s10+$0x15400] =	vst v1  }
0xf3: {  	v1 =	vld.idx.msk [tilespmem:v0+s29+$0x0], $0xffff;
	_ =	sdelay $0x5  }
0xf4: {  	[tilespmem:s10+$0x15600] =	vst v1  }
0xf5: {  	v1 =	vld.idx.msk [tilespmem:v0+s30+$0x0], $0xffff;
	_ =	sdelay $0x5  }
0xf6: {  	[tilespmem:s10+$0x15800] =	vst v1  }
0xf7: {  	v1 =	vld.idx.msk [tilespmem:v0+s31+$0x0], $0xffff;
	_ =	sdelay $0x5  }
0xf8: {  	[tilespmem:s10+$0x15A00] =	vst v1  }
0xf9: {  	v1 =	vld.idx.msk [tilespmem:v0+s0+$0x0], $0xffff;
	_ =	sdelay $0x5  }
0xfa: {  	[tilespmem:s10+$0x15C00] =	vst v1  }
0xfb: {  	v1 =	vld.idx.msk [tilespmem:v0+s1+$0x0], $0xffff;
	_ =	sdelay $0x5  }
0xfc: {  	[tilespmem:s10+$0x15E00] =	vst v1  }
0xfd: {  	v1 =	vld.idx.msk [tilespmem:v0+s9+$0x0], $0xffff;
	_ =	sdelay $0x5  }
0xfe: {  	[tilespmem:s10+$0x16000] =	vst v1  }
0xff: {  	v1 =	vld.idx.msk [tilespmem:v0+s3+$0x0], $0xffff;
	_ =	sdelay $0x5  }
0x100: {  	[tilespmem:s10+$0x16200] =	vst v1  }
0x101: {  	v1 =	vld.idx.msk [tilespmem:v0+s5+$0x0], $0xffff;
	_ =	sdelay $0x5  }
0x102: {  	[tilespmem:s10+$0x16400] =	vst v1  }
0x103: {  	v1 =	vld.idx.msk [tilespmem:v0+s6+$0x0], $0xffff;
	_ =	sdelay $0x5  }
0x104: {  	[tilespmem:s10+$0x16600] =	vst v1  }
0x105: {  	v1 =	vld.idx.msk [tilespmem:v0+s7+$0x0], $0xffff;
	_ =	sdelay $0x5  }
0x106: {  	[tilespmem:s10+$0x16800] =	vst v1  }
0x107: {  	v1 =	vld.idx.msk [tilespmem:v0+s4+$0x0], $0xffff;
	_ =	sdelay $0x5  }
0x108: {  	[tilespmem:s10+$0x16A00] =	vst v1  }
0x109: {  	v1 =	vld.idx.msk [tilespmem:v0+s8+$0x0], $0xffff;
	_ =	sdelay $0x5  }
0x10a: {  	[tilespmem:s10+$0x16C00] =	vst v1  }
0x10b: {  	v1 =	vld.idx.msk [tilespmem:v0+s2+$0x0], $0xffff;
	_ =	sdelay $0x5  }
0x10c: {  	[tilespmem:s10+$0x16E00] =	vst v1  }
0x10d: {  	v1 =	vld.idx.msk [tilespmem:v0+s11+$0x0], $0xffff;
	_ =	sdelay $0x5  }
0x10e: {  	[tilespmem:s10+$0x17000] =	vst v1  }
0x10f: {  	v1 =	vld.idx.msk [tilespmem:v0+s16+$0x0], $0xffff;
	_ =	sdelay $0x5  }
0x110: {  	[tilespmem:s10+$0x17200] =	vst v1  }
0x111: {  	v1 =	vld.idx.msk [tilespmem:v0+s17+$0x0], $0xffff;
	_ =	sdelay $0x5  }
0x112: {  	[tilespmem:s10+$0x17400] =	vst v1  }
0x113: {  	v1 =	vld.idx.msk [tilespmem:v0+s18+$0x0], $0xffff;
	_ =	sdelay $0x5  }
0x114: {  	[tilespmem:s10+$0x17600] =	vst v1  }
0x115: {  	v1 =	vld.idx.msk [tilespmem:v0+s19+$0x0], $0xffff;
	_ =	sdelay $0x5  }
0x116: {  	[tilespmem:s10+$0x17800] =	vst v1  }
0x117: {  	v1 =	vld.idx.msk [tilespmem:v0+s20+$0x0], $0xffff;
	_ =	sdelay $0x5  }
0x118: {  	[tilespmem:s10+$0x17A00] =	vst v1  }
0x119: {  	v1 =	vld.idx.msk [tilespmem:v0+s21+$0x0], $0xffff;
	_ =	sdelay $0x5  }
0x11a: {  	[tilespmem:s10+$0x17C00] =	vst v1  }
0x11b: {  	v1 =	vld.idx.msk [tilespmem:v0+s22+$0x0], $0xffff;
	_ =	sdelay $0x5  }
0x11c: {  	[tilespmem:s10+$0x17E00] =	vst v1  }
0x11d: {  	v2 =	vld.idx.msk [tilespmem:v0+s23+$0x0], $0xffff  }
.Ltmp0:
0x11e: {  	(pc) =	sbr.rel @p0 .LBB2_2-.Ltmp0, $2  }
0x11f: {  	_ =	sdelay $0x2  }
0x120: {  	s13 =	sshra.s32 s12, $0x2;
	s12 =	sadd.s32 $0x40, s12  }
0x121: {  	_ =	sdelay $0x1  }
0x122: {  	v1 =	vld [tilespmem:s13+$0x10000]  }
0x123: {  	[tilespmem:s10+$0x18000] =	vst v2;
	s0 =	simm.s32 $0xFC00  }
0x124: {  	v0 =	vld.idx.msk [tilespmem:v0+s0+$0x0], $0xffff;
	_ =	sdelay $0x4  }
0x125: {  	s15 =	simm.s32 $0x0;
	[tilespmem:s10+$0x18200] =	vst v0  }
0x126: {  	v0 =	vld.idx.msk [tilespmem:v1+s15+$0x0], $0xffff;
	_ =	sdelay $0x4  }
0x127: {  	s12 =	simm.s32 $0x400;
	[tilespmem:s13+$0x10400] =	vst v0  }
0x128: {  	v0 =	vld.idx.msk [tilespmem:v1+s12+$0x0], $0xffff;
	_ =	sdelay $0x4  }
0x129: {  	s2 =	simm.s32 $0x800;
	[tilespmem:s13+$0x10600] =	vst v0  }
0x12a: {  	v0 =	vld.idx.msk [tilespmem:v1+s2+$0x0], $0xffff;
	_ =	sdelay $0x4  }
0x12b: {  	s3 =	simm.s32 $0xC00;
	[tilespmem:s13+$0x10800] =	vst v0  }
0x12c: {  	v0 =	vld.idx.msk [tilespmem:v1+s3+$0x0], $0xffff;
	_ =	sdelay $0x4  }
0x12d: {  	s4 =	simm.s32 $0x1000;
	[tilespmem:s13+$0x10A00] =	vst v0  }
0x12e: {  	v0 =	vld.idx.msk [tilespmem:v1+s4+$0x0], $0xffff;
	_ =	sdelay $0x4  }
0x12f: {  	s5 =	simm.s32 $0x1400;
	[tilespmem:s13+$0x10C00] =	vst v0  }
0x130: {  	v0 =	vld.idx.msk [tilespmem:v1+s5+$0x0], $0xffff;
	_ =	sdelay $0x4  }
0x131: {  	s6 =	simm.s32 $0x1800;
	[tilespmem:s13+$0x10E00] =	vst v0  }
0x132: {  	v0 =	vld.idx.msk [tilespmem:v1+s6+$0x0], $0xffff;
	_ =	sdelay $0x4  }
0x133: {  	s7 =	simm.s32 $0x1C00;
	[tilespmem:s13+$0x11000] =	vst v0  }
0x134: {  	v0 =	vld.idx.msk [tilespmem:v1+s7+$0x0], $0xffff;
	_ =	sdelay $0x4  }
0x135: {  	s8 =	simm.s32 $0x2000;
	[tilespmem:s13+$0x11200] =	vst v0  }
0x136: {  	v0 =	vld.idx.msk [tilespmem:v1+s8+$0x0], $0xffff;
	_ =	sdelay $0x4  }
0x137: {  	s9 =	simm.s32 $0x2400;
	[tilespmem:s13+$0x11400] =	vst v0  }
0x138: {  	v0 =	vld.idx.msk [tilespmem:v1+s9+$0x0], $0xffff;
	_ =	sdelay $0x4  }
0x139: {  	s11 =	simm.s32 $0x2800;
	[tilespmem:s13+$0x11600] =	vst v0  }
0x13a: {  	v0 =	vld.idx.msk [tilespmem:v1+s11+$0x0], $0xffff;
	_ =	sdelay $0x4  }
0x13b: {  	s14 =	simm.s32 $0x2C00;
	[tilespmem:s13+$0x11800] =	vst v0  }
0x13c: {  	v0 =	vld.idx.msk [tilespmem:v1+s14+$0x0], $0xffff;
	_ =	sdelay $0x4  }
0x13d: {  	s16 =	simm.s32 $0x3000;
	[tilespmem:s13+$0x11A00] =	vst v0  }
0x13e: {  	v0 =	vld.idx.msk [tilespmem:v1+s16+$0x0], $0xffff;
	_ =	sdelay $0x4  }
0x13f: {  	s17 =	simm.s32 $0x3400;
	[tilespmem:s13+$0x11C00] =	vst v0  }
0x140: {  	v0 =	vld.idx.msk [tilespmem:v1+s17+$0x0], $0xffff;
	_ =	sdelay $0x4  }
0x141: {  	s18 =	simm.s32 $0x3800;
	[tilespmem:s13+$0x11E00] =	vst v0  }
0x142: {  	v0 =	vld.idx.msk [tilespmem:v1+s18+$0x0], $0xffff;
	_ =	sdelay $0x4  }
0x143: {  	s19 =	simm.s32 $0x3C00;
	[tilespmem:s13+$0x12000] =	vst v0  }
0x144: {  	v0 =	vld.idx.msk [tilespmem:v1+s19+$0x0], $0xffff;
	_ =	sdelay $0x4  }
0x145: {  	s20 =	simm.s32 $0x4000;
	[tilespmem:s13+$0x12200] =	vst v0  }
0x146: {  	v0 =	vld.idx.msk [tilespmem:v1+s20+$0x0], $0xffff;
	_ =	sdelay $0x4  }
0x147: {  	s21 =	simm.s32 $0x4400;
	[tilespmem:s13+$0x12400] =	vst v0  }
0x148: {  	v0 =	vld.idx.msk [tilespmem:v1+s21+$0x0], $0xffff;
	_ =	sdelay $0x4  }
0x149: {  	s22 =	simm.s32 $0x4800;
	[tilespmem:s13+$0x12600] =	vst v0  }
0x14a: {  	v0 =	vld.idx.msk [tilespmem:v1+s22+$0x0], $0xffff;
	_ =	sdelay $0x4  }
0x14b: {  	s23 =	simm.s32 $0x4C00;
	[tilespmem:s13+$0x12800] =	vst v0  }
0x14c: {  	v0 =	vld.idx.msk [tilespmem:v1+s23+$0x0], $0xffff;
	_ =	sdelay $0x4  }
0x14d: {  	s24 =	simm.s32 $0x5000;
	[tilespmem:s13+$0x12A00] =	vst v0  }
0x14e: {  	v0 =	vld.idx.msk [tilespmem:v1+s24+$0x0], $0xffff;
	_ =	sdelay $0x4  }
0x14f: {  	s25 =	simm.s32 $0x5400;
	[tilespmem:s13+$0x12C00] =	vst v0  }
0x150: {  	v0 =	vld.idx.msk [tilespmem:v1+s25+$0x0], $0xffff;
	_ =	sdelay $0x4  }
0x151: {  	s26 =	simm.s32 $0x5800;
	[tilespmem:s13+$0x12E00] =	vst v0  }
0x152: {  	v0 =	vld.idx.msk [tilespmem:v1+s26+$0x0], $0xffff;
	_ =	sdelay $0x4  }
0x153: {  	s28 =	simm.s32 $0x5C00;
	[tilespmem:s13+$0x13000] =	vst v0  }
0x154: {  	v0 =	vld.idx.msk [tilespmem:v1+s28+$0x0], $0xffff;
	_ =	sdelay $0x4  }
0x155: {  	s29 =	simm.s32 $0x6000;
	[tilespmem:s13+$0x13200] =	vst v0  }
0x156: {  	v0 =	vld.idx.msk [tilespmem:v1+s29+$0x0], $0xffff;
	_ =	sdelay $0x4  }
0x157: {  	s30 =	simm.s32 $0x6400;
	[tilespmem:s13+$0x13400] =	vst v0  }
0x158: {  	v0 =	vld.idx.msk [tilespmem:v1+s30+$0x0], $0xffff;
	_ =	sdelay $0x4  }
0x159: {  	s31 =	simm.s32 $0x6800;
	[tilespmem:s13+$0x13600] =	vst v0  }
0x15a: {  	v0 =	vld.idx.msk [tilespmem:v1+s31+$0x0], $0xffff;
	_ =	sdelay $0x4  }
0x15b: {  	s1 =	simm.s32 $0x6C00;
	[tilespmem:s13+$0x13800] =	vst v0  }
0x15c: {  	v0 =	vld.idx.msk [tilespmem:v1+s1+$0x0], $0xffff;
	_ =	sdelay $0x4  }
0x15d: {  	s10 =	simm.s32 $0x7000;
	[tilespmem:s13+$0x13A00] =	vst v0  }
0x15e: {  	v0 =	vld.idx.msk [tilespmem:v1+s10+$0x0], $0xffff;
	_ =	sdelay $0x4  }
0x15f: {  	s10 =	simm.s32 $0x7400;
	[tilespmem:s13+$0x13C00] =	vst v0  }
0x160: {  	v0 =	vld.idx.msk [tilespmem:v1+s10+$0x0], $0xffff;
	_ =	sdelay $0x4  }
0x161: {  	s10 =	simm.s32 $0x7800;
	[tilespmem:s13+$0x13E00] =	vst v0  }
0x162: {  	v0 =	vld.idx.msk [tilespmem:v1+s10+$0x0], $0xffff;
	_ =	sdelay $0x4  }
0x163: {  	s10 =	simm.s32 $0x7C00;
	[tilespmem:s13+$0x14000] =	vst v0  }
0x164: {  	v0 =	vld.idx.msk [tilespmem:v1+s10+$0x0], $0xffff;
	_ =	sdelay $0x4  }
0x165: {  	s10 =	simm.s32 $0x8000;
	[tilespmem:s13+$0x14200] =	vst v0  }
0x166: {  	v0 =	vld.idx.msk [tilespmem:v1+s10+$0x0], $0xffff;
	_ =	sdelay $0x4  }
0x167: {  	s10 =	simm.s32 $0x8400;
	[tilespmem:s13+$0x14400] =	vst v0  }
0x168: {  	v0 =	vld.idx.msk [tilespmem:v1+s10+$0x0], $0xffff;
	_ =	sdelay $0x4  }
0x169: {  	s10 =	simm.s32 $0x8800;
	[tilespmem:s13+$0x14600] =	vst v0  }
0x16a: {  	v0 =	vld.idx.msk [tilespmem:v1+s10+$0x0], $0xffff;
	_ =	sdelay $0x4  }
0x16b: {  	s10 =	simm.s32 $0x8C00;
	[tilespmem:s13+$0x14800] =	vst v0  }
0x16c: {  	v0 =	vld.idx.msk [tilespmem:v1+s10+$0x0], $0xffff;
	_ =	sdelay $0x4  }
0x16d: {  	s10 =	simm.s32 $0x9000;
	[tilespmem:s13+$0x14A00] =	vst v0  }
0x16e: {  	v0 =	vld.idx.msk [tilespmem:v1+s10+$0x0], $0xffff;
	_ =	sdelay $0x4  }
0x16f: {  	s10 =	simm.s32 $0x9400;
	[tilespmem:s13+$0x14C00] =	vst v0  }
0x170: {  	v0 =	vld.idx.msk [tilespmem:v1+s10+$0x0], $0xffff;
	_ =	sdelay $0x4  }
0x171: {  	s10 =	simm.s32 $0x9800;
	[tilespmem:s13+$0x14E00] =	vst v0  }
0x172: {  	v0 =	vld.idx.msk [tilespmem:v1+s10+$0x0], $0xffff;
	_ =	sdelay $0x4  }
0x173: {  	s10 =	simm.s32 $0x9C00;
	[tilespmem:s13+$0x15000] =	vst v0  }
0x174: {  	v0 =	vld.idx.msk [tilespmem:v1+s10+$0x0], $0xffff;
	_ =	sdelay $0x4  }
0x175: {  	s10 =	simm.s32 $0xA000;
	[tilespmem:s13+$0x15200] =	vst v0  }
0x176: {  	v0 =	vld.idx.msk [tilespmem:v1+s10+$0x0], $0xffff;
	_ =	sdelay $0x4  }
0x177: {  	s10 =	simm.s32 $0xA400;
	[tilespmem:s13+$0x15400] =	vst v0  }
0x178: {  	v0 =	vld.idx.msk [tilespmem:v1+s10+$0x0], $0xffff;
	_ =	sdelay $0x4  }
0x179: {  	s10 =	simm.s32 $0xA800;
	[tilespmem:s13+$0x15600] =	vst v0  }
0x17a: {  	v0 =	vld.idx.msk [tilespmem:v1+s10+$0x0], $0xffff;
	_ =	sdelay $0x4  }
0x17b: {  	s10 =	simm.s32 $0xAC00;
	[tilespmem:s13+$0x15800] =	vst v0  }
0x17c: {  	v0 =	vld.idx.msk [tilespmem:v1+s10+$0x0], $0xffff;
	_ =	sdelay $0x4  }
0x17d: {  	s10 =	simm.s32 $0xB000;
	[tilespmem:s13+$0x15A00] =	vst v0  }
0x17e: {  	v0 =	vld.idx.msk [tilespmem:v1+s10+$0x0], $0xffff;
	_ =	sdelay $0x4  }
0x17f: {  	s10 =	simm.s32 $0xB400;
	[tilespmem:s13+$0x15C00] =	vst v0  }
0x180: {  	v0 =	vld.idx.msk [tilespmem:v1+s10+$0x0], $0xffff;
	_ =	sdelay $0x4  }
0x181: {  	s10 =	simm.s32 $0xB800;
	[tilespmem:s13+$0x15E00] =	vst v0  }
0x182: {  	v0 =	vld.idx.msk [tilespmem:v1+s10+$0x0], $0xffff;
	_ =	sdelay $0x4  }
0x183: {  	s10 =	simm.s32 $0xBC00;
	[tilespmem:s13+$0x16000] =	vst v0  }
0x184: {  	v0 =	vld.idx.msk [tilespmem:v1+s10+$0x0], $0xffff;
	_ =	sdelay $0x4  }
0x185: {  	s10 =	simm.s32 $0xC000;
	[tilespmem:s13+$0x16200] =	vst v0  }
0x186: {  	v0 =	vld.idx.msk [tilespmem:v1+s10+$0x0], $0xffff;
	_ =	sdelay $0x4  }
0x187: {  	s10 =	simm.s32 $0xC400;
	[tilespmem:s13+$0x16400] =	vst v0  }
0x188: {  	v0 =	vld.idx.msk [tilespmem:v1+s10+$0x0], $0xffff;
	_ =	sdelay $0x4  }
0x189: {  	s10 =	simm.s32 $0xC800;
	[tilespmem:s13+$0x16600] =	vst v0  }
0x18a: {  	v0 =	vld.idx.msk [tilespmem:v1+s10+$0x0], $0xffff;
	_ =	sdelay $0x4  }
0x18b: {  	s10 =	simm.s32 $0xCC00;
	[tilespmem:s13+$0x16800] =	vst v0  }
0x18c: {  	v0 =	vld.idx.msk [tilespmem:v1+s10+$0x0], $0xffff;
	_ =	sdelay $0x4  }
0x18d: {  	s10 =	simm.s32 $0xD000;
	[tilespmem:s13+$0x16A00] =	vst v0  }
0x18e: {  	v0 =	vld.idx.msk [tilespmem:v1+s10+$0x0], $0xffff;
	_ =	sdelay $0x4  }
0x18f: {  	s10 =	simm.s32 $0xD400;
	[tilespmem:s13+$0x16C00] =	vst v0  }
0x190: {  	v0 =	vld.idx.msk [tilespmem:v1+s10+$0x0], $0xffff;
	_ =	sdelay $0x4  }
0x191: {  	s10 =	simm.s32 $0xD800;
	[tilespmem:s13+$0x16E00] =	vst v0  }
0x192: {  	v0 =	vld.idx.msk [tilespmem:v1+s10+$0x0], $0xffff;
	_ =	sdelay $0x4  }
0x193: {  	s10 =	simm.s32 $0xDC00;
	[tilespmem:s13+$0x17000] =	vst v0  }
0x194: {  	v0 =	vld.idx.msk [tilespmem:v1+s10+$0x0], $0xffff;
	_ =	sdelay $0x4  }
0x195: {  	s10 =	simm.s32 $0xE000;
	[tilespmem:s13+$0x17200] =	vst v0  }
0x196: {  	v0 =	vld.idx.msk [tilespmem:v1+s10+$0x0], $0xffff;
	_ =	sdelay $0x4  }
0x197: {  	s10 =	simm.s32 $0xE400;
	[tilespmem:s13+$0x17400] =	vst v0  }
0x198: {  	v0 =	vld.idx.msk [tilespmem:v1+s10+$0x0], $0xffff;
	_ =	sdelay $0x4  }
0x199: {  	s10 =	simm.s32 $0xE800;
	[tilespmem:s13+$0x17600] =	vst v0  }
0x19a: {  	v0 =	vld.idx.msk [tilespmem:v1+s10+$0x0], $0xffff;
	_ =	sdelay $0x4  }
0x19b: {  	s10 =	simm.s32 $0xEC00;
	[tilespmem:s13+$0x17800] =	vst v0  }
0x19c: {  	v0 =	vld.idx.msk [tilespmem:v1+s10+$0x0], $0xffff;
	_ =	sdelay $0x4  }
0x19d: {  	s10 =	simm.s32 $0xF000;
	[tilespmem:s13+$0x17A00] =	vst v0  }
0x19e: {  	v0 =	vld.idx.msk [tilespmem:v1+s10+$0x0], $0xffff;
	_ =	sdelay $0x4  }
0x19f: {  	s10 =	simm.s32 $0xF400;
	[tilespmem:s13+$0x17C00] =	vst v0  }
0x1a0: {  	v0 =	vld.idx.msk [tilespmem:v1+s10+$0x0], $0xffff;
	_ =	sdelay $0x4  }
0x1a1: {  	s10 =	simm.s32 $0xF800;
	[tilespmem:s13+$0x17E00] =	vst v0  }
0x1a2: {  	v0 =	vld.idx.msk [tilespmem:v1+s10+$0x0], $0xffff;
	_ =	sdelay $0x4  }
0x1a3: {  	[tilespmem:s13+$0x18000] =	vst v0  }
0x1a4: {  	v0 =	vld.idx.msk [tilespmem:v1+s0+$0x0], $0xffff;
	_ =	sdelay $0x4  }
0x1a5: {  	s1 =	simm.s32 $0x200;
	s0 =	rddreg [dreg:$0x4];
	[tilespmem:s13+$0x18200] =	vst v0;
	s13 =	simm.s32 $0x10400  }
0x1a6: {  	[hbm4b:s0+s1] =	stream.strided.scatter [tilespmem:s13], [sflag:$0x1], $0x8000, s12, s1, $0x38;
	[tilespmem:$0x18400] =	vst v63  }
0x1a7: {  	s1 =	simm.s32 $0x1  }
0x1a8: {  	_ =	swait.ge [sflag:s1], $0x8000  }
0x1a9: {  	[sflag:s1] =	ssyncset.done $0x0  }
0x1aa: {  	s10 =	simm.s32 $0x0;
	[sflag:s1] =	ssyncadd.s32 $0xFFFF8000  }
0x1ab: {  	v0 =	vld [tilespmem:s10+$0x10200];
	_ =	sdelay $0x7  }
0x1ac: {  	v1 =	vld.idx.msk [tilespmem:v0+s15+$0x0], $0xffff;
	_ =	sdelay $0x4  }
0x1ad: {  	[tilespmem:s10+$0x10400] =	vst v1  }
0x1ae: {  	v1 =	vld.idx.msk [tilespmem:v0+s12+$0x0], $0xffff;
	_ =	sdelay $0x4  }
0x1af: {  	[tilespmem:s10+$0x10600] =	vst v1  }
0x1b0: {  	v1 =	vld.idx.msk [tilespmem:v0+s2+$0x0], $0xffff;
	_ =	sdelay $0x4  }
0x1b1: {  	[tilespmem:s10+$0x10800] =	vst v1  }
0x1b2: {  	v1 =	vld.idx.msk [tilespmem:v0+s3+$0x0], $0xffff;
	_ =	sdelay $0x4  }
0x1b3: {  	[tilespmem:s10+$0x10A00] =	vst v1  }
0x1b4: {  	v1 =	vld.idx.msk [tilespmem:v0+s4+$0x0], $0xffff;
	_ =	sdelay $0x4  }
0x1b5: {  	[tilespmem:s10+$0x10C00] =	vst v1  }
0x1b6: {  	v1 =	vld.idx.msk [tilespmem:v0+s5+$0x0], $0xffff;
	_ =	sdelay $0x4  }
0x1b7: {  	[tilespmem:s10+$0x10E00] =	vst v1  }
0x1b8: {  	v1 =	vld.idx.msk [tilespmem:v0+s6+$0x0], $0xffff;
	_ =	sdelay $0x4  }
0x1b9: {  	[tilespmem:s10+$0x11000] =	vst v1  }
0x1ba: {  	v1 =	vld.idx.msk [tilespmem:v0+s7+$0x0], $0xffff;
	_ =	sdelay $0x4  }
0x1bb: {  	[tilespmem:s10+$0x11200] =	vst v1  }
0x1bc: {  	v1 =	vld.idx.msk [tilespmem:v0+s8+$0x0], $0xffff;
	_ =	sdelay $0x4  }
0x1bd: {  	[tilespmem:s10+$0x11400] =	vst v1  }
0x1be: {  	v1 =	vld.idx.msk [tilespmem:v0+s9+$0x0], $0xffff;
	_ =	sdelay $0x4  }
0x1bf: {  	[tilespmem:s10+$0x11600] =	vst v1  }
0x1c0: {  	v1 =	vld.idx.msk [tilespmem:v0+s11+$0x0], $0xffff;
	_ =	sdelay $0x4  }
0x1c1: {  	[tilespmem:s10+$0x11800] =	vst v1  }
0x1c2: {  	v1 =	vld.idx.msk [tilespmem:v0+s14+$0x0], $0xffff;
	_ =	sdelay $0x4  }
0x1c3: {  	[tilespmem:s10+$0x11A00] =	vst v1  }
0x1c4: {  	v1 =	vld.idx.msk [tilespmem:v0+s16+$0x0], $0xffff;
	_ =	sdelay $0x4  }
0x1c5: {  	[tilespmem:s10+$0x11C00] =	vst v1  }
0x1c6: {  	v1 =	vld.idx.msk [tilespmem:v0+s17+$0x0], $0xffff;
	_ =	sdelay $0x4  }
0x1c7: {  	[tilespmem:s10+$0x11E00] =	vst v1  }
0x1c8: {  	v1 =	vld.idx.msk [tilespmem:v0+s18+$0x0], $0xffff;
	_ =	sdelay $0x4  }
0x1c9: {  	[tilespmem:s10+$0x12000] =	vst v1  }
0x1ca: {  	v1 =	vld.idx.msk [tilespmem:v0+s19+$0x0], $0xffff;
	_ =	sdelay $0x4  }
0x1cb: {  	[tilespmem:s10+$0x12200] =	vst v1  }
0x1cc: {  	v1 =	vld.idx.msk [tilespmem:v0+s20+$0x0], $0xffff;
	_ =	sdelay $0x4  }
0x1cd: {  	[tilespmem:s10+$0x12400] =	vst v1  }
0x1ce: {  	v1 =	vld.idx.msk [tilespmem:v0+s21+$0x0], $0xffff;
	_ =	sdelay $0x4  }
0x1cf: {  	[tilespmem:s10+$0x12600] =	vst v1  }
0x1d0: {  	v1 =	vld.idx.msk [tilespmem:v0+s22+$0x0], $0xffff;
	_ =	sdelay $0x4  }
0x1d1: {  	[tilespmem:s10+$0x12800] =	vst v1  }
0x1d2: {  	v1 =	vld.idx.msk [tilespmem:v0+s23+$0x0], $0xffff;
	_ =	sdelay $0x4  }
0x1d3: {  	[tilespmem:s10+$0x12A00] =	vst v1  }
0x1d4: {  	v1 =	vld.idx.msk [tilespmem:v0+s24+$0x0], $0xffff;
	_ =	sdelay $0x4  }
0x1d5: {  	[tilespmem:s10+$0x12C00] =	vst v1  }
0x1d6: {  	v1 =	vld.idx.msk [tilespmem:v0+s25+$0x0], $0xffff;
	_ =	sdelay $0x4  }
0x1d7: {  	[tilespmem:s10+$0x12E00] =	vst v1  }
0x1d8: {  	v1 =	vld.idx.msk [tilespmem:v0+s26+$0x0], $0xffff;
	_ =	sdelay $0x4  }
0x1d9: {  	[tilespmem:s10+$0x13000] =	vst v1  }
0x1da: {  	v1 =	vld.idx.msk [tilespmem:v0+s28+$0x0], $0xffff;
	_ =	sdelay $0x4  }
0x1db: {  	[tilespmem:s10+$0x13200] =	vst v1  }
0x1dc: {  	v1 =	vld.idx.msk [tilespmem:v0+s29+$0x0], $0xffff;
	_ =	sdelay $0x4  }
0x1dd: {  	[tilespmem:s10+$0x13400] =	vst v1  }
0x1de: {  	v1 =	vld.idx.msk [tilespmem:v0+s30+$0x0], $0xffff;
	_ =	sdelay $0x4  }
0x1df: {  	[tilespmem:s10+$0x13600] =	vst v1  }
0x1e0: {  	v1 =	vld.idx.msk [tilespmem:v0+s31+$0x0], $0xffff;
	_ =	sdelay $0x4  }
0x1e1: {  	s9 =	simm.s32 $0x6C00;
	[tilespmem:s10+$0x13800] =	vst v1  }
0x1e2: {  	v1 =	vld.idx.msk [tilespmem:v0+s9+$0x0], $0xffff;
	_ =	sdelay $0x4  }
0x1e3: {  	s11 =	simm.s32 $0x7000;
	[tilespmem:s10+$0x13A00] =	vst v1  }
0x1e4: {  	v1 =	vld.idx.msk [tilespmem:v0+s11+$0x0], $0xffff;
	_ =	sdelay $0x4  }
0x1e5: {  	s12 =	simm.s32 $0x7400;
	[tilespmem:s10+$0x13C00] =	vst v1  }
0x1e6: {  	v1 =	vld.idx.msk [tilespmem:v0+s12+$0x0], $0xffff;
	_ =	sdelay $0x4  }
0x1e7: {  	s13 =	simm.s32 $0x7800;
	[tilespmem:s10+$0x13E00] =	vst v1  }
0x1e8: {  	v1 =	vld.idx.msk [tilespmem:v0+s13+$0x0], $0xffff;
	_ =	sdelay $0x4  }
0x1e9: {  	s14 =	simm.s32 $0x7C00;
	[tilespmem:s10+$0x14000] =	vst v1  }
0x1ea: {  	v1 =	vld.idx.msk [tilespmem:v0+s14+$0x0], $0xffff;
	_ =	sdelay $0x4  }
0x1eb: {  	s15 =	simm.s32 $0x8000;
	[tilespmem:s10+$0x14200] =	vst v1  }
0x1ec: {  	v1 =	vld.idx.msk [tilespmem:v0+s15+$0x0], $0xffff;
	_ =	sdelay $0x4  }
0x1ed: {  	s16 =	simm.s32 $0x8400;
	[tilespmem:s10+$0x14400] =	vst v1  }
0x1ee: {  	v1 =	vld.idx.msk [tilespmem:v0+s16+$0x0], $0xffff;
	_ =	sdelay $0x4  }
0x1ef: {  	s17 =	simm.s32 $0x8800;
	[tilespmem:s10+$0x14600] =	vst v1  }
0x1f0: {  	v1 =	vld.idx.msk [tilespmem:v0+s17+$0x0], $0xffff;
	_ =	sdelay $0x4  }
0x1f1: {  	s18 =	simm.s32 $0x8C00;
	[tilespmem:s10+$0x14800] =	vst v1  }
0x1f2: {  	v1 =	vld.idx.msk [tilespmem:v0+s18+$0x0], $0xffff;
	_ =	sdelay $0x4  }
0x1f3: {  	s19 =	simm.s32 $0x9000;
	[tilespmem:s10+$0x14A00] =	vst v1  }
0x1f4: {  	v1 =	vld.idx.msk [tilespmem:v0+s19+$0x0], $0xffff;
	_ =	sdelay $0x4  }
0x1f5: {  	s20 =	simm.s32 $0x9400;
	[tilespmem:s10+$0x14C00] =	vst v1  }
0x1f6: {  	v1 =	vld.idx.msk [tilespmem:v0+s20+$0x0], $0xffff;
	_ =	sdelay $0x4  }
0x1f7: {  	s21 =	simm.s32 $0x9800;
	[tilespmem:s10+$0x14E00] =	vst v1  }
0x1f8: {  	v1 =	vld.idx.msk [tilespmem:v0+s21+$0x0], $0xffff;
	_ =	sdelay $0x4  }
0x1f9: {  	s22 =	simm.s32 $0x9C00;
	[tilespmem:s10+$0x15000] =	vst v1  }
0x1fa: {  	v1 =	vld.idx.msk [tilespmem:v0+s22+$0x0], $0xffff;
	_ =	sdelay $0x4  }
0x1fb: {  	s23 =	simm.s32 $0xA000;
	[tilespmem:s10+$0x15200] =	vst v1  }
0x1fc: {  	v1 =	vld.idx.msk [tilespmem:v0+s23+$0x0], $0xffff;
	_ =	sdelay $0x4  }
0x1fd: {  	s1 =	simm.s32 $0xA400;
	[tilespmem:s10+$0x15400] =	vst v1  }
0x1fe: {  	v1 =	vld.idx.msk [tilespmem:v0+s1+$0x0], $0xffff;
	_ =	sdelay $0x4  }
0x1ff: {  	s2 =	simm.s32 $0xA800;
	[tilespmem:s10+$0x15600] =	vst v1  }
0x200: {  	v1 =	vld.idx.msk [tilespmem:v0+s2+$0x0], $0xffff;
	_ =	sdelay $0x4  }
0x201: {  	s3 =	simm.s32 $0xAC00;
	[tilespmem:s10+$0x15800] =	vst v1  }
0x202: {  	v1 =	vld.idx.msk [tilespmem:v0+s3+$0x0], $0xffff;
	_ =	sdelay $0x4  }
0x203: {  	s4 =	simm.s32 $0xB000;
	[tilespmem:s10+$0x15A00] =	vst v1  }
0x204: {  	v1 =	vld.idx.msk [tilespmem:v0+s4+$0x0], $0xffff;
	_ =	sdelay $0x4  }
0x205: {  	s5 =	simm.s32 $0xB400;
	[tilespmem:s10+$0x15C00] =	vst v1  }
0x206: {  	v1 =	vld.idx.msk [tilespmem:v0+s5+$0x0], $0xffff;
	_ =	sdelay $0x4  }
0x207: {  	s6 =	simm.s32 $0xB800;
	[tilespmem:s10+$0x15E00] =	vst v1  }
0x208: {  	v1 =	vld.idx.msk [tilespmem:v0+s6+$0x0], $0xffff;
	_ =	sdelay $0x4  }
0x209: {  	s7 =	simm.s32 $0xBC00;
	[tilespmem:s10+$0x16000] =	vst v1  }
0x20a: {  	v1 =	vld.idx.msk [tilespmem:v0+s7+$0x0], $0xffff;
	_ =	sdelay $0x4  }
0x20b: {  	s8 =	simm.s32 $0xC000;
	[tilespmem:s10+$0x16200] =	vst v1  }
0x20c: {  	v1 =	vld.idx.msk [tilespmem:v0+s8+$0x0], $0xffff;
	_ =	sdelay $0x4  }
0x20d: {  	s11 =	simm.s32 $0xC400;
	[tilespmem:s10+$0x16400] =	vst v1  }
0x20e: {  	v1 =	vld.idx.msk [tilespmem:v0+s11+$0x0], $0xffff;
	_ =	sdelay $0x4  }
0x20f: {  	s12 =	simm.s32 $0xC800;
	[tilespmem:s10+$0x16600] =	vst v1  }
0x210: {  	v1 =	vld.idx.msk [tilespmem:v0+s12+$0x0], $0xffff;
	_ =	sdelay $0x4  }
0x211: {  	s13 =	simm.s32 $0xCC00;
	[tilespmem:s10+$0x16800] =	vst v1  }
0x212: {  	v1 =	vld.idx.msk [tilespmem:v0+s13+$0x0], $0xffff;
	_ =	sdelay $0x4  }
0x213: {  	s14 =	simm.s32 $0xD000;
	[tilespmem:s10+$0x16A00] =	vst v1  }
0x214: {  	v1 =	vld.idx.msk [tilespmem:v0+s14+$0x0], $0xffff;
	_ =	sdelay $0x4  }
0x215: {  	s16 =	simm.s32 $0xD400;
	[tilespmem:s10+$0x16C00] =	vst v1  }
0x216: {  	v1 =	vld.idx.msk [tilespmem:v0+s16+$0x0], $0xffff;
	_ =	sdelay $0x4  }
0x217: {  	s17 =	simm.s32 $0xD800;
	[tilespmem:s10+$0x16E00] =	vst v1  }
0x218: {  	v1 =	vld.idx.msk [tilespmem:v0+s17+$0x0], $0xffff;
	_ =	sdelay $0x4  }
0x219: {  	s18 =	simm.s32 $0xDC00;
	[tilespmem:s10+$0x17000] =	vst v1  }
0x21a: {  	v1 =	vld.idx.msk [tilespmem:v0+s18+$0x0], $0xffff;
	_ =	sdelay $0x4  }
0x21b: {  	s19 =	simm.s32 $0xE000;
	[tilespmem:s10+$0x17200] =	vst v1  }
0x21c: {  	v1 =	vld.idx.msk [tilespmem:v0+s19+$0x0], $0xffff;
	_ =	sdelay $0x4  }
0x21d: {  	s20 =	simm.s32 $0xE400;
	[tilespmem:s10+$0x17400] =	vst v1  }
0x21e: {  	v1 =	vld.idx.msk [tilespmem:v0+s20+$0x0], $0xffff;
	_ =	sdelay $0x4  }
0x21f: {  	s21 =	simm.s32 $0xE800;
	[tilespmem:s10+$0x17600] =	vst v1  }
0x220: {  	v1 =	vld.idx.msk [tilespmem:v0+s21+$0x0], $0xffff;
	_ =	sdelay $0x4  }
0x221: {  	s22 =	simm.s32 $0xEC00;
	[tilespmem:s10+$0x17800] =	vst v1  }
0x222: {  	v1 =	vld.idx.msk [tilespmem:v0+s22+$0x0], $0xffff;
	_ =	sdelay $0x4  }
0x223: {  	s23 =	simm.s32 $0xF000;
	[tilespmem:s10+$0x17A00] =	vst v1  }
0x224: {  	v1 =	vld.idx.msk [tilespmem:v0+s23+$0x0], $0xffff;
	_ =	sdelay $0x4  }
0x225: {  	s13 =	simm.s32 $0xF400;
	[tilespmem:s10+$0x17C00] =	vst v1  }
0x226: {  	v1 =	vld.idx.msk [tilespmem:v0+s13+$0x0], $0xffff  }
0x227: {  	s0 =	simm.s32 $0xB000;
	s24 =	simm.s32 $0x9400;
	s25 =	simm.s32 $0x9800  }
0x228: {  	s26 =	simm.s32 $0x9C00;
	s28 =	simm.s32 $0xA000;
	s29 =	simm.s32 $0xA400  }
0x229: {  	s30 =	simm.s32 $0xA800;
	s31 =	simm.s32 $0xAC00;
	s9 =	simm.s32 $0xB800  }
0x22a: {  	s15 =	simm.s32 $0x9000;
	s1 =	simm.s32 $0xB400;
	s2 =	simm.s32 $0xD400  }
0x22b: {  	s3 =	simm.s32 $0xBC00;
	s4 =	simm.s32 $0xCC00;
	s14 =	simm.s32 $0xF800;
	[tilespmem:s10+$0x17E00] =	vst v1  }
0x22c: {  	s5 =	simm.s32 $0xC000;
	s6 =	simm.s32 $0xC400;
	s7 =	simm.s32 $0xC800;
	v2 =	vld.idx.msk [tilespmem:v0+s14+$0x0], $0xffff  }
0x22d: {  	s8 =	simm.s32 $0xD000;
	s11 =	simm.s32 $0xD800;
	s12 =	simm.s32 $0x80  }
0x22e: {  	s16 =	simm.s32 $0xDC00;
	s17 =	simm.s32 $0xE000;
	s18 =	simm.s32 $0xE400  }
0x22f: {  	s19 =	simm.s32 $0xE800;
	s20 =	simm.s32 $0xEC00;
	s21 =	simm.s32 $0xF000  }
0x230: {  	s22 =	simm.s32 $0xF400;
	s23 =	simm.s32 $0xF800;
	s13 =	simm.s32 $0x10  }
.LBB2_4:
0x231: {  	p0 =	sne.s32 s12, $0x7C0;
	v1 =	vld [tilespmem:s13+$0x10200];
	[tilespmem:s10+$0x18000] =	vst v2;
	s14 =	simm.s32 $0xFC00  }
0x232: {  	v2 =	vld.idx.msk [tilespmem:v0+s14+$0x0], $0xffff;
	_ =	sdelay $0x3  }
0x233: {  	v0 =	vmov v1;
	_ =	sdelay $0x1  }
0x234: {  	[tilespmem:s10+$0x18200] =	vst v2;
	s10 =	smov.u32 s13;
	s13 =	simm.s32 $0x0  }
0x235: {  	v1 =	vld.idx.msk [tilespmem:v1+s13+$0x0], $0xffff;
	_ =	sdelay $0x5  }
0x236: {  	s13 =	simm.s32 $0x400;
	[tilespmem:s10+$0x10400] =	vst v1  }
0x237: {  	v1 =	vld.idx.msk [tilespmem:v0+s13+$0x0], $0xffff;
	_ =	sdelay $0x5  }
0x238: {  	s13 =	simm.s32 $0x800;
	[tilespmem:s10+$0x10600] =	vst v1  }
0x239: {  	v1 =	vld.idx.msk [tilespmem:v0+s13+$0x0], $0xffff;
	_ =	sdelay $0x5  }
0x23a: {  	s13 =	simm.s32 $0xC00;
	[tilespmem:s10+$0x10800] =	vst v1  }
0x23b: {  	v1 =	vld.idx.msk [tilespmem:v0+s13+$0x0], $0xffff;
	_ =	sdelay $0x5  }
0x23c: {  	s13 =	simm.s32 $0x1000;
	[tilespmem:s10+$0x10A00] =	vst v1  }
0x23d: {  	v1 =	vld.idx.msk [tilespmem:v0+s13+$0x0], $0xffff;
	_ =	sdelay $0x5  }
0x23e: {  	s13 =	simm.s32 $0x1400;
	[tilespmem:s10+$0x10C00] =	vst v1  }
0x23f: {  	v1 =	vld.idx.msk [tilespmem:v0+s13+$0x0], $0xffff;
	_ =	sdelay $0x5  }
0x240: {  	s13 =	simm.s32 $0x1800;
	[tilespmem:s10+$0x10E00] =	vst v1  }
0x241: {  	v1 =	vld.idx.msk [tilespmem:v0+s13+$0x0], $0xffff;
	_ =	sdelay $0x5  }
0x242: {  	s13 =	simm.s32 $0x1C00;
	[tilespmem:s10+$0x11000] =	vst v1  }
0x243: {  	v1 =	vld.idx.msk [tilespmem:v0+s13+$0x0], $0xffff;
	_ =	sdelay $0x5  }
0x244: {  	s13 =	simm.s32 $0x2000;
	[tilespmem:s10+$0x11200] =	vst v1  }
0x245: {  	v1 =	vld.idx.msk [tilespmem:v0+s13+$0x0], $0xffff;
	_ =	sdelay $0x5  }
0x246: {  	s13 =	simm.s32 $0x2400;
	[tilespmem:s10+$0x11400] =	vst v1  }
0x247: {  	v1 =	vld.idx.msk [tilespmem:v0+s13+$0x0], $0xffff;
	_ =	sdelay $0x5  }
0x248: {  	s13 =	simm.s32 $0x2800;
	[tilespmem:s10+$0x11600] =	vst v1  }
0x249: {  	v1 =	vld.idx.msk [tilespmem:v0+s13+$0x0], $0xffff;
	_ =	sdelay $0x5  }
0x24a: {  	s13 =	simm.s32 $0x2C00;
	[tilespmem:s10+$0x11800] =	vst v1  }
0x24b: {  	v1 =	vld.idx.msk [tilespmem:v0+s13+$0x0], $0xffff;
	_ =	sdelay $0x5  }
0x24c: {  	s13 =	simm.s32 $0x3000;
	[tilespmem:s10+$0x11A00] =	vst v1  }
0x24d: {  	v1 =	vld.idx.msk [tilespmem:v0+s13+$0x0], $0xffff;
	_ =	sdelay $0x5  }
0x24e: {  	s13 =	simm.s32 $0x3400;
	[tilespmem:s10+$0x11C00] =	vst v1  }
0x24f: {  	v1 =	vld.idx.msk [tilespmem:v0+s13+$0x0], $0xffff;
	_ =	sdelay $0x5  }
0x250: {  	s13 =	simm.s32 $0x3800;
	[tilespmem:s10+$0x11E00] =	vst v1  }
0x251: {  	v1 =	vld.idx.msk [tilespmem:v0+s13+$0x0], $0xffff;
	_ =	sdelay $0x5  }
0x252: {  	s13 =	simm.s32 $0x3C00;
	[tilespmem:s10+$0x12000] =	vst v1  }
0x253: {  	v1 =	vld.idx.msk [tilespmem:v0+s13+$0x0], $0xffff;
	_ =	sdelay $0x5  }
0x254: {  	s13 =	simm.s32 $0x4000;
	[tilespmem:s10+$0x12200] =	vst v1  }
0x255: {  	v1 =	vld.idx.msk [tilespmem:v0+s13+$0x0], $0xffff;
	_ =	sdelay $0x5  }
0x256: {  	s13 =	simm.s32 $0x4400;
	[tilespmem:s10+$0x12400] =	vst v1  }
0x257: {  	v1 =	vld.idx.msk [tilespmem:v0+s13+$0x0], $0xffff;
	_ =	sdelay $0x5  }
0x258: {  	s13 =	simm.s32 $0x4800;
	[tilespmem:s10+$0x12600] =	vst v1  }
0x259: {  	v1 =	vld.idx.msk [tilespmem:v0+s13+$0x0], $0xffff;
	_ =	sdelay $0x5  }
0x25a: {  	s13 =	simm.s32 $0x4C00;
	[tilespmem:s10+$0x12800] =	vst v1  }
0x25b: {  	v1 =	vld.idx.msk [tilespmem:v0+s13+$0x0], $0xffff;
	_ =	sdelay $0x5  }
0x25c: {  	s13 =	simm.s32 $0x5000;
	[tilespmem:s10+$0x12A00] =	vst v1  }
0x25d: {  	v1 =	vld.idx.msk [tilespmem:v0+s13+$0x0], $0xffff;
	_ =	sdelay $0x5  }
0x25e: {  	s13 =	simm.s32 $0x5400;
	[tilespmem:s10+$0x12C00] =	vst v1  }
0x25f: {  	v1 =	vld.idx.msk [tilespmem:v0+s13+$0x0], $0xffff;
	_ =	sdelay $0x5  }
0x260: {  	s13 =	simm.s32 $0x5800;
	[tilespmem:s10+$0x12E00] =	vst v1  }
0x261: {  	v1 =	vld.idx.msk [tilespmem:v0+s13+$0x0], $0xffff;
	_ =	sdelay $0x5  }
0x262: {  	s13 =	simm.s32 $0x5C00;
	[tilespmem:s10+$0x13000] =	vst v1  }
0x263: {  	v1 =	vld.idx.msk [tilespmem:v0+s13+$0x0], $0xffff;
	_ =	sdelay $0x5  }
0x264: {  	s13 =	simm.s32 $0x6000;
	[tilespmem:s10+$0x13200] =	vst v1  }
0x265: {  	v1 =	vld.idx.msk [tilespmem:v0+s13+$0x0], $0xffff;
	_ =	sdelay $0x5  }
0x266: {  	s13 =	simm.s32 $0x6400;
	[tilespmem:s10+$0x13400] =	vst v1  }
0x267: {  	v1 =	vld.idx.msk [tilespmem:v0+s13+$0x0], $0xffff;
	_ =	sdelay $0x5  }
0x268: {  	s13 =	simm.s32 $0x6800;
	[tilespmem:s10+$0x13600] =	vst v1  }
0x269: {  	v1 =	vld.idx.msk [tilespmem:v0+s13+$0x0], $0xffff;
	_ =	sdelay $0x5  }
0x26a: {  	s13 =	simm.s32 $0x6C00;
	[tilespmem:s10+$0x13800] =	vst v1  }
0x26b: {  	v1 =	vld.idx.msk [tilespmem:v0+s13+$0x0], $0xffff;
	_ =	sdelay $0x5  }
0x26c: {  	s13 =	simm.s32 $0x7000;
	[tilespmem:s10+$0x13A00] =	vst v1  }
0x26d: {  	v1 =	vld.idx.msk [tilespmem:v0+s13+$0x0], $0xffff;
	_ =	sdelay $0x5  }
0x26e: {  	s13 =	simm.s32 $0x7400;
	[tilespmem:s10+$0x13C00] =	vst v1  }
0x26f: {  	v1 =	vld.idx.msk [tilespmem:v0+s13+$0x0], $0xffff;
	_ =	sdelay $0x5  }
0x270: {  	s13 =	simm.s32 $0x7800;
	[tilespmem:s10+$0x13E00] =	vst v1  }
0x271: {  	v1 =	vld.idx.msk [tilespmem:v0+s13+$0x0], $0xffff;
	_ =	sdelay $0x5  }
0x272: {  	s13 =	simm.s32 $0x7C00;
	[tilespmem:s10+$0x14000] =	vst v1  }
0x273: {  	v1 =	vld.idx.msk [tilespmem:v0+s13+$0x0], $0xffff;
	_ =	sdelay $0x5  }
0x274: {  	s13 =	simm.s32 $0x8000;
	[tilespmem:s10+$0x14200] =	vst v1  }
0x275: {  	v1 =	vld.idx.msk [tilespmem:v0+s13+$0x0], $0xffff;
	_ =	sdelay $0x5  }
0x276: {  	s13 =	simm.s32 $0x8400;
	[tilespmem:s10+$0x14400] =	vst v1  }
0x277: {  	v1 =	vld.idx.msk [tilespmem:v0+s13+$0x0], $0xffff;
	_ =	sdelay $0x5  }
0x278: {  	s13 =	simm.s32 $0x8800;
	[tilespmem:s10+$0x14600] =	vst v1  }
0x279: {  	v1 =	vld.idx.msk [tilespmem:v0+s13+$0x0], $0xffff;
	_ =	sdelay $0x5  }
0x27a: {  	s13 =	simm.s32 $0x8C00;
	[tilespmem:s10+$0x14800] =	vst v1  }
0x27b: {  	v1 =	vld.idx.msk [tilespmem:v0+s13+$0x0], $0xffff;
	_ =	sdelay $0x5  }
0x27c: {  	[tilespmem:s10+$0x14A00] =	vst v1  }
0x27d: {  	v1 =	vld.idx.msk [tilespmem:v0+s15+$0x0], $0xffff;
	_ =	sdelay $0x5  }
0x27e: {  	[tilespmem:s10+$0x14C00] =	vst v1  }
0x27f: {  	v1 =	vld.idx.msk [tilespmem:v0+s24+$0x0], $0xffff;
	_ =	sdelay $0x5  }
0x280: {  	[tilespmem:s10+$0x14E00] =	vst v1  }
0x281: {  	v1 =	vld.idx.msk [tilespmem:v0+s25+$0x0], $0xffff;
	_ =	sdelay $0x5  }
0x282: {  	[tilespmem:s10+$0x15000] =	vst v1  }
0x283: {  	v1 =	vld.idx.msk [tilespmem:v0+s26+$0x0], $0xffff;
	_ =	sdelay $0x5  }
0x284: {  	[tilespmem:s10+$0x15200] =	vst v1  }
0x285: {  	v1 =	vld.idx.msk [tilespmem:v0+s28+$0x0], $0xffff;
	_ =	sdelay $0x5  }
0x286: {  	[tilespmem:s10+$0x15400] =	vst v1  }
0x287: {  	v1 =	vld.idx.msk [tilespmem:v0+s29+$0x0], $0xffff;
	_ =	sdelay $0x5  }
0x288: {  	[tilespmem:s10+$0x15600] =	vst v1  }
0x289: {  	v1 =	vld.idx.msk [tilespmem:v0+s30+$0x0], $0xffff;
	_ =	sdelay $0x5  }
0x28a: {  	[tilespmem:s10+$0x15800] =	vst v1  }
0x28b: {  	v1 =	vld.idx.msk [tilespmem:v0+s31+$0x0], $0xffff;
	_ =	sdelay $0x5  }
0x28c: {  	[tilespmem:s10+$0x15A00] =	vst v1  }
0x28d: {  	v1 =	vld.idx.msk [tilespmem:v0+s0+$0x0], $0xffff;
	_ =	sdelay $0x5  }
0x28e: {  	[tilespmem:s10+$0x15C00] =	vst v1  }
0x28f: {  	v1 =	vld.idx.msk [tilespmem:v0+s1+$0x0], $0xffff;
	_ =	sdelay $0x5  }
0x290: {  	[tilespmem:s10+$0x15E00] =	vst v1  }
0x291: {  	v1 =	vld.idx.msk [tilespmem:v0+s9+$0x0], $0xffff;
	_ =	sdelay $0x5  }
0x292: {  	[tilespmem:s10+$0x16000] =	vst v1  }
0x293: {  	v1 =	vld.idx.msk [tilespmem:v0+s3+$0x0], $0xffff;
	_ =	sdelay $0x5  }
0x294: {  	[tilespmem:s10+$0x16200] =	vst v1  }
0x295: {  	v1 =	vld.idx.msk [tilespmem:v0+s5+$0x0], $0xffff;
	_ =	sdelay $0x5  }
0x296: {  	[tilespmem:s10+$0x16400] =	vst v1  }
0x297: {  	v1 =	vld.idx.msk [tilespmem:v0+s6+$0x0], $0xffff;
	_ =	sdelay $0x5  }
0x298: {  	[tilespmem:s10+$0x16600] =	vst v1  }
0x299: {  	v1 =	vld.idx.msk [tilespmem:v0+s7+$0x0], $0xffff;
	_ =	sdelay $0x5  }
0x29a: {  	[tilespmem:s10+$0x16800] =	vst v1  }
0x29b: {  	v1 =	vld.idx.msk [tilespmem:v0+s4+$0x0], $0xffff;
	_ =	sdelay $0x5  }
0x29c: {  	[tilespmem:s10+$0x16A00] =	vst v1  }
0x29d: {  	v1 =	vld.idx.msk [tilespmem:v0+s8+$0x0], $0xffff;
	_ =	sdelay $0x5  }
0x29e: {  	[tilespmem:s10+$0x16C00] =	vst v1  }
0x29f: {  	v1 =	vld.idx.msk [tilespmem:v0+s2+$0x0], $0xffff;
	_ =	sdelay $0x5  }
0x2a0: {  	[tilespmem:s10+$0x16E00] =	vst v1  }
0x2a1: {  	v1 =	vld.idx.msk [tilespmem:v0+s11+$0x0], $0xffff;
	_ =	sdelay $0x5  }
0x2a2: {  	[tilespmem:s10+$0x17000] =	vst v1  }
0x2a3: {  	v1 =	vld.idx.msk [tilespmem:v0+s16+$0x0], $0xffff;
	_ =	sdelay $0x5  }
0x2a4: {  	[tilespmem:s10+$0x17200] =	vst v1  }
0x2a5: {  	v1 =	vld.idx.msk [tilespmem:v0+s17+$0x0], $0xffff;
	_ =	sdelay $0x5  }
0x2a6: {  	[tilespmem:s10+$0x17400] =	vst v1  }
0x2a7: {  	v1 =	vld.idx.msk [tilespmem:v0+s18+$0x0], $0xffff;
	_ =	sdelay $0x5  }
0x2a8: {  	[tilespmem:s10+$0x17600] =	vst v1  }
0x2a9: {  	v1 =	vld.idx.msk [tilespmem:v0+s19+$0x0], $0xffff;
	_ =	sdelay $0x5  }
0x2aa: {  	[tilespmem:s10+$0x17800] =	vst v1  }
0x2ab: {  	v1 =	vld.idx.msk [tilespmem:v0+s20+$0x0], $0xffff;
	_ =	sdelay $0x5  }
0x2ac: {  	[tilespmem:s10+$0x17A00] =	vst v1  }
0x2ad: {  	v1 =	vld.idx.msk [tilespmem:v0+s21+$0x0], $0xffff;
	_ =	sdelay $0x5  }
0x2ae: {  	[tilespmem:s10+$0x17C00] =	vst v1  }
0x2af: {  	v1 =	vld.idx.msk [tilespmem:v0+s22+$0x0], $0xffff;
	_ =	sdelay $0x5  }
0x2b0: {  	[tilespmem:s10+$0x17E00] =	vst v1  }
0x2b1: {  	v2 =	vld.idx.msk [tilespmem:v0+s23+$0x0], $0xffff  }
.Ltmp1:
0x2b2: {  	(pc) =	sbr.rel @p0 .LBB2_4-.Ltmp1, $2  }
0x2b3: {  	_ =	sdelay $0x2  }
0x2b4: {  	s13 =	sshra.s32 s12, $0x2;
	s12 =	sadd.s32 $0x40, s12  }
0x2b5: {  	_ =	sdelay $0x1  }
0x2b6: {  	v1 =	vld [tilespmem:s13+$0x10200]  }
0x2b7: {  	[tilespmem:s10+$0x18000] =	vst v2;
	s14 =	simm.s32 $0xFC00  }
0x2b8: {  	v0 =	vld.idx.msk [tilespmem:v0+s14+$0x0], $0xffff;
	_ =	sdelay $0x4  }
0x2b9: {  	s12 =	simm.s32 $0x0;
	[tilespmem:s10+$0x18200] =	vst v0  }
0x2ba: {  	v0 =	vld.idx.msk [tilespmem:v1+s12+$0x0], $0xffff;
	_ =	sdelay $0x4  }
0x2bb: {  	s12 =	simm.s32 $0x400;
	[tilespmem:s13+$0x10400] =	vst v0  }
0x2bc: {  	v0 =	vld.idx.msk [tilespmem:v1+s12+$0x0], $0xffff;
	_ =	sdelay $0x4  }
0x2bd: {  	s10 =	simm.s32 $0x800;
	[tilespmem:s13+$0x10600] =	vst v0  }
0x2be: {  	v0 =	vld.idx.msk [tilespmem:v1+s10+$0x0], $0xffff;
	_ =	sdelay $0x4  }
0x2bf: {  	s10 =	simm.s32 $0xC00;
	[tilespmem:s13+$0x10800] =	vst v0  }
0x2c0: {  	v0 =	vld.idx.msk [tilespmem:v1+s10+$0x0], $0xffff;
	_ =	sdelay $0x4  }
0x2c1: {  	s10 =	simm.s32 $0x1000;
	[tilespmem:s13+$0x10A00] =	vst v0  }
0x2c2: {  	v0 =	vld.idx.msk [tilespmem:v1+s10+$0x0], $0xffff;
	_ =	sdelay $0x4  }
0x2c3: {  	s10 =	simm.s32 $0x1400;
	[tilespmem:s13+$0x10C00] =	vst v0  }
0x2c4: {  	v0 =	vld.idx.msk [tilespmem:v1+s10+$0x0], $0xffff;
	_ =	sdelay $0x4  }
0x2c5: {  	s10 =	simm.s32 $0x1800;
	[tilespmem:s13+$0x10E00] =	vst v0  }
0x2c6: {  	v0 =	vld.idx.msk [tilespmem:v1+s10+$0x0], $0xffff;
	_ =	sdelay $0x4  }
0x2c7: {  	s10 =	simm.s32 $0x1C00;
	[tilespmem:s13+$0x11000] =	vst v0  }
0x2c8: {  	v0 =	vld.idx.msk [tilespmem:v1+s10+$0x0], $0xffff;
	_ =	sdelay $0x4  }
0x2c9: {  	s10 =	simm.s32 $0x2000;
	[tilespmem:s13+$0x11200] =	vst v0  }
0x2ca: {  	v0 =	vld.idx.msk [tilespmem:v1+s10+$0x0], $0xffff;
	_ =	sdelay $0x4  }
0x2cb: {  	s10 =	simm.s32 $0x2400;
	[tilespmem:s13+$0x11400] =	vst v0  }
0x2cc: {  	v0 =	vld.idx.msk [tilespmem:v1+s10+$0x0], $0xffff;
	_ =	sdelay $0x4  }
0x2cd: {  	s10 =	simm.s32 $0x2800;
	[tilespmem:s13+$0x11600] =	vst v0  }
0x2ce: {  	v0 =	vld.idx.msk [tilespmem:v1+s10+$0x0], $0xffff;
	_ =	sdelay $0x4  }
0x2cf: {  	s10 =	simm.s32 $0x2C00;
	[tilespmem:s13+$0x11800] =	vst v0  }
0x2d0: {  	v0 =	vld.idx.msk [tilespmem:v1+s10+$0x0], $0xffff;
	_ =	sdelay $0x4  }
0x2d1: {  	s10 =	simm.s32 $0x3000;
	[tilespmem:s13+$0x11A00] =	vst v0  }
0x2d2: {  	v0 =	vld.idx.msk [tilespmem:v1+s10+$0x0], $0xffff;
	_ =	sdelay $0x4  }
0x2d3: {  	s10 =	simm.s32 $0x3400;
	[tilespmem:s13+$0x11C00] =	vst v0  }
0x2d4: {  	v0 =	vld.idx.msk [tilespmem:v1+s10+$0x0], $0xffff;
	_ =	sdelay $0x4  }
0x2d5: {  	s10 =	simm.s32 $0x3800;
	[tilespmem:s13+$0x11E00] =	vst v0  }
0x2d6: {  	v0 =	vld.idx.msk [tilespmem:v1+s10+$0x0], $0xffff;
	_ =	sdelay $0x4  }
0x2d7: {  	s10 =	simm.s32 $0x3C00;
	[tilespmem:s13+$0x12000] =	vst v0  }
0x2d8: {  	v0 =	vld.idx.msk [tilespmem:v1+s10+$0x0], $0xffff;
	_ =	sdelay $0x4  }
0x2d9: {  	s10 =	simm.s32 $0x4000;
	[tilespmem:s13+$0x12200] =	vst v0  }
0x2da: {  	v0 =	vld.idx.msk [tilespmem:v1+s10+$0x0], $0xffff;
	_ =	sdelay $0x4  }
0x2db: {  	s10 =	simm.s32 $0x4400;
	[tilespmem:s13+$0x12400] =	vst v0  }
0x2dc: {  	v0 =	vld.idx.msk [tilespmem:v1+s10+$0x0], $0xffff;
	_ =	sdelay $0x4  }
0x2dd: {  	s10 =	simm.s32 $0x4800;
	[tilespmem:s13+$0x12600] =	vst v0  }
0x2de: {  	v0 =	vld.idx.msk [tilespmem:v1+s10+$0x0], $0xffff;
	_ =	sdelay $0x4  }
0x2df: {  	s10 =	simm.s32 $0x4C00;
	[tilespmem:s13+$0x12800] =	vst v0  }
0x2e0: {  	v0 =	vld.idx.msk [tilespmem:v1+s10+$0x0], $0xffff;
	_ =	sdelay $0x4  }
0x2e1: {  	s10 =	simm.s32 $0x5000;
	[tilespmem:s13+$0x12A00] =	vst v0  }
0x2e2: {  	v0 =	vld.idx.msk [tilespmem:v1+s10+$0x0], $0xffff;
	_ =	sdelay $0x4  }
0x2e3: {  	s10 =	simm.s32 $0x5400;
	[tilespmem:s13+$0x12C00] =	vst v0  }
0x2e4: {  	v0 =	vld.idx.msk [tilespmem:v1+s10+$0x0], $0xffff;
	_ =	sdelay $0x4  }
0x2e5: {  	s10 =	simm.s32 $0x5800;
	[tilespmem:s13+$0x12E00] =	vst v0  }
0x2e6: {  	v0 =	vld.idx.msk [tilespmem:v1+s10+$0x0], $0xffff;
	_ =	sdelay $0x4  }
0x2e7: {  	s10 =	simm.s32 $0x5C00;
	[tilespmem:s13+$0x13000] =	vst v0  }
0x2e8: {  	v0 =	vld.idx.msk [tilespmem:v1+s10+$0x0], $0xffff;
	_ =	sdelay $0x4  }
0x2e9: {  	s10 =	simm.s32 $0x6000;
	[tilespmem:s13+$0x13200] =	vst v0  }
0x2ea: {  	v0 =	vld.idx.msk [tilespmem:v1+s10+$0x0], $0xffff;
	_ =	sdelay $0x4  }
0x2eb: {  	s10 =	simm.s32 $0x6400;
	[tilespmem:s13+$0x13400] =	vst v0  }
0x2ec: {  	v0 =	vld.idx.msk [tilespmem:v1+s10+$0x0], $0xffff;
	_ =	sdelay $0x4  }
0x2ed: {  	s10 =	simm.s32 $0x6800;
	[tilespmem:s13+$0x13600] =	vst v0  }
0x2ee: {  	v0 =	vld.idx.msk [tilespmem:v1+s10+$0x0], $0xffff;
	_ =	sdelay $0x4  }
0x2ef: {  	s10 =	simm.s32 $0x6C00;
	[tilespmem:s13+$0x13800] =	vst v0  }
0x2f0: {  	v0 =	vld.idx.msk [tilespmem:v1+s10+$0x0], $0xffff;
	_ =	sdelay $0x4  }
0x2f1: {  	s10 =	simm.s32 $0x7000;
	[tilespmem:s13+$0x13A00] =	vst v0  }
0x2f2: {  	v0 =	vld.idx.msk [tilespmem:v1+s10+$0x0], $0xffff;
	_ =	sdelay $0x4  }
0x2f3: {  	s10 =	simm.s32 $0x7400;
	[tilespmem:s13+$0x13C00] =	vst v0  }
0x2f4: {  	v0 =	vld.idx.msk [tilespmem:v1+s10+$0x0], $0xffff;
	_ =	sdelay $0x4  }
0x2f5: {  	s10 =	simm.s32 $0x7800;
	[tilespmem:s13+$0x13E00] =	vst v0  }
0x2f6: {  	v0 =	vld.idx.msk [tilespmem:v1+s10+$0x0], $0xffff;
	_ =	sdelay $0x4  }
0x2f7: {  	s10 =	simm.s32 $0x7C00;
	[tilespmem:s13+$0x14000] =	vst v0  }
0x2f8: {  	v0 =	vld.idx.msk [tilespmem:v1+s10+$0x0], $0xffff;
	_ =	sdelay $0x4  }
0x2f9: {  	s10 =	simm.s32 $0x8000;
	[tilespmem:s13+$0x14200] =	vst v0  }
0x2fa: {  	v0 =	vld.idx.msk [tilespmem:v1+s10+$0x0], $0xffff;
	_ =	sdelay $0x4  }
0x2fb: {  	s10 =	simm.s32 $0x8400;
	[tilespmem:s13+$0x14400] =	vst v0  }
0x2fc: {  	v0 =	vld.idx.msk [tilespmem:v1+s10+$0x0], $0xffff;
	_ =	sdelay $0x4  }
0x2fd: {  	s10 =	simm.s32 $0x8800;
	[tilespmem:s13+$0x14600] =	vst v0  }
0x2fe: {  	v0 =	vld.idx.msk [tilespmem:v1+s10+$0x0], $0xffff;
	_ =	sdelay $0x4  }
0x2ff: {  	s10 =	simm.s32 $0x8C00;
	[tilespmem:s13+$0x14800] =	vst v0  }
0x300: {  	v0 =	vld.idx.msk [tilespmem:v1+s10+$0x0], $0xffff;
	_ =	sdelay $0x4  }
0x301: {  	[tilespmem:s13+$0x14A00] =	vst v0  }
0x302: {  	v0 =	vld.idx.msk [tilespmem:v1+s15+$0x0], $0xffff;
	_ =	sdelay $0x4  }
0x303: {  	[tilespmem:s13+$0x14C00] =	vst v0  }
0x304: {  	v0 =	vld.idx.msk [tilespmem:v1+s24+$0x0], $0xffff;
	_ =	sdelay $0x4  }
0x305: {  	[tilespmem:s13+$0x14E00] =	vst v0  }
0x306: {  	v0 =	vld.idx.msk [tilespmem:v1+s25+$0x0], $0xffff;
	_ =	sdelay $0x4  }
0x307: {  	[tilespmem:s13+$0x15000] =	vst v0  }
0x308: {  	v0 =	vld.idx.msk [tilespmem:v1+s26+$0x0], $0xffff;
	_ =	sdelay $0x4  }
0x309: {  	[tilespmem:s13+$0x15200] =	vst v0  }
0x30a: {  	v0 =	vld.idx.msk [tilespmem:v1+s28+$0x0], $0xffff;
	_ =	sdelay $0x4  }
0x30b: {  	[tilespmem:s13+$0x15400] =	vst v0  }
0x30c: {  	v0 =	vld.idx.msk [tilespmem:v1+s29+$0x0], $0xffff;
	_ =	sdelay $0x4  }
0x30d: {  	[tilespmem:s13+$0x15600] =	vst v0  }
0x30e: {  	v0 =	vld.idx.msk [tilespmem:v1+s30+$0x0], $0xffff;
	_ =	sdelay $0x4  }
0x30f: {  	[tilespmem:s13+$0x15800] =	vst v0  }
0x310: {  	v0 =	vld.idx.msk [tilespmem:v1+s31+$0x0], $0xffff;
	_ =	sdelay $0x4  }
0x311: {  	[tilespmem:s13+$0x15A00] =	vst v0  }
0x312: {  	v0 =	vld.idx.msk [tilespmem:v1+s0+$0x0], $0xffff;
	_ =	sdelay $0x4  }
0x313: {  	[tilespmem:s13+$0x15C00] =	vst v0  }
0x314: {  	v0 =	vld.idx.msk [tilespmem:v1+s1+$0x0], $0xffff;
	_ =	sdelay $0x4  }
0x315: {  	[tilespmem:s13+$0x15E00] =	vst v0  }
0x316: {  	v0 =	vld.idx.msk [tilespmem:v1+s9+$0x0], $0xffff;
	_ =	sdelay $0x4  }
0x317: {  	[tilespmem:s13+$0x16000] =	vst v0  }
0x318: {  	v0 =	vld.idx.msk [tilespmem:v1+s3+$0x0], $0xffff;
	_ =	sdelay $0x4  }
0x319: {  	[tilespmem:s13+$0x16200] =	vst v0  }
0x31a: {  	v0 =	vld.idx.msk [tilespmem:v1+s5+$0x0], $0xffff;
	_ =	sdelay $0x4  }
0x31b: {  	[tilespmem:s13+$0x16400] =	vst v0  }
0x31c: {  	v0 =	vld.idx.msk [tilespmem:v1+s6+$0x0], $0xffff;
	_ =	sdelay $0x4  }
0x31d: {  	[tilespmem:s13+$0x16600] =	vst v0  }
0x31e: {  	v0 =	vld.idx.msk [tilespmem:v1+s7+$0x0], $0xffff;
	_ =	sdelay $0x4  }
0x31f: {  	[tilespmem:s13+$0x16800] =	vst v0  }
0x320: {  	v0 =	vld.idx.msk [tilespmem:v1+s4+$0x0], $0xffff;
	_ =	sdelay $0x4  }
0x321: {  	[tilespmem:s13+$0x16A00] =	vst v0  }
0x322: {  	v0 =	vld.idx.msk [tilespmem:v1+s8+$0x0], $0xffff;
	_ =	sdelay $0x4  }
0x323: {  	[tilespmem:s13+$0x16C00] =	vst v0  }
0x324: {  	v0 =	vld.idx.msk [tilespmem:v1+s2+$0x0], $0xffff;
	_ =	sdelay $0x4  }
0x325: {  	[tilespmem:s13+$0x16E00] =	vst v0  }
0x326: {  	v0 =	vld.idx.msk [tilespmem:v1+s11+$0x0], $0xffff;
	_ =	sdelay $0x4  }
0x327: {  	[tilespmem:s13+$0x17000] =	vst v0  }
0x328: {  	v0 =	vld.idx.msk [tilespmem:v1+s16+$0x0], $0xffff;
	_ =	sdelay $0x4  }
0x329: {  	[tilespmem:s13+$0x17200] =	vst v0  }
0x32a: {  	v0 =	vld.idx.msk [tilespmem:v1+s17+$0x0], $0xffff;
	_ =	sdelay $0x4  }
0x32b: {  	[tilespmem:s13+$0x17400] =	vst v0  }
0x32c: {  	v0 =	vld.idx.msk [tilespmem:v1+s18+$0x0], $0xffff;
	_ =	sdelay $0x4  }
0x32d: {  	[tilespmem:s13+$0x17600] =	vst v0  }
0x32e: {  	v0 =	vld.idx.msk [tilespmem:v1+s19+$0x0], $0xffff;
	_ =	sdelay $0x4  }
0x32f: {  	[tilespmem:s13+$0x17800] =	vst v0  }
0x330: {  	v0 =	vld.idx.msk [tilespmem:v1+s20+$0x0], $0xffff;
	_ =	sdelay $0x4  }
0x331: {  	[tilespmem:s13+$0x17A00] =	vst v0  }
0x332: {  	v0 =	vld.idx.msk [tilespmem:v1+s21+$0x0], $0xffff;
	_ =	sdelay $0x4  }
0x333: {  	[tilespmem:s13+$0x17C00] =	vst v0  }
0x334: {  	v0 =	vld.idx.msk [tilespmem:v1+s22+$0x0], $0xffff;
	_ =	sdelay $0x4  }
0x335: {  	[tilespmem:s13+$0x17E00] =	vst v0  }
0x336: {  	v0 =	vld.idx.msk [tilespmem:v1+s23+$0x0], $0xffff;
	_ =	sdelay $0x4  }
0x337: {  	[tilespmem:s13+$0x18000] =	vst v0  }
0x338: {  	v0 =	vld.idx.msk [tilespmem:v1+s14+$0x0], $0xffff;
	_ =	sdelay $0x4  }
0x339: {  	s10 =	rddreg [dreg:$0x6];
	s14 =	simm.s32 $0x10400;
	[tilespmem:s13+$0x18200] =	vst v0;
	s13 =	simm.s32 $0x200  }
0x33a: {  	[hbm4b:s10+s13] =	stream.strided.scatter [tilespmem:s14], [sflag:$0x1], $0x8000, s12, s13, $0x38;
	[tilespmem:$0x18400] =	vst v63  }
0x33b: {  	s13 =	simm.s32 $0x1  }
0x33c: {  	_ =	swait.ge [sflag:s13], $0x8000  }
0x33d: {  	s10 =	rddreg [dreg:$0x8]  }
0x33e: {  	s14 =	rddreg [dreg:$0x7];
	s12 =	sadd.s32 $0x1, s10  }
0x33f: {  	p0 =	sne.s32 s12, s14  }
.Ltmp2:
0x340: {  	_ = 	snop;
	(pc) =	sbr.rel @p0 .LBB2_1-.Ltmp2, $3  }
0x341: {  	_ =	sdelay $0x1  }
0x342: {  	[sflag:s13] =	ssyncset.done $0x0  }
0x343: {  	[sflag:s13] =	ssyncadd.s32 $0xFFFF8000  }
0x344: {  	_ =	sfence.sel $0x180000  }
0x345: {  	[bflag:$0x0] =	sbarrier.arrive $0xFFFF  }
0x346: {  	_ =	strace $0x90000047  }
0x347: {  	s0 =	stileid.u32;
	[bflag:$0x2] =	sbarrier.arrive $0xFFFF  }
0x348: {  	p0 =	sne.s32 s0, $0x0;
	s0 =	rddreg [dreg:$0x2]  }
0x349: {  	s0 =	sadd.s32 @!p0 $0x100000, s0  }
0x34a: {  	[sflag:s0] =	ssyncadd.tile.s32 @!p0 $0x1;
	_ =	shalt  }
.Lfunc_end2:
_tile_overlayer_lowered:
.L_overlay_start_2:
0x34b: {  	(tag) =	ssettag $0x2  }
0x34c: {  	s0 =	rddreg [dreg:$0x0];
	s2 =	stileid.u32  }
0x34d: {  	s1 =	rddreg [dreg:$0x1];
	p0 =	sne.s32 s2, $0x0  }
0x34e: {  	s3 =	rddreg [dreg:$0x2];
	[bflag:$0x3] =	sbarrier.arrive $0xFFFF;
	s2 =	simm.s32 @!p0 $0x1C01  }
0x34f: {  	[timem:s3], [sflag:s2] =	dma.local @!p0 [hbm:s0], s1  }
0x350: {  	s0 =	simm.s32 @!p0 $0x1  }
0x351: {  	_ =	swait.ge @!p0 [sflag:s0], s1  }
0x352: {  	s1 =	ssub.s32 @!p0 $0x0, s1;
	[sflag:s0] =	ssyncset.done @!p0 $0x0  }
0x353: {  	[sflag:s0] =	ssyncadd.s32 @!p0 s1  }
0x354: {  	[bflag:$0x3] =	sbarrier.arrive $0xFFFF  }
0x355: {  	_ =	shalt  }

</sc_bundles>
